<compile_context>
chip_gen: v7x
topology: tpu7x:2x2x1
jax: 0.10.2.dev20260603
libtpu: 0.0.44.dev20260713+nightly
codegen_flags: <defaults>
</compile_context>

<pallas_src>
import functools

import numpy as np

import jax
import jax.numpy as jnp
from jax import lax
from jax.experimental import pallas as pl
from jax.experimental.pallas import tpu as pltpu
from jax.experimental.pallas import tpu_sc as plsc

N_NODES = 10000
N_PAD = 10240
IN_CH = 128
HID = 64
NUM_GRAPHS = 128
N_EDGES = 320000
NW = 32
EPW = 10240
E_PAD = NW * EPW
CH = 128
NCH = EPW // CH
ZROWS = N_PAD // 16
OROWS = N_NODES // 16
BLK = 2000
GRID = N_NODES // BLK

_mesh = plsc.VectorSubcoreMesh(core_axis_name="c", subcore_axis_name="s")

_NPAD_E = E_PAD - N_EDGES
_PAD_SRC = np.asarray((np.arange(_NPAD_E) * 37) % N_NODES, dtype=np.int32)
_PAD_DST = np.asarray(N_NODES + np.arange(_NPAD_E) % (N_PAD - N_NODES),
                      dtype=np.int32)


def _deg_body(dst_hbm, z_hbm, out_hbm, dstb, ones_v, deg_sh, sem):
    c = lax.axis_index("c")
    s = lax.axis_index("s")
    wid = s * 2 + c

    def _ones(i, carry):
        ones_v[pl.ds(pl.multiple_of(i * 16, 16), 16)] = jnp.ones((16,), jnp.float32)
        return carry
    lax.fori_loop(0, CH // 16, _ones, 0)

    pltpu.sync_copy(dst_hbm.at[wid], dstb)
    pltpu.sync_copy(z_hbm, deg_sh.at[pl.ds(s * ZROWS, ZROWS)])
    plsc.subcore_barrier()

    def _fire(j, carry):
        pltpu.async_copy(ones_v, deg_sh.at[dstb.at[j]], sem, add=True)
        return carry
    lax.fori_loop(0, NCH, _fire, 0)

    def _drain(j, carry):
        pltpu.make_async_copy(ones_v, deg_sh.at[dstb.at[j]], sem).wait()
        return carry
    lax.fori_loop(0, NCH, _drain, 0)
    plsc.subcore_barrier()
    pltpu.sync_copy(deg_sh.at[pl.ds(s * ZROWS, ZROWS)],
                    out_hbm.at[pl.ds(c * N_PAD + s * ZROWS, ZROWS)])


_deg_call = pl.kernel(
    _deg_body,
    out_type=jax.ShapeDtypeStruct((2 * N_PAD,), jnp.float32),
    mesh=_mesh,
    scratch_types=[
        pltpu.VMEM((NCH, CH), jnp.int32),
        pltpu.VMEM((CH,), jnp.float32),
        pltpu.VMEM_SHARED((N_PAD,), jnp.float32),
        pltpu.SemaphoreType.DMA,
    ],
)


NBUF = 8
NWAVES = NCH // NBUF


def _msg_body(y_hbm, src_hbm, dst_hbm, z_hbm, out_hbm, srcb, dstb, rows,
              acc_sh, gsems, ssems):
    c = lax.axis_index("c")
    s = lax.axis_index("s")
    wid = s * 2 + c

    pltpu.sync_copy(src_hbm.at[wid], srcb)
    pltpu.sync_copy(dst_hbm.at[wid], dstb)
    pltpu.sync_copy(z_hbm, acc_sh.at[pl.ds(s * ZROWS, ZROWS)])
    plsc.subcore_barrier()

    def gstart(j, b):
        pltpu.async_copy(y_hbm.at[srcb.at[j]], rows.at[b], gsems[b])

    def gwait(j, b):
        pltpu.make_async_copy(y_hbm.at[srcb.at[j]], rows.at[b],
                              gsems[b]).wait()

    def sstart(j, b):
        pltpu.async_copy(rows.at[b], acc_sh.at[dstb.at[j]], ssems[b],
                         add=True)

    def swait(j, b):
        pltpu.make_async_copy(rows.at[b], acc_sh.at[dstb.at[j]],
                              ssems[b]).wait()

    for b in range(NBUF):
        gstart(b, b)

    def _wave(g, carry):
        j0 = g * NBUF
        for b in range(NBUF):
            gwait(j0 + b, b)
            sstart(j0 + b, b)
        for b in range(NBUF):
            swait(j0 + b, b)

            @pl.when(g + 1 < NWAVES)
            def _():
                gstart(j0 + NBUF + b, b)
        return carry
    lax.fori_loop(0, NWAVES, _wave, 0)
    plsc.subcore_barrier()
    pltpu.sync_copy(acc_sh.at[pl.ds(s * ZROWS, ZROWS)],
                    out_hbm.at[c, pl.ds(s * ZROWS, ZROWS)])


_msg_call = pl.kernel(
    _msg_body,
    out_type=jax.ShapeDtypeStruct((2, N_PAD, HID), jnp.float32),
    mesh=_mesh,
    scratch_types=[
        pltpu.VMEM((NCH, CH), jnp.int32),
        pltpu.VMEM((NCH, CH), jnp.int32),
        pltpu.VMEM((NBUF, CH, HID), jnp.float32),
        pltpu.VMEM_SHARED((N_PAD, HID), jnp.float32),
        [pltpu.SemaphoreType.DMA] * NBUF,
        [pltpu.SemaphoreType.DMA] * NBUF,
    ],
    compiler_params=pltpu.CompilerParams(use_tc_tiling_on_sc=False),
)


def _a_body(x_ref, w_ref, y_ref):
    y_ref[...] = jnp.dot(x_ref[...], w_ref[...],
                         preferred_element_type=jnp.float32)


def _dense_a(x, w1):
    return pl.pallas_call(
        _a_body,
        grid=(GRID,),
        in_specs=[
            pl.BlockSpec((BLK, IN_CH), lambda i: (i, 0)),
            pl.BlockSpec((IN_CH, HID), lambda i: (0, 0)),
        ],
        out_specs=pl.BlockSpec((BLK, HID), lambda i: (i, 0)),
        out_shape=jax.ShapeDtypeStruct((N_NODES, HID), jnp.float32),
    )(x, w1)


def _s_body(xw_ref, dinv_ref, y_ref):
    y_ref[...] = xw_ref[...] * dinv_ref[...]


def _dense_s(xw, dinvb):
    return pl.pallas_call(
        _s_body,
        grid=(GRID,),
        in_specs=[
            pl.BlockSpec((BLK, HID), lambda i: (i, 0)),
            pl.BlockSpec((BLK, HID), lambda i: (i, 0)),
        ],
        out_specs=pl.BlockSpec((BLK, HID), lambda i: (i, 0)),
        out_shape=jax.ShapeDtypeStruct((N_NODES, HID), jnp.float32),
    )(xw, dinvb)


def _b_body(acc_ref, y1_ref, dinv_ref, b1_ref, w2_ref, y2_ref):
    dinv = dinv_ref[...]
    h = jnp.maximum(dinv * (acc_ref[0] + acc_ref[1] + y1_ref[...]) + b1_ref[...],
                    0.0)
    y2_ref[...] = jnp.dot(h, w2_ref[...],
                          preferred_element_type=jnp.float32) * dinv


def _dense_b(accp, y1, dinv, b1, w2):
    return pl.pallas_call(
        _b_body,
        grid=(GRID,),
        in_specs=[
            pl.BlockSpec((2, BLK, HID), lambda i: (0, i, 0)),
            pl.BlockSpec((BLK, HID), lambda i: (i, 0)),
            pl.BlockSpec((BLK, HID), lambda i: (i, 0)),
            pl.BlockSpec((1, HID), lambda i: (0, 0)),
            pl.BlockSpec((HID, HID), lambda i: (0, 0)),
        ],
        out_specs=pl.BlockSpec((BLK, HID), lambda i: (i, 0)),
        out_shape=jax.ShapeDtypeStruct((N_NODES, HID), jnp.float32),
    )(accp, y1, dinv, b1, w2)


def _c_body(acc_ref, y2_ref, dinv_ref, b2_ref, bat_ref, wh1_ref, bh1_ref,
            wh2_ref, bh2_ref, out_ref, sums, counts):
    i = pl.program_id(0)

    @pl.when(i == 0)
    def _():
        sums[...] = jnp.zeros_like(sums)
        counts[...] = jnp.zeros_like(counts)

    h = jnp.maximum(
        dinv_ref[...] * (acc_ref[0] + acc_ref[1] + y2_ref[...]) + b2_ref[...],
        0.0)
    onehot = (lax.broadcasted_iota(jnp.int32, (NUM_GRAPHS, BLK), 0)
              == bat_ref[0]).astype(jnp.float32)
    sums[...] += jnp.dot(onehot, h, preferred_element_type=jnp.float32,
                         precision=lax.Precision.HIGHEST)
    counts[...] += jnp.sum(onehot, axis=1, keepdims=True)

    @pl.when(i == pl.num_programs(0) - 1)
    def _():
        hg = sums[...] / jnp.maximum(counts[...], 1.0)
        z = jnp.maximum(
            jnp.dot(hg, wh1_ref[...], preferred_element_type=jnp.float32)
            + bh1_ref[...], 0.0)
        out_ref[...] = (jnp.dot(z, wh2_ref[...],
                                preferred_element_type=jnp.float32)
                        + bh2_ref[...])


def _dense_c(accp, y2, dinv, b2, bat, wh1, bh1, wh2, bh2):
    return pl.pallas_call(
        _c_body,
        grid=(GRID,),
        in_specs=[
            pl.BlockSpec((2, BLK, HID), lambda i: (0, i, 0)),
            pl.BlockSpec((BLK, HID), lambda i: (i, 0)),
            pl.BlockSpec((BLK, HID), lambda i: (i, 0)),
            pl.BlockSpec((1, HID), lambda i: (0, 0)),
            pl.BlockSpec((1, 1, BLK), lambda i: (i, 0, 0)),
            pl.BlockSpec((HID, HID // 2), lambda i: (0, 0)),
            pl.BlockSpec((1, HID // 2), lambda i: (0, 0)),
            pl.BlockSpec((HID // 2, 1), lambda i: (0, 0)),
            pl.BlockSpec((1, 1), lambda i: (0, 0)),
        ],
        out_specs=pl.BlockSpec((NUM_GRAPHS, 1), lambda i: (0, 0)),
        out_shape=jax.ShapeDtypeStruct((NUM_GRAPHS, 1), jnp.float32),
        scratch_shapes=[
            pltpu.VMEM((NUM_GRAPHS, HID), jnp.float32),
            pltpu.VMEM((NUM_GRAPHS, 1), jnp.float32),
        ],
    )(accp, y2, dinv, b2, bat, wh1, bh1, wh2, bh2)


def kernel(x, edge_index, batch, W1, b1, W2, b2, Wh1, bh1, Wh2, bh2):
    ei3 = edge_index.astype(jnp.int32).reshape(2, N_EDGES // CH, CH)
    srcp = jnp.concatenate(
        [ei3[0], _PAD_SRC.reshape(-1, CH)], axis=0).reshape(NW, NCH, CH)
    dstp = jnp.concatenate(
        [ei3[1], _PAD_DST.reshape(-1, CH)], axis=0).reshape(NW, NCH, CH)
    z1 = jnp.zeros((ZROWS,), jnp.float32)
    z2 = jnp.zeros((ZROWS, HID), jnp.float32)

    degp = _deg_call(dstp, z1)
    dinv1d = lax.rsqrt(degp[:N_NODES] + degp[N_PAD:N_PAD + N_NODES] + 1.0)
    dinvb = jnp.broadcast_to(dinv1d[:, None], (N_NODES, HID))
    xw1 = _dense_a(x, W1)
    y1 = _dense_s(xw1, dinvb)
    accp1 = _msg_call(y1, srcp, dstp, z2)
    y2 = _dense_b(accp1, y1, dinvb, b1.reshape(1, HID), W2)
    accp2 = _msg_call(y2, srcp, dstp, z2)
    out = _dense_c(accp2, y2, dinvb, b2.reshape(1, HID),
                   batch.astype(jnp.int32).reshape(GRID, 1, BLK),
                   Wh1, bh1.reshape(1, HID // 2), Wh2, bh2.reshape(1, 1))
    return out[:, 0]

# --- scband reference (transcript-rebuilt; emitter-appended) ---
"""Pipeline reference for scband-gcnregressor-83305185673705 (READ-ONLY COPY).

The authoritative reference and input builder live on the scoring server;
editing this copy changes nothing except your own understanding.
"""

import jax, jax.numpy as jnp
import numpy as np

N_NODES = 10000
N_EDGES = 320000
IN_CH = 128
HID = 64
NUM_GRAPHS = 128


def setup_inputs(seed: int = 0) -> dict:
    key = jax.random.key(seed)
    ks = jax.random.split(key, 12)
    x = jax.random.normal(ks[0], (N_NODES, IN_CH), dtype=jnp.float32)
    edge_index = jax.random.randint(ks[1], (2, N_EDGES), 0, N_NODES, dtype=jnp.int64)
    batch = jnp.sort(jax.random.randint(ks[2], (N_NODES,), 0, NUM_GRAPHS, dtype=jnp.int64))
    # GCNConv layer 1: in 128 -> 64
    W1 = jax.random.normal(ks[3], (IN_CH, HID), dtype=jnp.float32) * (1.0 / np.sqrt(IN_CH))
    b1 = jnp.zeros((HID,), dtype=jnp.float32)
    # GCNConv layer 2: 64 -> 64
    W2 = jax.random.normal(ks[4], (HID, HID), dtype=jnp.float32) * (1.0 / np.sqrt(HID))
    b2 = jnp.zeros((HID,), dtype=jnp.float32)
    # head: Linear(64, 32) -> ReLU -> Linear(32, 1)
    Wh1 = jax.random.normal(ks[5], (HID, HID // 2), dtype=jnp.float32) * (1.0 / np.sqrt(HID))
    bh1 = jnp.zeros((HID // 2,), dtype=jnp.float32)
    Wh2 = jax.random.normal(ks[6], (HID // 2, 1), dtype=jnp.float32) * (1.0 / np.sqrt(HID // 2))
    bh2 = jnp.zeros((1,), dtype=jnp.float32)
    return {"x": x, "edge_index": edge_index, "batch": batch,
            "W1": W1, "b1": b1, "W2": W2, "b2": b2,
            "Wh1": Wh1, "bh1": bh1, "Wh2": Wh2, "bh2": bh2}


def _gcn_conv(x, src, dst, W, b, num_nodes):
    # PyG GCNConv with add_self_loops=True, symmetric normalization
    loop = jnp.arange(num_nodes, dtype=src.dtype)
    s = jnp.concatenate([src, loop])
    d = jnp.concatenate([dst, loop])
    xw = x @ W
    deg = jnp.zeros((num_nodes,), dtype=x.dtype).at[d].add(1.0)
    dinv = jnp.where(deg > 0, jax.lax.rsqrt(deg), 0.0)
    norm = dinv[s] * dinv[d]
    msg = xw[s] * norm[:, None]
    out = jnp.zeros((num_nodes, xw.shape[1]), dtype=x.dtype).at[d].add(msg)
    return out + b


def reference(x, edge_index, batch, W1, b1, W2, b2, Wh1, bh1, Wh2, bh2):
    num_nodes = x.shape[0]
    src = edge_index[0]
    dst = edge_index[1]
    h = _gcn_conv(x, src, dst, W1, b1, num_nodes)
    h = jax.nn.relu(h)
    # dropout is identity at inference (training=False)
    h = _gcn_conv(h, src, dst, W2, b2, num_nodes)
    h = jax.nn.relu(h)
    # global_mean_pool over batch assignment
    sums = jax.ops.segment_sum(h, batch, num_segments=NUM_GRAPHS)
    counts = jax.ops.segment_sum(jnp.ones((num_nodes,), dtype=h.dtype), batch, num_segments=NUM_GRAPHS)
    hg = sums / jnp.clip(counts, 1.0)[:, None]
    # head
    z = jax.nn.relu(hg @ Wh1 + bh1)
    out = z @ Wh2 + bh2
    return jnp.squeeze(out, axis=-1)

if __name__ == "__main__":
    import jax
    _d = setup_inputs()
    print(jax.jit(kernel)(*tuple(_d.values())))

</pallas_src>

<mosaic_0001>
#map = affine_map<(d0, d1) -> (0, 0)>
#map1 = affine_map<(d0, d1) -> (0, 0, 0)>
module attributes {stable_mosaic.version = 14 : i64} {
  func.func @_msg_body(%arg0: i32, %arg1: i32, %arg2: memref<10000x64xf32, #tpu.memory_space<hbm>>, %arg3: memref<32x80x128xi32, #tpu.memory_space<hbm>>, %arg4: memref<32x80x128xi32, #tpu.memory_space<hbm>>, %arg5: memref<640x64xf32, #tpu.memory_space<hbm>>, %arg6: memref<2x10240x64xf32, #tpu.memory_space<hbm>>, %arg7: memref<80x128xi32, #tpu.memory_space<vmem>>, %arg8: memref<80x128xi32, #tpu.memory_space<vmem>>, %arg9: memref<8x128x64xf32, #tpu.memory_space<vmem>>, %arg10: memref<10240x64xf32, #tpu.memory_space<vmem_shared>>, %arg11: memref<!tpu.dma_semaphore, #tpu.memory_space<semaphore_mem>>, %arg12: memref<!tpu.dma_semaphore, #tpu.memory_space<semaphore_mem>>, %arg13: memref<!tpu.dma_semaphore, #tpu.memory_space<semaphore_mem>>, %arg14: memref<!tpu.dma_semaphore, #tpu.memory_space<semaphore_mem>>, %arg15: memref<!tpu.dma_semaphore, #tpu.memory_space<semaphore_mem>>, %arg16: memref<!tpu.dma_semaphore, #tpu.memory_space<semaphore_mem>>, %arg17: memref<!tpu.dma_semaphore, #tpu.memory_space<semaphore_mem>>, %arg18: memref<!tpu.dma_semaphore, #tpu.memory_space<semaphore_mem>>, %arg19: memref<!tpu.dma_semaphore, #tpu.memory_space<semaphore_mem>>, %arg20: memref<!tpu.dma_semaphore, #tpu.memory_space<semaphore_mem>>, %arg21: memref<!tpu.dma_semaphore, #tpu.memory_space<semaphore_mem>>, %arg22: memref<!tpu.dma_semaphore, #tpu.memory_space<semaphore_mem>>, %arg23: memref<!tpu.dma_semaphore, #tpu.memory_space<semaphore_mem>>, %arg24: memref<!tpu.dma_semaphore, #tpu.memory_space<semaphore_mem>>, %arg25: memref<!tpu.dma_semaphore, #tpu.memory_space<semaphore_mem>>, %arg26: memref<!tpu.dma_semaphore, #tpu.memory_space<semaphore_mem>>) attributes {dimension_semantics = [#tpu.dimension_semantics<core_parallel>, #tpu.dimension_semantics<subcore_parallel>], iteration_bounds = array<i64: 2, 16>, scalar_prefetch = 0 : i64, scratch_operands = 20 : i64, tpu.core_type = #tpu.core_type<sc_vector_subcore>, window_params = [{transform_indices = #map}, {transform_indices = #map1}, {transform_indices = #map1}, {transform_indices = #map}, {transform_indices = #map1}]} {
    %mul3A = arith.constant 2 : i32
    %mul3A_0 = arith.muli %arg1, %mul3A : i32
    %add3A = arith.addi %mul3A_0, %arg0 : i32
    "tpu.region"() ({
      %run_scoped3A = tpu.sem_alloc : memref<!tpu.dma_semaphore, #tpu.memory_space<semaphore_mem>>
      %dma_start3A_108 = arith.constant 0 : i32
      %dma_start3A_109 = arith.constant 0 : i32
      %dma_start3A_110 = tpu.memref_slice %arg3[%add3A, %dma_start3A_108, %dma_start3A_109] : memref<32x80x128xi32, #tpu.memory_space<hbm>> -> memref<1x80x128xi32, #tpu.memory_space<hbm>>
      %dma_start3A_111 = tpu.memref_squeeze %dma_start3A_110 : memref<1x80x128xi32, #tpu.memory_space<hbm>> -> memref<80x128xi32, #tpu.memory_space<hbm>>
      %dma_start3A_112 = arith.constant 0 : i32
      %dma_start3A_113 = arith.constant 0 : i32
      %dma_start3A_114 = tpu.memref_slice %arg3[%add3A, %dma_start3A_112, %dma_start3A_113] : memref<32x80x128xi32, #tpu.memory_space<hbm>> -> memref<1x80x128xi32, #tpu.memory_space<hbm>>
      %dma_start3A_115 = tpu.memref_squeeze %dma_start3A_114 : memref<1x80x128xi32, #tpu.memory_space<hbm>> -> memref<80x128xi32, #tpu.memory_space<hbm>>
      tpu.enqueue_dma source(%dma_start3A_115 : memref<80x128xi32, #tpu.memory_space<hbm>>) target(%arg7 : memref<80x128xi32, #tpu.memory_space<vmem>>) target_semaphore(%run_scoped3A : memref<!tpu.dma_semaphore, #tpu.memory_space<semaphore_mem>>)
      %dma_wait3A = arith.constant 0 : i32
      %dma_wait3A_116 = arith.constant 0 : i32
      %dma_wait3A_117 = tpu.memref_slice %arg3[%add3A, %dma_wait3A, %dma_wait3A_116] : memref<32x80x128xi32, #tpu.memory_space<hbm>> -> memref<1x80x128xi32, #tpu.memory_space<hbm>>
      %dma_wait3A_118 = tpu.memref_squeeze %dma_wait3A_117 : memref<1x80x128xi32, #tpu.memory_space<hbm>> -> memref<80x128xi32, #tpu.memory_space<hbm>>
      %dma_wait3A_119 = arith.constant 0 : i32
      %dma_wait3A_120 = arith.constant 0 : i32
      %dma_wait3A_121 = tpu.memref_slice %arg3[%add3A, %dma_wait3A_119, %dma_wait3A_120] : memref<32x80x128xi32, #tpu.memory_space<hbm>> -> memref<1x80x128xi32, #tpu.memory_space<hbm>>
      %dma_wait3A_122 = tpu.memref_squeeze %dma_wait3A_121 : memref<1x80x128xi32, #tpu.memory_space<hbm>> -> memref<80x128xi32, #tpu.memory_space<hbm>>
      tpu.wait_dma2 semaphore(%run_scoped3A : memref<!tpu.dma_semaphore, #tpu.memory_space<semaphore_mem>>) src(%dma_wait3A_122 : memref<80x128xi32, #tpu.memory_space<hbm>>) dst(%arg7 : memref<80x128xi32, #tpu.memory_space<vmem>>)
      tpu.yield
    }) : () -> ()
    "tpu.region"() ({
      %run_scoped3A = tpu.sem_alloc : memref<!tpu.dma_semaphore, #tpu.memory_space<semaphore_mem>>
      %dma_start3A_108 = arith.constant 0 : i32
      %dma_start3A_109 = arith.constant 0 : i32
      %dma_start3A_110 = tpu.memref_slice %arg4[%add3A, %dma_start3A_108, %dma_start3A_109] : memref<32x80x128xi32, #tpu.memory_space<hbm>> -> memref<1x80x128xi32, #tpu.memory_space<hbm>>
      %dma_start3A_111 = tpu.memref_squeeze %dma_start3A_110 : memref<1x80x128xi32, #tpu.memory_space<hbm>> -> memref<80x128xi32, #tpu.memory_space<hbm>>
      %dma_start3A_112 = arith.constant 0 : i32
      %dma_start3A_113 = arith.constant 0 : i32
      %dma_start3A_114 = tpu.memref_slice %arg4[%add3A, %dma_start3A_112, %dma_start3A_113] : memref<32x80x128xi32, #tpu.memory_space<hbm>> -> memref<1x80x128xi32, #tpu.memory_space<hbm>>
      %dma_start3A_115 = tpu.memref_squeeze %dma_start3A_114 : memref<1x80x128xi32, #tpu.memory_space<hbm>> -> memref<80x128xi32, #tpu.memory_space<hbm>>
      tpu.enqueue_dma source(%dma_start3A_115 : memref<80x128xi32, #tpu.memory_space<hbm>>) target(%arg8 : memref<80x128xi32, #tpu.memory_space<vmem>>) target_semaphore(%run_scoped3A : memref<!tpu.dma_semaphore, #tpu.memory_space<semaphore_mem>>)
      %dma_wait3A = arith.constant 0 : i32
      %dma_wait3A_116 = arith.constant 0 : i32
      %dma_wait3A_117 = tpu.memref_slice %arg4[%add3A, %dma_wait3A, %dma_wait3A_116] : memref<32x80x128xi32, #tpu.memory_space<hbm>> -> memref<1x80x128xi32, #tpu.memory_space<hbm>>
      %dma_wait3A_118 = tpu.memref_squeeze %dma_wait3A_117 : memref<1x80x128xi32, #tpu.memory_space<hbm>> -> memref<80x128xi32, #tpu.memory_space<hbm>>
      %dma_wait3A_119 = arith.constant 0 : i32
      %dma_wait3A_120 = arith.constant 0 : i32
      %dma_wait3A_121 = tpu.memref_slice %arg4[%add3A, %dma_wait3A_119, %dma_wait3A_120] : memref<32x80x128xi32, #tpu.memory_space<hbm>> -> memref<1x80x128xi32, #tpu.memory_space<hbm>>
      %dma_wait3A_122 = tpu.memref_squeeze %dma_wait3A_121 : memref<1x80x128xi32, #tpu.memory_space<hbm>> -> memref<80x128xi32, #tpu.memory_space<hbm>>
      tpu.wait_dma2 semaphore(%run_scoped3A : memref<!tpu.dma_semaphore, #tpu.memory_space<semaphore_mem>>) src(%dma_wait3A_122 : memref<80x128xi32, #tpu.memory_space<hbm>>) dst(%arg8 : memref<80x128xi32, #tpu.memory_space<vmem>>)
      tpu.yield
    }) : () -> ()
    %mul3A_1 = arith.constant 640 : i32
    %mul3A_2 = arith.muli %arg1, %mul3A_1 : i32
    "tpu.region"() ({
      %run_scoped3A = tpu.sem_alloc : memref<!tpu.dma_semaphore, #tpu.memory_space<semaphore_mem>>
      %dma_start3A_108 = arith.constant 0 : i32
      %dma_start3A_109 = tpu.memref_slice %arg10[%mul3A_2, %dma_start3A_108] : memref<10240x64xf32, #tpu.memory_space<vmem_shared>> -> memref<640x64xf32, #tpu.memory_space<vmem_shared>>
      tpu.enqueue_dma source(%arg5 : memref<640x64xf32, #tpu.memory_space<hbm>>) target(%dma_start3A_109 : memref<640x64xf32, #tpu.memory_space<vmem_shared>>) target_semaphore(%run_scoped3A : memref<!tpu.dma_semaphore, #tpu.memory_space<semaphore_mem>>)
      %dma_wait3A = arith.constant 0 : i32
      %dma_wait3A_110 = tpu.memref_slice %arg10[%mul3A_2, %dma_wait3A] : memref<10240x64xf32, #tpu.memory_space<vmem_shared>> -> memref<640x64xf32, #tpu.memory_space<vmem_shared>>
      tpu.wait_dma2 semaphore(%run_scoped3A : memref<!tpu.dma_semaphore, #tpu.memory_space<semaphore_mem>>) src(%arg5 : memref<640x64xf32, #tpu.memory_space<hbm>>) dst(%dma_wait3A_110 : memref<640x64xf32, #tpu.memory_space<vmem_shared>>)
      tpu.yield
    }) : () -> ()
    %barrier3A = arith.constant 0 : index
    tpu.barrier barrier_id(%barrier3A)
    %dma_start3A = arith.constant 0 : i32
    %dma_start3A_3 = arith.constant 0 : i32
    %dma_start3A_4 = arith.constant 0 : i32
    %dma_start3A_5 = arith.constant 0 : i32
    %dma_start3A_6 = tpu.memref_slice %arg9[%dma_start3A_3, %dma_start3A_4, %dma_start3A_5] : memref<8x128x64xf32, #tpu.memory_space<vmem>> -> memref<1x128x64xf32, #tpu.memory_space<vmem>>
    %dma_start3A_7 = tpu.memref_squeeze %dma_start3A_6 : memref<1x128x64xf32, #tpu.memory_space<vmem>> -> memref<128x64xf32, #tpu.memory_space<vmem>>
    %dma_start3A_8 = arith.constant 0 : i32
    %dma_start3A_9 = tpu.memref_slice %arg7[%dma_start3A, %dma_start3A_8] : memref<80x128xi32, #tpu.memory_space<vmem>> -> memref<1x128xi32, #tpu.memory_space<vmem>>
    %dma_start3A_10 = tpu.memref_squeeze %dma_start3A_9 : memref<1x128xi32, #tpu.memory_space<vmem>> -> memref<128xi32, #tpu.memory_space<vmem>>
    %dma_start3A_11 = arith.constant 0 : i32
    %dma_start3A_12 = arith.constant 0 : i32
    %dma_start3A_13 = tpu.memref_slice %arg2[%dma_start3A_11, %dma_start3A_12] : memref<10000x64xf32, #tpu.memory_space<hbm>> -> memref<10000x64xf32, #tpu.memory_space<hbm>>
    tpu.enqueue_indirect_dma source(%dma_start3A_13 : memref<10000x64xf32, #tpu.memory_space<hbm>>) target(%dma_start3A_7 : memref<128x64xf32, #tpu.memory_space<vmem>>) offsets(%dma_start3A_10 : memref<128xi32, #tpu.memory_space<vmem>>) semaphore(%arg11 : memref<!tpu.dma_semaphore, #tpu.memory_space<semaphore_mem>>)
    %dma_start3A_14 = arith.constant 1 : i32
    %dma_start3A_15 = arith.constant 1 : i32
    %dma_start3A_16 = arith.constant 0 : i32
    %dma_start3A_17 = arith.constant 0 : i32
    %dma_start3A_18 = tpu.memref_slice %arg9[%dma_start3A_15, %dma_start3A_16, %dma_start3A_17] : memref<8x128x64xf32, #tpu.memory_space<vmem>> -> memref<1x128x64xf32, #tpu.memory_space<vmem>>
    %dma_start3A_19 = tpu.memref_squeeze %dma_start3A_18 : memref<1x128x64xf32, #tpu.memory_space<vmem>> -> memref<128x64xf32, #tpu.memory_space<vmem>>
    %dma_start3A_20 = arith.constant 0 : i32
    %dma_start3A_21 = tpu.memref_slice %arg7[%dma_start3A_14, %dma_start3A_20] : memref<80x128xi32, #tpu.memory_space<vmem>> -> memref<1x128xi32, #tpu.memory_space<vmem>>
    %dma_start3A_22 = tpu.memref_squeeze %dma_start3A_21 : memref<1x128xi32, #tpu.memory_space<vmem>> -> memref<128xi32, #tpu.memory_space<vmem>>
    %dma_start3A_23 = arith.constant 0 : i32
    %dma_start3A_24 = arith.constant 0 : i32
    %dma_start3A_25 = tpu.memref_slice %arg2[%dma_start3A_23, %dma_start3A_24] : memref<10000x64xf32, #tpu.memory_space<hbm>> -> memref<10000x64xf32, #tpu.memory_space<hbm>>
    tpu.enqueue_indirect_dma source(%dma_start3A_25 : memref<10000x64xf32, #tpu.memory_space<hbm>>) target(%dma_start3A_19 : memref<128x64xf32, #tpu.memory_space<vmem>>) offsets(%dma_start3A_22 : memref<128xi32, #tpu.memory_space<vmem>>) semaphore(%arg12 : memref<!tpu.dma_semaphore, #tpu.memory_space<semaphore_mem>>)
    %dma_start3A_26 = arith.constant 2 : i32
    %dma_start3A_27 = arith.constant 2 : i32
    %dma_start3A_28 = arith.constant 0 : i32
    %dma_start3A_29 = arith.constant 0 : i32
    %dma_start3A_30 = tpu.memref_slice %arg9[%dma_start3A_27, %dma_start3A_28, %dma_start3A_29] : memref<8x128x64xf32, #tpu.memory_space<vmem>> -> memref<1x128x64xf32, #tpu.memory_space<vmem>>
    %dma_start3A_31 = tpu.memref_squeeze %dma_start3A_30 : memref<1x128x64xf32, #tpu.memory_space<vmem>> -> memref<128x64xf32, #tpu.memory_space<vmem>>
    %dma_start3A_32 = arith.constant 0 : i32
    %dma_start3A_33 = tpu.memref_slice %arg7[%dma_start3A_26, %dma_start3A_32] : memref<80x128xi32, #tpu.memory_space<vmem>> -> memref<1x128xi32, #tpu.memory_space<vmem>>
    %dma_start3A_34 = tpu.memref_squeeze %dma_start3A_33 : memref<1x128xi32, #tpu.memory_space<vmem>> -> memref<128xi32, #tpu.memory_space<vmem>>
    %dma_start3A_35 = arith.constant 0 : i32
    %dma_start3A_36 = arith.constant 0 : i32
    %dma_start3A_37 = tpu.memref_slice %arg2[%dma_start3A_35, %dma_start3A_36] : memref<10000x64xf32, #tpu.memory_space<hbm>> -> memref<10000x64xf32, #tpu.memory_space<hbm>>
    tpu.enqueue_indirect_dma source(%dma_start3A_37 : memref<10000x64xf32, #tpu.memory_space<hbm>>) target(%dma_start3A_31 : memref<128x64xf32, #tpu.memory_space<vmem>>) offsets(%dma_start3A_34 : memref<128xi32, #tpu.memory_space<vmem>>) semaphore(%arg13 : memref<!tpu.dma_semaphore, #tpu.memory_space<semaphore_mem>>)
    %dma_start3A_38 = arith.constant 3 : i32
    %dma_start3A_39 = arith.constant 3 : i32
    %dma_start3A_40 = arith.constant 0 : i32
    %dma_start3A_41 = arith.constant 0 : i32
    %dma_start3A_42 = tpu.memref_slice %arg9[%dma_start3A_39, %dma_start3A_40, %dma_start3A_41] : memref<8x128x64xf32, #tpu.memory_space<vmem>> -> memref<1x128x64xf32, #tpu.memory_space<vmem>>
    %dma_start3A_43 = tpu.memref_squeeze %dma_start3A_42 : memref<1x128x64xf32, #tpu.memory_space<vmem>> -> memref<128x64xf32, #tpu.memory_space<vmem>>
    %dma_start3A_44 = arith.constant 0 : i32
    %dma_start3A_45 = tpu.memref_slice %arg7[%dma_start3A_38, %dma_start3A_44] : memref<80x128xi32, #tpu.memory_space<vmem>> -> memref<1x128xi32, #tpu.memory_space<vmem>>
    %dma_start3A_46 = tpu.memref_squeeze %dma_start3A_45 : memref<1x128xi32, #tpu.memory_space<vmem>> -> memref<128xi32, #tpu.memory_space<vmem>>
    %dma_start3A_47 = arith.constant 0 : i32
    %dma_start3A_48 = arith.constant 0 : i32
    %dma_start3A_49 = tpu.memref_slice %arg2[%dma_start3A_47, %dma_start3A_48] : memref<10000x64xf32, #tpu.memory_space<hbm>> -> memref<10000x64xf32, #tpu.memory_space<hbm>>
    tpu.enqueue_indirect_dma source(%dma_start3A_49 : memref<10000x64xf32, #tpu.memory_space<hbm>>) target(%dma_start3A_43 : memref<128x64xf32, #tpu.memory_space<vmem>>) offsets(%dma_start3A_46 : memref<128xi32, #tpu.memory_space<vmem>>) semaphore(%arg14 : memref<!tpu.dma_semaphore, #tpu.memory_space<semaphore_mem>>)
    %dma_start3A_50 = arith.constant 4 : i32
    %dma_start3A_51 = arith.constant 4 : i32
    %dma_start3A_52 = arith.constant 0 : i32
    %dma_start3A_53 = arith.constant 0 : i32
    %dma_start3A_54 = tpu.memref_slice %arg9[%dma_start3A_51, %dma_start3A_52, %dma_start3A_53] : memref<8x128x64xf32, #tpu.memory_space<vmem>> -> memref<1x128x64xf32, #tpu.memory_space<vmem>>
    %dma_start3A_55 = tpu.memref_squeeze %dma_start3A_54 : memref<1x128x64xf32, #tpu.memory_space<vmem>> -> memref<128x64xf32, #tpu.memory_space<vmem>>
    %dma_start3A_56 = arith.constant 0 : i32
    %dma_start3A_57 = tpu.memref_slice %arg7[%dma_start3A_50, %dma_start3A_56] : memref<80x128xi32, #tpu.memory_space<vmem>> -> memref<1x128xi32, #tpu.memory_space<vmem>>
    %dma_start3A_58 = tpu.memref_squeeze %dma_start3A_57 : memref<1x128xi32, #tpu.memory_space<vmem>> -> memref<128xi32, #tpu.memory_space<vmem>>
    %dma_start3A_59 = arith.constant 0 : i32
    %dma_start3A_60 = arith.constant 0 : i32
    %dma_start3A_61 = tpu.memref_slice %arg2[%dma_start3A_59, %dma_start3A_60] : memref<10000x64xf32, #tpu.memory_space<hbm>> -> memref<10000x64xf32, #tpu.memory_space<hbm>>
    tpu.enqueue_indirect_dma source(%dma_start3A_61 : memref<10000x64xf32, #tpu.memory_space<hbm>>) target(%dma_start3A_55 : memref<128x64xf32, #tpu.memory_space<vmem>>) offsets(%dma_start3A_58 : memref<128xi32, #tpu.memory_space<vmem>>) semaphore(%arg15 : memref<!tpu.dma_semaphore, #tpu.memory_space<semaphore_mem>>)
    %dma_start3A_62 = arith.constant 5 : i32
    %dma_start3A_63 = arith.constant 5 : i32
    %dma_start3A_64 = arith.constant 0 : i32
    %dma_start3A_65 = arith.constant 0 : i32
    %dma_start3A_66 = tpu.memref_slice %arg9[%dma_start3A_63, %dma_start3A_64, %dma_start3A_65] : memref<8x128x64xf32, #tpu.memory_space<vmem>> -> memref<1x128x64xf32, #tpu.memory_space<vmem>>
    %dma_start3A_67 = tpu.memref_squeeze %dma_start3A_66 : memref<1x128x64xf32, #tpu.memory_space<vmem>> -> memref<128x64xf32, #tpu.memory_space<vmem>>
    %dma_start3A_68 = arith.constant 0 : i32
    %dma_start3A_69 = tpu.memref_slice %arg7[%dma_start3A_62, %dma_start3A_68] : memref<80x128xi32, #tpu.memory_space<vmem>> -> memref<1x128xi32, #tpu.memory_space<vmem>>
    %dma_start3A_70 = tpu.memref_squeeze %dma_start3A_69 : memref<1x128xi32, #tpu.memory_space<vmem>> -> memref<128xi32, #tpu.memory_space<vmem>>
    %dma_start3A_71 = arith.constant 0 : i32
    %dma_start3A_72 = arith.constant 0 : i32
    %dma_start3A_73 = tpu.memref_slice %arg2[%dma_start3A_71, %dma_start3A_72] : memref<10000x64xf32, #tpu.memory_space<hbm>> -> memref<10000x64xf32, #tpu.memory_space<hbm>>
    tpu.enqueue_indirect_dma source(%dma_start3A_73 : memref<10000x64xf32, #tpu.memory_space<hbm>>) target(%dma_start3A_67 : memref<128x64xf32, #tpu.memory_space<vmem>>) offsets(%dma_start3A_70 : memref<128xi32, #tpu.memory_space<vmem>>) semaphore(%arg16 : memref<!tpu.dma_semaphore, #tpu.memory_space<semaphore_mem>>)
    %dma_start3A_74 = arith.constant 6 : i32
    %dma_start3A_75 = arith.constant 6 : i32
    %dma_start3A_76 = arith.constant 0 : i32
    %dma_start3A_77 = arith.constant 0 : i32
    %dma_start3A_78 = tpu.memref_slice %arg9[%dma_start3A_75, %dma_start3A_76, %dma_start3A_77] : memref<8x128x64xf32, #tpu.memory_space<vmem>> -> memref<1x128x64xf32, #tpu.memory_space<vmem>>
    %dma_start3A_79 = tpu.memref_squeeze %dma_start3A_78 : memref<1x128x64xf32, #tpu.memory_space<vmem>> -> memref<128x64xf32, #tpu.memory_space<vmem>>
    %dma_start3A_80 = arith.constant 0 : i32
    %dma_start3A_81 = tpu.memref_slice %arg7[%dma_start3A_74, %dma_start3A_80] : memref<80x128xi32, #tpu.memory_space<vmem>> -> memref<1x128xi32, #tpu.memory_space<vmem>>
    %dma_start3A_82 = tpu.memref_squeeze %dma_start3A_81 : memref<1x128xi32, #tpu.memory_space<vmem>> -> memref<128xi32, #tpu.memory_space<vmem>>
    %dma_start3A_83 = arith.constant 0 : i32
    %dma_start3A_84 = arith.constant 0 : i32
    %dma_start3A_85 = tpu.memref_slice %arg2[%dma_start3A_83, %dma_start3A_84] : memref<10000x64xf32, #tpu.memory_space<hbm>> -> memref<10000x64xf32, #tpu.memory_space<hbm>>
    tpu.enqueue_indirect_dma source(%dma_start3A_85 : memref<10000x64xf32, #tpu.memory_space<hbm>>) target(%dma_start3A_79 : memref<128x64xf32, #tpu.memory_space<vmem>>) offsets(%dma_start3A_82 : memref<128xi32, #tpu.memory_space<vmem>>) semaphore(%arg17 : memref<!tpu.dma_semaphore, #tpu.memory_space<semaphore_mem>>)
    %dma_start3A_86 = arith.constant 7 : i32
    %dma_start3A_87 = arith.constant 7 : i32
    %dma_start3A_88 = arith.constant 0 : i32
    %dma_start3A_89 = arith.constant 0 : i32
    %dma_start3A_90 = tpu.memref_slice %arg9[%dma_start3A_87, %dma_start3A_88, %dma_start3A_89] : memref<8x128x64xf32, #tpu.memory_space<vmem>> -> memref<1x128x64xf32, #tpu.memory_space<vmem>>
    %dma_start3A_91 = tpu.memref_squeeze %dma_start3A_90 : memref<1x128x64xf32, #tpu.memory_space<vmem>> -> memref<128x64xf32, #tpu.memory_space<vmem>>
    %dma_start3A_92 = arith.constant 0 : i32
    %dma_start3A_93 = tpu.memref_slice %arg7[%dma_start3A_86, %dma_start3A_92] : memref<80x128xi32, #tpu.memory_space<vmem>> -> memref<1x128xi32, #tpu.memory_space<vmem>>
    %dma_start3A_94 = tpu.memref_squeeze %dma_start3A_93 : memref<1x128xi32, #tpu.memory_space<vmem>> -> memref<128xi32, #tpu.memory_space<vmem>>
    %dma_start3A_95 = arith.constant 0 : i32
    %dma_start3A_96 = arith.constant 0 : i32
    %dma_start3A_97 = tpu.memref_slice %arg2[%dma_start3A_95, %dma_start3A_96] : memref<10000x64xf32, #tpu.memory_space<hbm>> -> memref<10000x64xf32, #tpu.memory_space<hbm>>
    tpu.enqueue_indirect_dma source(%dma_start3A_97 : memref<10000x64xf32, #tpu.memory_space<hbm>>) target(%dma_start3A_91 : memref<128x64xf32, #tpu.memory_space<vmem>>) offsets(%dma_start3A_94 : memref<128xi32, #tpu.memory_space<vmem>>) semaphore(%arg18 : memref<!tpu.dma_semaphore, #tpu.memory_space<semaphore_mem>>)
    %scan3A = arith.constant 0 : i32
    %scan3A_98 = arith.constant 0 : i32
    %scan3A_99 = arith.constant 10 : i32
    %scan3A_100 = arith.addi %scan3A_98, %scan3A_99 : i32
    %scan3A_101 = arith.constant 1 : i32
    scf.for %scan3A_108 = %scan3A_98 to %scan3A_100 step %scan3A_101  : i32 {
      %mul3A_109 = arith.constant 8 : i32
      %mul3A_110 = arith.muli %scan3A_108, %mul3A_109 : i32
      %add3A_111 = arith.constant 0 : i32
      %add3A_112 = arith.addi %mul3A_110, %add3A_111 : i32
      %dma_wait3A = arith.constant 0 : i32
      %dma_wait3A_113 = arith.constant 0 : i32
      %dma_wait3A_114 = arith.constant 0 : i32
      %dma_wait3A_115 = tpu.memref_slice %arg9[%dma_wait3A, %dma_wait3A_113, %dma_wait3A_114] : memref<8x128x64xf32, #tpu.memory_space<vmem>> -> memref<1x128x64xf32, #tpu.memory_space<vmem>>
      %dma_wait3A_116 = tpu.memref_squeeze %dma_wait3A_115 : memref<1x128x64xf32, #tpu.memory_space<vmem>> -> memref<128x64xf32, #tpu.memory_space<vmem>>
      %dma_wait3A_117 = arith.constant 0 : i32
      %dma_wait3A_118 = tpu.memref_slice %arg7[%add3A_112, %dma_wait3A_117] : memref<80x128xi32, #tpu.memory_space<vmem>> -> memref<1x128xi32, #tpu.memory_space<vmem>>
      %dma_wait3A_119 = tpu.memref_squeeze %dma_wait3A_118 : memref<1x128xi32, #tpu.memory_space<vmem>> -> memref<128xi32, #tpu.memory_space<vmem>>
      %dma_wait3A_120 = arith.constant 0 : i32
      %dma_wait3A_121 = arith.constant 0 : i32
      %dma_wait3A_122 = tpu.memref_slice %arg2[%dma_wait3A_120, %dma_wait3A_121] : memref<10000x64xf32, #tpu.memory_space<hbm>> -> memref<10000x64xf32, #tpu.memory_space<hbm>>
      tpu.wait_indirect_dma semaphore(%arg11 : memref<!tpu.dma_semaphore, #tpu.memory_space<semaphore_mem>>) src(%dma_wait3A_122 : memref<10000x64xf32, #tpu.memory_space<hbm>>) dst(%dma_wait3A_116 : memref<128x64xf32, #tpu.memory_space<vmem>>)
      %add3A_123 = arith.constant 0 : i32
      %add3A_124 = arith.addi %mul3A_110, %add3A_123 : i32
      %dma_start3A_125 = arith.constant 0 : i32
      %dma_start3A_126 = arith.constant 0 : i32
      %dma_start3A_127 = arith.constant 0 : i32
      %dma_start3A_128 = tpu.memref_slice %arg9[%dma_start3A_125, %dma_start3A_126, %dma_start3A_127] : memref<8x128x64xf32, #tpu.memory_space<vmem>> -> memref<1x128x64xf32, #tpu.memory_space<vmem>>
      %dma_start3A_129 = tpu.memref_squeeze %dma_start3A_128 : memref<1x128x64xf32, #tpu.memory_space<vmem>> -> memref<128x64xf32, #tpu.memory_space<vmem>>
      %dma_start3A_130 = arith.constant 0 : i32
      %dma_start3A_131 = tpu.memref_slice %arg8[%add3A_124, %dma_start3A_130] : memref<80x128xi32, #tpu.memory_space<vmem>> -> memref<1x128xi32, #tpu.memory_space<vmem>>
      %dma_start3A_132 = tpu.memref_squeeze %dma_start3A_131 : memref<1x128xi32, #tpu.memory_space<vmem>> -> memref<128xi32, #tpu.memory_space<vmem>>
      %dma_start3A_133 = arith.constant 0 : i32
      %dma_start3A_134 = arith.constant 0 : i32
      %dma_start3A_135 = tpu.memref_slice %arg10[%dma_start3A_133, %dma_start3A_134] : memref<10240x64xf32, #tpu.memory_space<vmem_shared>> -> memref<10240x64xf32, #tpu.memory_space<vmem_shared>>
      tpu.enqueue_indirect_dma source(%dma_start3A_129 : memref<128x64xf32, #tpu.memory_space<vmem>>) target(%dma_start3A_135 : memref<10240x64xf32, #tpu.memory_space<vmem_shared>>) offsets(%dma_start3A_132 : memref<128xi32, #tpu.memory_space<vmem>>) semaphore(%arg19 : memref<!tpu.dma_semaphore, #tpu.memory_space<semaphore_mem>>) {add = true}
      %add3A_136 = arith.constant 1 : i32
      %add3A_137 = arith.addi %mul3A_110, %add3A_136 : i32
      %dma_wait3A_138 = arith.constant 1 : i32
      %dma_wait3A_139 = arith.constant 0 : i32
      %dma_wait3A_140 = arith.constant 0 : i32
      %dma_wait3A_141 = tpu.memref_slice %arg9[%dma_wait3A_138, %dma_wait3A_139, %dma_wait3A_140] : memref<8x128x64xf32, #tpu.memory_space<vmem>> -> memref<1x128x64xf32, #tpu.memory_space<vmem>>
      %dma_wait3A_142 = tpu.memref_squeeze %dma_wait3A_141 : memref<1x128x64xf32, #tpu.memory_space<vmem>> -> memref<128x64xf32, #tpu.memory_space<vmem>>
      %dma_wait3A_143 = arith.constant 0 : i32
      %dma_wait3A_144 = tpu.memref_slice %arg7[%add3A_137, %dma_wait3A_143] : memref<80x128xi32, #tpu.memory_space<vmem>> -> memref<1x128xi32, #tpu.memory_space<vmem>>
      %dma_wait3A_145 = tpu.memref_squeeze %dma_wait3A_144 : memref<1x128xi32, #tpu.memory_space<vmem>> -> memref<128xi32, #tpu.memory_space<vmem>>
      %dma_wait3A_146 = arith.constant 0 : i32
      %dma_wait3A_147 = arith.constant 0 : i32
      %dma_wait3A_148 = tpu.memref_slice %arg2[%dma_wait3A_146, %dma_wait3A_147] : memref<10000x64xf32, #tpu.memory_space<hbm>> -> memref<10000x64xf32, #tpu.memory_space<hbm>>
      tpu.wait_indirect_dma semaphore(%arg12 : memref<!tpu.dma_semaphore, #tpu.memory_space<semaphore_mem>>) src(%dma_wait3A_148 : memref<10000x64xf32, #tpu.memory_space<hbm>>) dst(%dma_wait3A_142 : memref<128x64xf32, #tpu.memory_space<vmem>>)
      %add3A_149 = arith.constant 1 : i32
      %add3A_150 = arith.addi %mul3A_110, %add3A_149 : i32
      %dma_start3A_151 = arith.constant 1 : i32
      %dma_start3A_152 = arith.constant 0 : i32
      %dma_start3A_153 = arith.constant 0 : i32
      %dma_start3A_154 = tpu.memref_slice %arg9[%dma_start3A_151, %dma_start3A_152, %dma_start3A_153] : memref<8x128x64xf32, #tpu.memory_space<vmem>> -> memref<1x128x64xf32, #tpu.memory_space<vmem>>
      %dma_start3A_155 = tpu.memref_squeeze %dma_start3A_154 : memref<1x128x64xf32, #tpu.memory_space<vmem>> -> memref<128x64xf32, #tpu.memory_space<vmem>>
      %dma_start3A_156 = arith.constant 0 : i32
      %dma_start3A_157 = tpu.memref_slice %arg8[%add3A_150, %dma_start3A_156] : memref<80x128xi32, #tpu.memory_space<vmem>> -> memref<1x128xi32, #tpu.memory_space<vmem>>
      %dma_start3A_158 = tpu.memref_squeeze %dma_start3A_157 : memref<1x128xi32, #tpu.memory_space<vmem>> -> memref<128xi32, #tpu.memory_space<vmem>>
      %dma_start3A_159 = arith.constant 0 : i32
      %dma_start3A_160 = arith.constant 0 : i32
      %dma_start3A_161 = tpu.memref_slice %arg10[%dma_start3A_159, %dma_start3A_160] : memref<10240x64xf32, #tpu.memory_space<vmem_shared>> -> memref<10240x64xf32, #tpu.memory_space<vmem_shared>>
      tpu.enqueue_indirect_dma source(%dma_start3A_155 : memref<128x64xf32, #tpu.memory_space<vmem>>) target(%dma_start3A_161 : memref<10240x64xf32, #tpu.memory_space<vmem_shared>>) offsets(%dma_start3A_158 : memref<128xi32, #tpu.memory_space<vmem>>) semaphore(%arg20 : memref<!tpu.dma_semaphore, #tpu.memory_space<semaphore_mem>>) {add = true}
      %add3A_162 = arith.constant 2 : i32
      %add3A_163 = arith.addi %mul3A_110, %add3A_162 : i32
      %dma_wait3A_164 = arith.constant 2 : i32
      %dma_wait3A_165 = arith.constant 0 : i32
      %dma_wait3A_166 = arith.constant 0 : i32
      %dma_wait3A_167 = tpu.memref_slice %arg9[%dma_wait3A_164, %dma_wait3A_165, %dma_wait3A_166] : memref<8x128x64xf32, #tpu.memory_space<vmem>> -> memref<1x128x64xf32, #tpu.memory_space<vmem>>
      %dma_wait3A_168 = tpu.memref_squeeze %dma_wait3A_167 : memref<1x128x64xf32, #tpu.memory_space<vmem>> -> memref<128x64xf32, #tpu.memory_space<vmem>>
      %dma_wait3A_169 = arith.constant 0 : i32
      %dma_wait3A_170 = tpu.memref_slice %arg7[%add3A_163, %dma_wait3A_169] : memref<80x128xi32, #tpu.memory_space<vmem>> -> memref<1x128xi32, #tpu.memory_space<vmem>>
      %dma_wait3A_171 = tpu.memref_squeeze %dma_wait3A_170 : memref<1x128xi32, #tpu.memory_space<vmem>> -> memref<128xi32, #tpu.memory_space<vmem>>
      %dma_wait3A_172 = arith.constant 0 : i32
      %dma_wait3A_173 = arith.constant 0 : i32
      %dma_wait3A_174 = tpu.memref_slice %arg2[%dma_wait3A_172, %dma_wait3A_173] : memref<10000x64xf32, #tpu.memory_space<hbm>> -> memref<10000x64xf32, #tpu.memory_space<hbm>>
      tpu.wait_indirect_dma semaphore(%arg13 : memref<!tpu.dma_semaphore, #tpu.memory_space<semaphore_mem>>) src(%dma_wait3A_174 : memref<10000x64xf32, #tpu.memory_space<hbm>>) dst(%dma_wait3A_168 : memref<128x64xf32, #tpu.memory_space<vmem>>)
      %add3A_175 = arith.constant 2 : i32
      %add3A_176 = arith.addi %mul3A_110, %add3A_175 : i32
      %dma_start3A_177 = arith.constant 2 : i32
      %dma_start3A_178 = arith.constant 0 : i32
      %dma_start3A_179 = arith.constant 0 : i32
      %dma_start3A_180 = tpu.memref_slice %arg9[%dma_start3A_177, %dma_start3A_178, %dma_start3A_179] : memref<8x128x64xf32, #tpu.memory_space<vmem>> -> memref<1x128x64xf32, #tpu.memory_space<vmem>>
      %dma_start3A_181 = tpu.memref_squeeze %dma_start3A_180 : memref<1x128x64xf32, #tpu.memory_space<vmem>> -> memref<128x64xf32, #tpu.memory_space<vmem>>
      %dma_start3A_182 = arith.constant 0 : i32
      %dma_start3A_183 = tpu.memref_slice %arg8[%add3A_176, %dma_start3A_182] : memref<80x128xi32, #tpu.memory_space<vmem>> -> memref<1x128xi32, #tpu.memory_space<vmem>>
      %dma_start3A_184 = tpu.memref_squeeze %dma_start3A_183 : memref<1x128xi32, #tpu.memory_space<vmem>> -> memref<128xi32, #tpu.memory_space<vmem>>
      %dma_start3A_185 = arith.constant 0 : i32
      %dma_start3A_186 = arith.constant 0 : i32
      %dma_start3A_187 = tpu.memref_slice %arg10[%dma_start3A_185, %dma_start3A_186] : memref<10240x64xf32, #tpu.memory_space<vmem_shared>> -> memref<10240x64xf32, #tpu.memory_space<vmem_shared>>
      tpu.enqueue_indirect_dma source(%dma_start3A_181 : memref<128x64xf32, #tpu.memory_space<vmem>>) target(%dma_start3A_187 : memref<10240x64xf32, #tpu.memory_space<vmem_shared>>) offsets(%dma_start3A_184 : memref<128xi32, #tpu.memory_space<vmem>>) semaphore(%arg21 : memref<!tpu.dma_semaphore, #tpu.memory_space<semaphore_mem>>) {add = true}
      %add3A_188 = arith.constant 3 : i32
      %add3A_189 = arith.addi %mul3A_110, %add3A_188 : i32
      %dma_wait3A_190 = arith.constant 3 : i32
      %dma_wait3A_191 = arith.constant 0 : i32
      %dma_wait3A_192 = arith.constant 0 : i32
      %dma_wait3A_193 = tpu.memref_slice %arg9[%dma_wait3A_190, %dma_wait3A_191, %dma_wait3A_192] : memref<8x128x64xf32, #tpu.memory_space<vmem>> -> memref<1x128x64xf32, #tpu.memory_space<vmem>>
      %dma_wait3A_194 = tpu.memref_squeeze %dma_wait3A_193 : memref<1x128x64xf32, #tpu.memory_space<vmem>> -> memref<128x64xf32, #tpu.memory_space<vmem>>
      %dma_wait3A_195 = arith.constant 0 : i32
      %dma_wait3A_196 = tpu.memref_slice %arg7[%add3A_189, %dma_wait3A_195] : memref<80x128xi32, #tpu.memory_space<vmem>> -> memref<1x128xi32, #tpu.memory_space<vmem>>
      %dma_wait3A_197 = tpu.memref_squeeze %dma_wait3A_196 : memref<1x128xi32, #tpu.memory_space<vmem>> -> memref<128xi32, #tpu.memory_space<vmem>>
      %dma_wait3A_198 = arith.constant 0 : i32
      %dma_wait3A_199 = arith.constant 0 : i32
      %dma_wait3A_200 = tpu.memref_slice %arg2[%dma_wait3A_198, %dma_wait3A_199] : memref<10000x64xf32, #tpu.memory_space<hbm>> -> memref<10000x64xf32, #tpu.memory_space<hbm>>
      tpu.wait_indirect_dma semaphore(%arg14 : memref<!tpu.dma_semaphore, #tpu.memory_space<semaphore_mem>>) src(%dma_wait3A_200 : memref<10000x64xf32, #tpu.memory_space<hbm>>) dst(%dma_wait3A_194 : memref<128x64xf32, #tpu.memory_space<vmem>>)
      %add3A_201 = arith.constant 3 : i32
      %add3A_202 = arith.addi %mul3A_110, %add3A_201 : i32
      %dma_start3A_203 = arith.constant 3 : i32
      %dma_start3A_204 = arith.constant 0 : i32
      %dma_start3A_205 = arith.constant 0 : i32
      %dma_start3A_206 = tpu.memref_slice %arg9[%dma_start3A_203, %dma_start3A_204, %dma_start3A_205] : memref<8x128x64xf32, #tpu.memory_space<vmem>> -> memref<1x128x64xf32, #tpu.memory_space<vmem>>
      %dma_start3A_207 = tpu.memref_squeeze %dma_start3A_206 : memref<1x128x64xf32, #tpu.memory_space<vmem>> -> memref<128x64xf32, #tpu.memory_space<vmem>>
      %dma_start3A_208 = arith.constant 0 : i32
      %dma_start3A_209 = tpu.memref_slice %arg8[%add3A_202, %dma_start3A_208] : memref<80x128xi32, #tpu.memory_space<vmem>> -> memref<1x128xi32, #tpu.memory_space<vmem>>
      %dma_start3A_210 = tpu.memref_squeeze %dma_start3A_209 : memref<1x128xi32, #tpu.memory_space<vmem>> -> memref<128xi32, #tpu.memory_space<vmem>>
      %dma_start3A_211 = arith.constant 0 : i32
      %dma_start3A_212 = arith.constant 0 : i32
      %dma_start3A_213 = tpu.memref_slice %arg10[%dma_start3A_211, %dma_start3A_212] : memref<10240x64xf32, #tpu.memory_space<vmem_shared>> -> memref<10240x64xf32, #tpu.memory_space<vmem_shared>>
      tpu.enqueue_indirect_dma source(%dma_start3A_207 : memref<128x64xf32, #tpu.memory_space<vmem>>) target(%dma_start3A_213 : memref<10240x64xf32, #tpu.memory_space<vmem_shared>>) offsets(%dma_start3A_210 : memref<128xi32, #tpu.memory_space<vmem>>) semaphore(%arg22 : memref<!tpu.dma_semaphore, #tpu.memory_space<semaphore_mem>>) {add = true}
      %add3A_214 = arith.constant 4 : i32
      %add3A_215 = arith.addi %mul3A_110, %add3A_214 : i32
      %dma_wait3A_216 = arith.constant 4 : i32
      %dma_wait3A_217 = arith.constant 0 : i32
      %dma_wait3A_218 = arith.constant 0 : i32
      %dma_wait3A_219 = tpu.memref_slice %arg9[%dma_wait3A_216, %dma_wait3A_217, %dma_wait3A_218] : memref<8x128x64xf32, #tpu.memory_space<vmem>> -> memref<1x128x64xf32, #tpu.memory_space<vmem>>
      %dma_wait3A_220 = tpu.memref_squeeze %dma_wait3A_219 : memref<1x128x64xf32, #tpu.memory_space<vmem>> -> memref<128x64xf32, #tpu.memory_space<vmem>>
      %dma_wait3A_221 = arith.constant 0 : i32
      %dma_wait3A_222 = tpu.memref_slice %arg7[%add3A_215, %dma_wait3A_221] : memref<80x128xi32, #tpu.memory_space<vmem>> -> memref<1x128xi32, #tpu.memory_space<vmem>>
      %dma_wait3A_223 = tpu.memref_squeeze %dma_wait3A_222 : memref<1x128xi32, #tpu.memory_space<vmem>> -> memref<128xi32, #tpu.memory_space<vmem>>
      %dma_wait3A_224 = arith.constant 0 : i32
      %dma_wait3A_225 = arith.constant 0 : i32
      %dma_wait3A_226 = tpu.memref_slice %arg2[%dma_wait3A_224, %dma_wait3A_225] : memref<10000x64xf32, #tpu.memory_space<hbm>> -> memref<10000x64xf32, #tpu.memory_space<hbm>>
      tpu.wait_indirect_dma semaphore(%arg15 : memref<!tpu.dma_semaphore, #tpu.memory_space<semaphore_mem>>) src(%dma_wait3A_226 : memref<10000x64xf32, #tpu.memory_space<hbm>>) dst(%dma_wait3A_220 : memref<128x64xf32, #tpu.memory_space<vmem>>)
      %add3A_227 = arith.constant 4 : i32
      %add3A_228 = arith.addi %mul3A_110, %add3A_227 : i32
      %dma_start3A_229 = arith.constant 4 : i32
      %dma_start3A_230 = arith.constant 0 : i32
      %dma_start3A_231 = arith.constant 0 : i32
      %dma_start3A_232 = tpu.memref_slice %arg9[%dma_start3A_229, %dma_start3A_230, %dma_start3A_231] : memref<8x128x64xf32, #tpu.memory_space<vmem>> -> memref<1x128x64xf32, #tpu.memory_space<vmem>>
      %dma_start3A_233 = tpu.memref_squeeze %dma_start3A_232 : memref<1x128x64xf32, #tpu.memory_space<vmem>> -> memref<128x64xf32, #tpu.memory_space<vmem>>
      %dma_start3A_234 = arith.constant 0 : i32
      %dma_start3A_235 = tpu.memref_slice %arg8[%add3A_228, %dma_start3A_234] : memref<80x128xi32, #tpu.memory_space<vmem>> -> memref<1x128xi32, #tpu.memory_space<vmem>>
      %dma_start3A_236 = tpu.memref_squeeze %dma_start3A_235 : memref<1x128xi32, #tpu.memory_space<vmem>> -> memref<128xi32, #tpu.memory_space<vmem>>
      %dma_start3A_237 = arith.constant 0 : i32
      %dma_start3A_238 = arith.constant 0 : i32
      %dma_start3A_239 = tpu.memref_slice %arg10[%dma_start3A_237, %dma_start3A_238] : memref<10240x64xf32, #tpu.memory_space<vmem_shared>> -> memref<10240x64xf32, #tpu.memory_space<vmem_shared>>
      tpu.enqueue_indirect_dma source(%dma_start3A_233 : memref<128x64xf32, #tpu.memory_space<vmem>>) target(%dma_start3A_239 : memref<10240x64xf32, #tpu.memory_space<vmem_shared>>) offsets(%dma_start3A_236 : memref<128xi32, #tpu.memory_space<vmem>>) semaphore(%arg23 : memref<!tpu.dma_semaphore, #tpu.memory_space<semaphore_mem>>) {add = true}
      %add3A_240 = arith.constant 5 : i32
      %add3A_241 = arith.addi %mul3A_110, %add3A_240 : i32
      %dma_wait3A_242 = arith.constant 5 : i32
      %dma_wait3A_243 = arith.constant 0 : i32
      %dma_wait3A_244 = arith.constant 0 : i32
      %dma_wait3A_245 = tpu.memref_slice %arg9[%dma_wait3A_242, %dma_wait3A_243, %dma_wait3A_244] : memref<8x128x64xf32, #tpu.memory_space<vmem>> -> memref<1x128x64xf32, #tpu.memory_space<vmem>>
      %dma_wait3A_246 = tpu.memref_squeeze %dma_wait3A_245 : memref<1x128x64xf32, #tpu.memory_space<vmem>> -> memref<128x64xf32, #tpu.memory_space<vmem>>
      %dma_wait3A_247 = arith.constant 0 : i32
      %dma_wait3A_248 = tpu.memref_slice %arg7[%add3A_241, %dma_wait3A_247] : memref<80x128xi32, #tpu.memory_space<vmem>> -> memref<1x128xi32, #tpu.memory_space<vmem>>
      %dma_wait3A_249 = tpu.memref_squeeze %dma_wait3A_248 : memref<1x128xi32, #tpu.memory_space<vmem>> -> memref<128xi32, #tpu.memory_space<vmem>>
      %dma_wait3A_250 = arith.constant 0 : i32
      %dma_wait3A_251 = arith.constant 0 : i32
      %dma_wait3A_252 = tpu.memref_slice %arg2[%dma_wait3A_250, %dma_wait3A_251] : memref<10000x64xf32, #tpu.memory_space<hbm>> -> memref<10000x64xf32, #tpu.memory_space<hbm>>
      tpu.wait_indirect_dma semaphore(%arg16 : memref<!tpu.dma_semaphore, #tpu.memory_space<semaphore_mem>>) src(%dma_wait3A_252 : memref<10000x64xf32, #tpu.memory_space<hbm>>) dst(%dma_wait3A_246 : memref<128x64xf32, #tpu.memory_space<vmem>>)
      %add3A_253 = arith.constant 5 : i32
      %add3A_254 = arith.addi %mul3A_110, %add3A_253 : i32
      %dma_start3A_255 = arith.constant 5 : i32
      %dma_start3A_256 = arith.constant 0 : i32
      %dma_start3A_257 = arith.constant 0 : i32
      %dma_start3A_258 = tpu.memref_slice %arg9[%dma_start3A_255, %dma_start3A_256, %dma_start3A_257] : memref<8x128x64xf32, #tpu.memory_space<vmem>> -> memref<1x128x64xf32, #tpu.memory_space<vmem>>
      %dma_start3A_259 = tpu.memref_squeeze %dma_start3A_258 : memref<1x128x64xf32, #tpu.memory_space<vmem>> -> memref<128x64xf32, #tpu.memory_space<vmem>>
      %dma_start3A_260 = arith.constant 0 : i32
      %dma_start3A_261 = tpu.memref_slice %arg8[%add3A_254, %dma_start3A_260] : memref<80x128xi32, #tpu.memory_space<vmem>> -> memref<1x128xi32, #tpu.memory_space<vmem>>
      %dma_start3A_262 = tpu.memref_squeeze %dma_start3A_261 : memref<1x128xi32, #tpu.memory_space<vmem>> -> memref<128xi32, #tpu.memory_space<vmem>>
      %dma_start3A_263 = arith.constant 0 : i32
      %dma_start3A_264 = arith.constant 0 : i32
      %dma_start3A_265 = tpu.memref_slice %arg10[%dma_start3A_263, %dma_start3A_264] : memref<10240x64xf32, #tpu.memory_space<vmem_shared>> -> memref<10240x64xf32, #tpu.memory_space<vmem_shared>>
      tpu.enqueue_indirect_dma source(%dma_start3A_259 : memref<128x64xf32, #tpu.memory_space<vmem>>) target(%dma_start3A_265 : memref<10240x64xf32, #tpu.memory_space<vmem_shared>>) offsets(%dma_start3A_262 : memref<128xi32, #tpu.memory_space<vmem>>) semaphore(%arg24 : memref<!tpu.dma_semaphore, #tpu.memory_space<semaphore_mem>>) {add = true}
      %add3A_266 = arith.constant 6 : i32
      %add3A_267 = arith.addi %mul3A_110, %add3A_266 : i32
      %dma_wait3A_268 = arith.constant 6 : i32
      %dma_wait3A_269 = arith.constant 0 : i32
      %dma_wait3A_270 = arith.constant 0 : i32
      %dma_wait3A_271 = tpu.memref_slice %arg9[%dma_wait3A_268, %dma_wait3A_269, %dma_wait3A_270] : memref<8x128x64xf32, #tpu.memory_space<vmem>> -> memref<1x128x64xf32, #tpu.memory_space<vmem>>
      %dma_wait3A_272 = tpu.memref_squeeze %dma_wait3A_271 : memref<1x128x64xf32, #tpu.memory_space<vmem>> -> memref<128x64xf32, #tpu.memory_space<vmem>>
      %dma_wait3A_273 = arith.constant 0 : i32
      %dma_wait3A_274 = tpu.memref_slice %arg7[%add3A_267, %dma_wait3A_273] : memref<80x128xi32, #tpu.memory_space<vmem>> -> memref<1x128xi32, #tpu.memory_space<vmem>>
      %dma_wait3A_275 = tpu.memref_squeeze %dma_wait3A_274 : memref<1x128xi32, #tpu.memory_space<vmem>> -> memref<128xi32, #tpu.memory_space<vmem>>
      %dma_wait3A_276 = arith.constant 0 : i32
      %dma_wait3A_277 = arith.constant 0 : i32
      %dma_wait3A_278 = tpu.memref_slice %arg2[%dma_wait3A_276, %dma_wait3A_277] : memref<10000x64xf32, #tpu.memory_space<hbm>> -> memref<10000x64xf32, #tpu.memory_space<hbm>>
      tpu.wait_indirect_dma semaphore(%arg17 : memref<!tpu.dma_semaphore, #tpu.memory_space<semaphore_mem>>) src(%dma_wait3A_278 : memref<10000x64xf32, #tpu.memory_space<hbm>>) dst(%dma_wait3A_272 : memref<128x64xf32, #tpu.memory_space<vmem>>)
      %add3A_279 = arith.constant 6 : i32
      %add3A_280 = arith.addi %mul3A_110, %add3A_279 : i32
      %dma_start3A_281 = arith.constant 6 : i32
      %dma_start3A_282 = arith.constant 0 : i32
      %dma_start3A_283 = arith.constant 0 : i32
      %dma_start3A_284 = tpu.memref_slice %arg9[%dma_start3A_281, %dma_start3A_282, %dma_start3A_283] : memref<8x128x64xf32, #tpu.memory_space<vmem>> -> memref<1x128x64xf32, #tpu.memory_space<vmem>>
      %dma_start3A_285 = tpu.memref_squeeze %dma_start3A_284 : memref<1x128x64xf32, #tpu.memory_space<vmem>> -> memref<128x64xf32, #tpu.memory_space<vmem>>
      %dma_start3A_286 = arith.constant 0 : i32
      %dma_start3A_287 = tpu.memref_slice %arg8[%add3A_280, %dma_start3A_286] : memref<80x128xi32, #tpu.memory_space<vmem>> -> memref<1x128xi32, #tpu.memory_space<vmem>>
      %dma_start3A_288 = tpu.memref_squeeze %dma_start3A_287 : memref<1x128xi32, #tpu.memory_space<vmem>> -> memref<128xi32, #tpu.memory_space<vmem>>
      %dma_start3A_289 = arith.constant 0 : i32
      %dma_start3A_290 = arith.constant 0 : i32
      %dma_start3A_291 = tpu.memref_slice %arg10[%dma_start3A_289, %dma_start3A_290] : memref<10240x64xf32, #tpu.memory_space<vmem_shared>> -> memref<10240x64xf32, #tpu.memory_space<vmem_shared>>
      tpu.enqueue_indirect_dma source(%dma_start3A_285 : memref<128x64xf32, #tpu.memory_space<vmem>>) target(%dma_start3A_291 : memref<10240x64xf32, #tpu.memory_space<vmem_shared>>) offsets(%dma_start3A_288 : memref<128xi32, #tpu.memory_space<vmem>>) semaphore(%arg25 : memref<!tpu.dma_semaphore, #tpu.memory_space<semaphore_mem>>) {add = true}
      %add3A_292 = arith.constant 7 : i32
      %add3A_293 = arith.addi %mul3A_110, %add3A_292 : i32
      %dma_wait3A_294 = arith.constant 7 : i32
      %dma_wait3A_295 = arith.constant 0 : i32
      %dma_wait3A_296 = arith.constant 0 : i32
      %dma_wait3A_297 = tpu.memref_slice %arg9[%dma_wait3A_294, %dma_wait3A_295, %dma_wait3A_296] : memref<8x128x64xf32, #tpu.memory_space<vmem>> -> memref<1x128x64xf32, #tpu.memory_space<vmem>>
      %dma_wait3A_298 = tpu.memref_squeeze %dma_wait3A_297 : memref<1x128x64xf32, #tpu.memory_space<vmem>> -> memref<128x64xf32, #tpu.memory_space<vmem>>
      %dma_wait3A_299 = arith.constant 0 : i32
      %dma_wait3A_300 = tpu.memref_slice %arg7[%add3A_293, %dma_wait3A_299] : memref<80x128xi32, #tpu.memory_space<vmem>> -> memref<1x128xi32, #tpu.memory_space<vmem>>
      %dma_wait3A_301 = tpu.memref_squeeze %dma_wait3A_300 : memref<1x128xi32, #tpu.memory_space<vmem>> -> memref<128xi32, #tpu.memory_space<vmem>>
      %dma_wait3A_302 = arith.constant 0 : i32
      %dma_wait3A_303 = arith.constant 0 : i32
      %dma_wait3A_304 = tpu.memref_slice %arg2[%dma_wait3A_302, %dma_wait3A_303] : memref<10000x64xf32, #tpu.memory_space<hbm>> -> memref<10000x64xf32, #tpu.memory_space<hbm>>
      tpu.wait_indirect_dma semaphore(%arg18 : memref<!tpu.dma_semaphore, #tpu.memory_space<semaphore_mem>>) src(%dma_wait3A_304 : memref<10000x64xf32, #tpu.memory_space<hbm>>) dst(%dma_wait3A_298 : memref<128x64xf32, #tpu.memory_space<vmem>>)
      %add3A_305 = arith.constant 7 : i32
      %add3A_306 = arith.addi %mul3A_110, %add3A_305 : i32
      %dma_start3A_307 = arith.constant 7 : i32
      %dma_start3A_308 = arith.constant 0 : i32
      %dma_start3A_309 = arith.constant 0 : i32
      %dma_start3A_310 = tpu.memref_slice %arg9[%dma_start3A_307, %dma_start3A_308, %dma_start3A_309] : memref<8x128x64xf32, #tpu.memory_space<vmem>> -> memref<1x128x64xf32, #tpu.memory_space<vmem>>
      %dma_start3A_311 = tpu.memref_squeeze %dma_start3A_310 : memref<1x128x64xf32, #tpu.memory_space<vmem>> -> memref<128x64xf32, #tpu.memory_space<vmem>>
      %dma_start3A_312 = arith.constant 0 : i32
      %dma_start3A_313 = tpu.memref_slice %arg8[%add3A_306, %dma_start3A_312] : memref<80x128xi32, #tpu.memory_space<vmem>> -> memref<1x128xi32, #tpu.memory_space<vmem>>
      %dma_start3A_314 = tpu.memref_squeeze %dma_start3A_313 : memref<1x128xi32, #tpu.memory_space<vmem>> -> memref<128xi32, #tpu.memory_space<vmem>>
      %dma_start3A_315 = arith.constant 0 : i32
      %dma_start3A_316 = arith.constant 0 : i32
      %dma_start3A_317 = tpu.memref_slice %arg10[%dma_start3A_315, %dma_start3A_316] : memref<10240x64xf32, #tpu.memory_space<vmem_shared>> -> memref<10240x64xf32, #tpu.memory_space<vmem_shared>>
      tpu.enqueue_indirect_dma source(%dma_start3A_311 : memref<128x64xf32, #tpu.memory_space<vmem>>) target(%dma_start3A_317 : memref<10240x64xf32, #tpu.memory_space<vmem_shared>>) offsets(%dma_start3A_314 : memref<128xi32, #tpu.memory_space<vmem>>) semaphore(%arg26 : memref<!tpu.dma_semaphore, #tpu.memory_space<semaphore_mem>>) {add = true}
      %add3A_318 = arith.constant 0 : i32
      %add3A_319 = arith.addi %mul3A_110, %add3A_318 : i32
      %dma_wait3A_320 = arith.constant 0 : i32
      %dma_wait3A_321 = arith.constant 0 : i32
      %dma_wait3A_322 = arith.constant 0 : i32
      %dma_wait3A_323 = tpu.memref_slice %arg9[%dma_wait3A_320, %dma_wait3A_321, %dma_wait3A_322] : memref<8x128x64xf32, #tpu.memory_space<vmem>> -> memref<1x128x64xf32, #tpu.memory_space<vmem>>
      %dma_wait3A_324 = tpu.memref_squeeze %dma_wait3A_323 : memref<1x128x64xf32, #tpu.memory_space<vmem>> -> memref<128x64xf32, #tpu.memory_space<vmem>>
      %dma_wait3A_325 = arith.constant 0 : i32
      %dma_wait3A_326 = tpu.memref_slice %arg8[%add3A_319, %dma_wait3A_325] : memref<80x128xi32, #tpu.memory_space<vmem>> -> memref<1x128xi32, #tpu.memory_space<vmem>>
      %dma_wait3A_327 = tpu.memref_squeeze %dma_wait3A_326 : memref<1x128xi32, #tpu.memory_space<vmem>> -> memref<128xi32, #tpu.memory_space<vmem>>
      %dma_wait3A_328 = arith.constant 0 : i32
      %dma_wait3A_329 = arith.constant 0 : i32
      %dma_wait3A_330 = tpu.memref_slice %arg10[%dma_wait3A_328, %dma_wait3A_329] : memref<10240x64xf32, #tpu.memory_space<vmem_shared>> -> memref<10240x64xf32, #tpu.memory_space<vmem_shared>>
      tpu.wait_indirect_dma semaphore(%arg19 : memref<!tpu.dma_semaphore, #tpu.memory_space<semaphore_mem>>) src(%dma_wait3A_324 : memref<128x64xf32, #tpu.memory_space<vmem>>) dst(%dma_wait3A_330 : memref<10240x64xf32, #tpu.memory_space<vmem_shared>>)
      %add3A_331 = arith.constant 1 : i32
      %add3A_332 = arith.addi %scan3A_108, %add3A_331 : i32
      %lt3A = arith.constant 10 : i32
      %lt3A_333 = arith.cmpi slt, %add3A_332, %lt3A : i32
      %convert_element_type3A = arith.extui %lt3A_333 : i1 to i32
      %cond3A = arith.constant 0 : i32
      %cond3A_334 = arith.cmpi ne, %convert_element_type3A, %cond3A : i32
      scf.if %cond3A_334 {
        %add3A_475 = arith.constant 8 : i32
        %add3A_476 = arith.addi %mul3A_110, %add3A_475 : i32
        %add3A_477 = arith.constant 0 : i32
        %add3A_478 = arith.addi %add3A_476, %add3A_477 : i32
        %dma_start3A_479 = arith.constant 0 : i32
        %dma_start3A_480 = arith.constant 0 : i32
        %dma_start3A_481 = arith.constant 0 : i32
        %dma_start3A_482 = tpu.memref_slice %arg9[%dma_start3A_479, %dma_start3A_480, %dma_start3A_481] : memref<8x128x64xf32, #tpu.memory_space<vmem>> -> memref<1x128x64xf32, #tpu.memory_space<vmem>>
        %dma_start3A_483 = tpu.memref_squeeze %dma_start3A_482 : memref<1x128x64xf32, #tpu.memory_space<vmem>> -> memref<128x64xf32, #tpu.memory_space<vmem>>
        %dma_start3A_484 = arith.constant 0 : i32
        %dma_start3A_485 = tpu.memref_slice %arg7[%add3A_478, %dma_start3A_484] : memref<80x128xi32, #tpu.memory_space<vmem>> -> memref<1x128xi32, #tpu.memory_space<vmem>>
        %dma_start3A_486 = tpu.memref_squeeze %dma_start3A_485 : memref<1x128xi32, #tpu.memory_space<vmem>> -> memref<128xi32, #tpu.memory_space<vmem>>
        %dma_start3A_487 = arith.constant 0 : i32
        %dma_start3A_488 = arith.constant 0 : i32
        %dma_start3A_489 = tpu.memref_slice %arg2[%dma_start3A_487, %dma_start3A_488] : memref<10000x64xf32, #tpu.memory_space<hbm>> -> memref<10000x64xf32, #tpu.memory_space<hbm>>
        tpu.enqueue_indirect_dma source(%dma_start3A_489 : memref<10000x64xf32, #tpu.memory_space<hbm>>) target(%dma_start3A_483 : memref<128x64xf32, #tpu.memory_space<vmem>>) offsets(%dma_start3A_486 : memref<128xi32, #tpu.memory_space<vmem>>) semaphore(%arg11 : memref<!tpu.dma_semaphore, #tpu.memory_space<semaphore_mem>>)
      } else {
      }
      %add3A_335 = arith.constant 1 : i32
      %add3A_336 = arith.addi %mul3A_110, %add3A_335 : i32
      %dma_wait3A_337 = arith.constant 1 : i32
      %dma_wait3A_338 = arith.constant 0 : i32
      %dma_wait3A_339 = arith.constant 0 : i32
      %dma_wait3A_340 = tpu.memref_slice %arg9[%dma_wait3A_337, %dma_wait3A_338, %dma_wait3A_339] : memref<8x128x64xf32, #tpu.memory_space<vmem>> -> memref<1x128x64xf32, #tpu.memory_space<vmem>>
      %dma_wait3A_341 = tpu.memref_squeeze %dma_wait3A_340 : memref<1x128x64xf32, #tpu.memory_space<vmem>> -> memref<128x64xf32, #tpu.memory_space<vmem>>
      %dma_wait3A_342 = arith.constant 0 : i32
      %dma_wait3A_343 = tpu.memref_slice %arg8[%add3A_336, %dma_wait3A_342] : memref<80x128xi32, #tpu.memory_space<vmem>> -> memref<1x128xi32, #tpu.memory_space<vmem>>
      %dma_wait3A_344 = tpu.memref_squeeze %dma_wait3A_343 : memref<1x128xi32, #tpu.memory_space<vmem>> -> memref<128xi32, #tpu.memory_space<vmem>>
      %dma_wait3A_345 = arith.constant 0 : i32
      %dma_wait3A_346 = arith.constant 0 : i32
      %dma_wait3A_347 = tpu.memref_slice %arg10[%dma_wait3A_345, %dma_wait3A_346] : memref<10240x64xf32, #tpu.memory_space<vmem_shared>> -> memref<10240x64xf32, #tpu.memory_space<vmem_shared>>
      tpu.wait_indirect_dma semaphore(%arg20 : memref<!tpu.dma_semaphore, #tpu.memory_space<semaphore_mem>>) src(%dma_wait3A_341 : memref<128x64xf32, #tpu.memory_space<vmem>>) dst(%dma_wait3A_347 : memref<10240x64xf32, #tpu.memory_space<vmem_shared>>)
      %add3A_348 = arith.constant 1 : i32
      %add3A_349 = arith.addi %scan3A_108, %add3A_348 : i32
      %lt3A_350 = arith.constant 10 : i32
      %lt3A_351 = arith.cmpi slt, %add3A_349, %lt3A_350 : i32
      %convert_element_type3A_352 = arith.extui %lt3A_351 : i1 to i32
      %cond3A_353 = arith.constant 0 : i32
      %cond3A_354 = arith.cmpi ne, %convert_element_type3A_352, %cond3A_353 : i32
      scf.if %cond3A_354 {
        %add3A_475 = arith.constant 8 : i32
        %add3A_476 = arith.addi %mul3A_110, %add3A_475 : i32
        %add3A_477 = arith.constant 1 : i32
        %add3A_478 = arith.addi %add3A_476, %add3A_477 : i32
        %dma_start3A_479 = arith.constant 1 : i32
        %dma_start3A_480 = arith.constant 0 : i32
        %dma_start3A_481 = arith.constant 0 : i32
        %dma_start3A_482 = tpu.memref_slice %arg9[%dma_start3A_479, %dma_start3A_480, %dma_start3A_481] : memref<8x128x64xf32, #tpu.memory_space<vmem>> -> memref<1x128x64xf32, #tpu.memory_space<vmem>>
        %dma_start3A_483 = tpu.memref_squeeze %dma_start3A_482 : memref<1x128x64xf32, #tpu.memory_space<vmem>> -> memref<128x64xf32, #tpu.memory_space<vmem>>
        %dma_start3A_484 = arith.constant 0 : i32
        %dma_start3A_485 = tpu.memref_slice %arg7[%add3A_478, %dma_start3A_484] : memref<80x128xi32, #tpu.memory_space<vmem>> -> memref<1x128xi32, #tpu.memory_space<vmem>>
        %dma_start3A_486 = tpu.memref_squeeze %dma_start3A_485 : memref<1x128xi32, #tpu.memory_space<vmem>> -> memref<128xi32, #tpu.memory_space<vmem>>
        %dma_start3A_487 = arith.constant 0 : i32
        %dma_start3A_488 = arith.constant 0 : i32
        %dma_start3A_489 = tpu.memref_slice %arg2[%dma_start3A_487, %dma_start3A_488] : memref<10000x64xf32, #tpu.memory_space<hbm>> -> memref<10000x64xf32, #tpu.memory_space<hbm>>
        tpu.enqueue_indirect_dma source(%dma_start3A_489 : memref<10000x64xf32, #tpu.memory_space<hbm>>) target(%dma_start3A_483 : memref<128x64xf32, #tpu.memory_space<vmem>>) offsets(%dma_start3A_486 : memref<128xi32, #tpu.memory_space<vmem>>) semaphore(%arg12 : memref<!tpu.dma_semaphore, #tpu.memory_space<semaphore_mem>>)
      } else {
      }
      %add3A_355 = arith.constant 2 : i32
      %add3A_356 = arith.addi %mul3A_110, %add3A_355 : i32
      %dma_wait3A_357 = arith.constant 2 : i32
      %dma_wait3A_358 = arith.constant 0 : i32
      %dma_wait3A_359 = arith.constant 0 : i32
      %dma_wait3A_360 = tpu.memref_slice %arg9[%dma_wait3A_357, %dma_wait3A_358, %dma_wait3A_359] : memref<8x128x64xf32, #tpu.memory_space<vmem>> -> memref<1x128x64xf32, #tpu.memory_space<vmem>>
      %dma_wait3A_361 = tpu.memref_squeeze %dma_wait3A_360 : memref<1x128x64xf32, #tpu.memory_space<vmem>> -> memref<128x64xf32, #tpu.memory_space<vmem>>
      %dma_wait3A_362 = arith.constant 0 : i32
      %dma_wait3A_363 = tpu.memref_slice %arg8[%add3A_356, %dma_wait3A_362] : memref<80x128xi32, #tpu.memory_space<vmem>> -> memref<1x128xi32, #tpu.memory_space<vmem>>
      %dma_wait3A_364 = tpu.memref_squeeze %dma_wait3A_363 : memref<1x128xi32, #tpu.memory_space<vmem>> -> memref<128xi32, #tpu.memory_space<vmem>>
      %dma_wait3A_365 = arith.constant 0 : i32
      %dma_wait3A_366 = arith.constant 0 : i32
      %dma_wait3A_367 = tpu.memref_slice %arg10[%dma_wait3A_365, %dma_wait3A_366] : memref<10240x64xf32, #tpu.memory_space<vmem_shared>> -> memref<10240x64xf32, #tpu.memory_space<vmem_shared>>
      tpu.wait_indirect_dma semaphore(%arg21 : memref<!tpu.dma_semaphore, #tpu.memory_space<semaphore_mem>>) src(%dma_wait3A_361 : memref<128x64xf32, #tpu.memory_space<vmem>>) dst(%dma_wait3A_367 : memref<10240x64xf32, #tpu.memory_space<vmem_shared>>)
      %add3A_368 = arith.constant 1 : i32
      %add3A_369 = arith.addi %scan3A_108, %add3A_368 : i32
      %lt3A_370 = arith.constant 10 : i32
      %lt3A_371 = arith.cmpi slt, %add3A_369, %lt3A_370 : i32
      %convert_element_type3A_372 = arith.extui %lt3A_371 : i1 to i32
      %cond3A_373 = arith.constant 0 : i32
      %cond3A_374 = arith.cmpi ne, %convert_element_type3A_372, %cond3A_373 : i32
      scf.if %cond3A_374 {
        %add3A_475 = arith.constant 8 : i32
        %add3A_476 = arith.addi %mul3A_110, %add3A_475 : i32
        %add3A_477 = arith.constant 2 : i32
        %add3A_478 = arith.addi %add3A_476, %add3A_477 : i32
        %dma_start3A_479 = arith.constant 2 : i32
        %dma_start3A_480 = arith.constant 0 : i32
        %dma_start3A_481 = arith.constant 0 : i32
        %dma_start3A_482 = tpu.memref_slice %arg9[%dma_start3A_479, %dma_start3A_480, %dma_start3A_481] : memref<8x128x64xf32, #tpu.memory_space<vmem>> -> memref<1x128x64xf32, #tpu.memory_space<vmem>>
        %dma_start3A_483 = tpu.memref_squeeze %dma_start3A_482 : memref<1x128x64xf32, #tpu.memory_space<vmem>> -> memref<128x64xf32, #tpu.memory_space<vmem>>
        %dma_start3A_484 = arith.constant 0 : i32
        %dma_start3A_485 = tpu.memref_slice %arg7[%add3A_478, %dma_start3A_484] : memref<80x128xi32, #tpu.memory_space<vmem>> -> memref<1x128xi32, #tpu.memory_space<vmem>>
        %dma_start3A_486 = tpu.memref_squeeze %dma_start3A_485 : memref<1x128xi32, #tpu.memory_space<vmem>> -> memref<128xi32, #tpu.memory_space<vmem>>
        %dma_start3A_487 = arith.constant 0 : i32
        %dma_start3A_488 = arith.constant 0 : i32
        %dma_start3A_489 = tpu.memref_slice %arg2[%dma_start3A_487, %dma_start3A_488] : memref<10000x64xf32, #tpu.memory_space<hbm>> -> memref<10000x64xf32, #tpu.memory_space<hbm>>
        tpu.enqueue_indirect_dma source(%dma_start3A_489 : memref<10000x64xf32, #tpu.memory_space<hbm>>) target(%dma_start3A_483 : memref<128x64xf32, #tpu.memory_space<vmem>>) offsets(%dma_start3A_486 : memref<128xi32, #tpu.memory_space<vmem>>) semaphore(%arg13 : memref<!tpu.dma_semaphore, #tpu.memory_space<semaphore_mem>>)
      } else {
      }
      %add3A_375 = arith.constant 3 : i32
      %add3A_376 = arith.addi %mul3A_110, %add3A_375 : i32
      %dma_wait3A_377 = arith.constant 3 : i32
      %dma_wait3A_378 = arith.constant 0 : i32
      %dma_wait3A_379 = arith.constant 0 : i32
      %dma_wait3A_380 = tpu.memref_slice %arg9[%dma_wait3A_377, %dma_wait3A_378, %dma_wait3A_379] : memref<8x128x64xf32, #tpu.memory_space<vmem>> -> memref<1x128x64xf32, #tpu.memory_space<vmem>>
      %dma_wait3A_381 = tpu.memref_squeeze %dma_wait3A_380 : memref<1x128x64xf32, #tpu.memory_space<vmem>> -> memref<128x64xf32, #tpu.memory_space<vmem>>
      %dma_wait3A_382 = arith.constant 0 : i32
      %dma_wait3A_383 = tpu.memref_slice %arg8[%add3A_376, %dma_wait3A_382] : memref<80x128xi32, #tpu.memory_space<vmem>> -> memref<1x128xi32, #tpu.memory_space<vmem>>
      %dma_wait3A_384 = tpu.memref_squeeze %dma_wait3A_383 : memref<1x128xi32, #tpu.memory_space<vmem>> -> memref<128xi32, #tpu.memory_space<vmem>>
      %dma_wait3A_385 = arith.constant 0 : i32
      %dma_wait3A_386 = arith.constant 0 : i32
      %dma_wait3A_387 = tpu.memref_slice %arg10[%dma_wait3A_385, %dma_wait3A_386] : memref<10240x64xf32, #tpu.memory_space<vmem_shared>> -> memref<10240x64xf32, #tpu.memory_space<vmem_shared>>
      tpu.wait_indirect_dma semaphore(%arg22 : memref<!tpu.dma_semaphore, #tpu.memory_space<semaphore_mem>>) src(%dma_wait3A_381 : memref<128x64xf32, #tpu.memory_space<vmem>>) dst(%dma_wait3A_387 : memref<10240x64xf32, #tpu.memory_space<vmem_shared>>)
      %add3A_388 = arith.constant 1 : i32
      %add3A_389 = arith.addi %scan3A_108, %add3A_388 : i32
      %lt3A_390 = arith.constant 10 : i32
      %lt3A_391 = arith.cmpi slt, %add3A_389, %lt3A_390 : i32
      %convert_element_type3A_392 = arith.extui %lt3A_391 : i1 to i32
      %cond3A_393 = arith.constant 0 : i32
      %cond3A_394 = arith.cmpi ne, %convert_element_type3A_392, %cond3A_393 : i32
      scf.if %cond3A_394 {
        %add3A_475 = arith.constant 8 : i32
        %add3A_476 = arith.addi %mul3A_110, %add3A_475 : i32
        %add3A_477 = arith.constant 3 : i32
        %add3A_478 = arith.addi %add3A_476, %add3A_477 : i32
        %dma_start3A_479 = arith.constant 3 : i32
        %dma_start3A_480 = arith.constant 0 : i32
        %dma_start3A_481 = arith.constant 0 : i32
        %dma_start3A_482 = tpu.memref_slice %arg9[%dma_start3A_479, %dma_start3A_480, %dma_start3A_481] : memref<8x128x64xf32, #tpu.memory_space<vmem>> -> memref<1x128x64xf32, #tpu.memory_space<vmem>>
        %dma_start3A_483 = tpu.memref_squeeze %dma_start3A_482 : memref<1x128x64xf32, #tpu.memory_space<vmem>> -> memref<128x64xf32, #tpu.memory_space<vmem>>
        %dma_start3A_484 = arith.constant 0 : i32
        %dma_start3A_485 = tpu.memref_slice %arg7[%add3A_478, %dma_start3A_484] : memref<80x128xi32, #tpu.memory_space<vmem>> -> memref<1x128xi32, #tpu.memory_space<vmem>>
        %dma_start3A_486 = tpu.memref_squeeze %dma_start3A_485 : memref<1x128xi32, #tpu.memory_space<vmem>> -> memref<128xi32, #tpu.memory_space<vmem>>
        %dma_start3A_487 = arith.constant 0 : i32
        %dma_start3A_488 = arith.constant 0 : i32
        %dma_start3A_489 = tpu.memref_slice %arg2[%dma_start3A_487, %dma_start3A_488] : memref<10000x64xf32, #tpu.memory_space<hbm>> -> memref<10000x64xf32, #tpu.memory_space<hbm>>
        tpu.enqueue_indirect_dma source(%dma_start3A_489 : memref<10000x64xf32, #tpu.memory_space<hbm>>) target(%dma_start3A_483 : memref<128x64xf32, #tpu.memory_space<vmem>>) offsets(%dma_start3A_486 : memref<128xi32, #tpu.memory_space<vmem>>) semaphore(%arg14 : memref<!tpu.dma_semaphore, #tpu.memory_space<semaphore_mem>>)
      } else {
      }
      %add3A_395 = arith.constant 4 : i32
      %add3A_396 = arith.addi %mul3A_110, %add3A_395 : i32
      %dma_wait3A_397 = arith.constant 4 : i32
      %dma_wait3A_398 = arith.constant 0 : i32
      %dma_wait3A_399 = arith.constant 0 : i32
      %dma_wait3A_400 = tpu.memref_slice %arg9[%dma_wait3A_397, %dma_wait3A_398, %dma_wait3A_399] : memref<8x128x64xf32, #tpu.memory_space<vmem>> -> memref<1x128x64xf32, #tpu.memory_space<vmem>>
      %dma_wait3A_401 = tpu.memref_squeeze %dma_wait3A_400 : memref<1x128x64xf32, #tpu.memory_space<vmem>> -> memref<128x64xf32, #tpu.memory_space<vmem>>
      %dma_wait3A_402 = arith.constant 0 : i32
      %dma_wait3A_403 = tpu.memref_slice %arg8[%add3A_396, %dma_wait3A_402] : memref<80x128xi32, #tpu.memory_space<vmem>> -> memref<1x128xi32, #tpu.memory_space<vmem>>
      %dma_wait3A_404 = tpu.memref_squeeze %dma_wait3A_403 : memref<1x128xi32, #tpu.memory_space<vmem>> -> memref<128xi32, #tpu.memory_space<vmem>>
      %dma_wait3A_405 = arith.constant 0 : i32
      %dma_wait3A_406 = arith.constant 0 : i32
      %dma_wait3A_407 = tpu.memref_slice %arg10[%dma_wait3A_405, %dma_wait3A_406] : memref<10240x64xf32, #tpu.memory_space<vmem_shared>> -> memref<10240x64xf32, #tpu.memory_space<vmem_shared>>
      tpu.wait_indirect_dma semaphore(%arg23 : memref<!tpu.dma_semaphore, #tpu.memory_space<semaphore_mem>>) src(%dma_wait3A_401 : memref<128x64xf32, #tpu.memory_space<vmem>>) dst(%dma_wait3A_407 : memref<10240x64xf32, #tpu.memory_space<vmem_shared>>)
      %add3A_408 = arith.constant 1 : i32
      %add3A_409 = arith.addi %scan3A_108, %add3A_408 : i32
      %lt3A_410 = arith.constant 10 : i32
      %lt3A_411 = arith.cmpi slt, %add3A_409, %lt3A_410 : i32
      %convert_element_type3A_412 = arith.extui %lt3A_411 : i1 to i32
      %cond3A_413 = arith.constant 0 : i32
      %cond3A_414 = arith.cmpi ne, %convert_element_type3A_412, %cond3A_413 : i32
      scf.if %cond3A_414 {
        %add3A_475 = arith.constant 8 : i32
        %add3A_476 = arith.addi %mul3A_110, %add3A_475 : i32
        %add3A_477 = arith.constant 4 : i32
        %add3A_478 = arith.addi %add3A_476, %add3A_477 : i32
        %dma_start3A_479 = arith.constant 4 : i32
        %dma_start3A_480 = arith.constant 0 : i32
        %dma_start3A_481 = arith.constant 0 : i32
        %dma_start3A_482 = tpu.memref_slice %arg9[%dma_start3A_479, %dma_start3A_480, %dma_start3A_481] : memref<8x128x64xf32, #tpu.memory_space<vmem>> -> memref<1x128x64xf32, #tpu.memory_space<vmem>>
        %dma_start3A_483 = tpu.memref_squeeze %dma_start3A_482 : memref<1x128x64xf32, #tpu.memory_space<vmem>> -> memref<128x64xf32, #tpu.memory_space<vmem>>
        %dma_start3A_484 = arith.constant 0 : i32
        %dma_start3A_485 = tpu.memref_slice %arg7[%add3A_478, %dma_start3A_484] : memref<80x128xi32, #tpu.memory_space<vmem>> -> memref<1x128xi32, #tpu.memory_space<vmem>>
        %dma_start3A_486 = tpu.memref_squeeze %dma_start3A_485 : memref<1x128xi32, #tpu.memory_space<vmem>> -> memref<128xi32, #tpu.memory_space<vmem>>
        %dma_start3A_487 = arith.constant 0 : i32
        %dma_start3A_488 = arith.constant 0 : i32
        %dma_start3A_489 = tpu.memref_slice %arg2[%dma_start3A_487, %dma_start3A_488] : memref<10000x64xf32, #tpu.memory_space<hbm>> -> memref<10000x64xf32, #tpu.memory_space<hbm>>
        tpu.enqueue_indirect_dma source(%dma_start3A_489 : memref<10000x64xf32, #tpu.memory_space<hbm>>) target(%dma_start3A_483 : memref<128x64xf32, #tpu.memory_space<vmem>>) offsets(%dma_start3A_486 : memref<128xi32, #tpu.memory_space<vmem>>) semaphore(%arg15 : memref<!tpu.dma_semaphore, #tpu.memory_space<semaphore_mem>>)
      } else {
      }
      %add3A_415 = arith.constant 5 : i32
      %add3A_416 = arith.addi %mul3A_110, %add3A_415 : i32
      %dma_wait3A_417 = arith.constant 5 : i32
      %dma_wait3A_418 = arith.constant 0 : i32
      %dma_wait3A_419 = arith.constant 0 : i32
      %dma_wait3A_420 = tpu.memref_slice %arg9[%dma_wait3A_417, %dma_wait3A_418, %dma_wait3A_419] : memref<8x128x64xf32, #tpu.memory_space<vmem>> -> memref<1x128x64xf32, #tpu.memory_space<vmem>>
      %dma_wait3A_421 = tpu.memref_squeeze %dma_wait3A_420 : memref<1x128x64xf32, #tpu.memory_space<vmem>> -> memref<128x64xf32, #tpu.memory_space<vmem>>
      %dma_wait3A_422 = arith.constant 0 : i32
      %dma_wait3A_423 = tpu.memref_slice %arg8[%add3A_416, %dma_wait3A_422] : memref<80x128xi32, #tpu.memory_space<vmem>> -> memref<1x128xi32, #tpu.memory_space<vmem>>
      %dma_wait3A_424 = tpu.memref_squeeze %dma_wait3A_423 : memref<1x128xi32, #tpu.memory_space<vmem>> -> memref<128xi32, #tpu.memory_space<vmem>>
      %dma_wait3A_425 = arith.constant 0 : i32
      %dma_wait3A_426 = arith.constant 0 : i32
      %dma_wait3A_427 = tpu.memref_slice %arg10[%dma_wait3A_425, %dma_wait3A_426] : memref<10240x64xf32, #tpu.memory_space<vmem_shared>> -> memref<10240x64xf32, #tpu.memory_space<vmem_shared>>
      tpu.wait_indirect_dma semaphore(%arg24 : memref<!tpu.dma_semaphore, #tpu.memory_space<semaphore_mem>>) src(%dma_wait3A_421 : memref<128x64xf32, #tpu.memory_space<vmem>>) dst(%dma_wait3A_427 : memref<10240x64xf32, #tpu.memory_space<vmem_shared>>)
      %add3A_428 = arith.constant 1 : i32
      %add3A_429 = arith.addi %scan3A_108, %add3A_428 : i32
      %lt3A_430 = arith.constant 10 : i32
      %lt3A_431 = arith.cmpi slt, %add3A_429, %lt3A_430 : i32
      %convert_element_type3A_432 = arith.extui %lt3A_431 : i1 to i32
      %cond3A_433 = arith.constant 0 : i32
      %cond3A_434 = arith.cmpi ne, %convert_element_type3A_432, %cond3A_433 : i32
      scf.if %cond3A_434 {
        %add3A_475 = arith.constant 8 : i32
        %add3A_476 = arith.addi %mul3A_110, %add3A_475 : i32
        %add3A_477 = arith.constant 5 : i32
        %add3A_478 = arith.addi %add3A_476, %add3A_477 : i32
        %dma_start3A_479 = arith.constant 5 : i32
        %dma_start3A_480 = arith.constant 0 : i32
        %dma_start3A_481 = arith.constant 0 : i32
        %dma_start3A_482 = tpu.memref_slice %arg9[%dma_start3A_479, %dma_start3A_480, %dma_start3A_481] : memref<8x128x64xf32, #tpu.memory_space<vmem>> -> memref<1x128x64xf32, #tpu.memory_space<vmem>>
        %dma_start3A_483 = tpu.memref_squeeze %dma_start3A_482 : memref<1x128x64xf32, #tpu.memory_space<vmem>> -> memref<128x64xf32, #tpu.memory_space<vmem>>
        %dma_start3A_484 = arith.constant 0 : i32
        %dma_start3A_485 = tpu.memref_slice %arg7[%add3A_478, %dma_start3A_484] : memref<80x128xi32, #tpu.memory_space<vmem>> -> memref<1x128xi32, #tpu.memory_space<vmem>>
        %dma_start3A_486 = tpu.memref_squeeze %dma_start3A_485 : memref<1x128xi32, #tpu.memory_space<vmem>> -> memref<128xi32, #tpu.memory_space<vmem>>
        %dma_start3A_487 = arith.constant 0 : i32
        %dma_start3A_488 = arith.constant 0 : i32
        %dma_start3A_489 = tpu.memref_slice %arg2[%dma_start3A_487, %dma_start3A_488] : memref<10000x64xf32, #tpu.memory_space<hbm>> -> memref<10000x64xf32, #tpu.memory_space<hbm>>
        tpu.enqueue_indirect_dma source(%dma_start3A_489 : memref<10000x64xf32, #tpu.memory_space<hbm>>) target(%dma_start3A_483 : memref<128x64xf32, #tpu.memory_space<vmem>>) offsets(%dma_start3A_486 : memref<128xi32, #tpu.memory_space<vmem>>) semaphore(%arg16 : memref<!tpu.dma_semaphore, #tpu.memory_space<semaphore_mem>>)
      } else {
      }
      %add3A_435 = arith.constant 6 : i32
      %add3A_436 = arith.addi %mul3A_110, %add3A_435 : i32
      %dma_wait3A_437 = arith.constant 6 : i32
      %dma_wait3A_438 = arith.constant 0 : i32
      %dma_wait3A_439 = arith.constant 0 : i32
      %dma_wait3A_440 = tpu.memref_slice %arg9[%dma_wait3A_437, %dma_wait3A_438, %dma_wait3A_439] : memref<8x128x64xf32, #tpu.memory_space<vmem>> -> memref<1x128x64xf32, #tpu.memory_space<vmem>>
      %dma_wait3A_441 = tpu.memref_squeeze %dma_wait3A_440 : memref<1x128x64xf32, #tpu.memory_space<vmem>> -> memref<128x64xf32, #tpu.memory_space<vmem>>
      %dma_wait3A_442 = arith.constant 0 : i32
      %dma_wait3A_443 = tpu.memref_slice %arg8[%add3A_436, %dma_wait3A_442] : memref<80x128xi32, #tpu.memory_space<vmem>> -> memref<1x128xi32, #tpu.memory_space<vmem>>
      %dma_wait3A_444 = tpu.memref_squeeze %dma_wait3A_443 : memref<1x128xi32, #tpu.memory_space<vmem>> -> memref<128xi32, #tpu.memory_space<vmem>>
      %dma_wait3A_445 = arith.constant 0 : i32
      %dma_wait3A_446 = arith.constant 0 : i32
      %dma_wait3A_447 = tpu.memref_slice %arg10[%dma_wait3A_445, %dma_wait3A_446] : memref<10240x64xf32, #tpu.memory_space<vmem_shared>> -> memref<10240x64xf32, #tpu.memory_space<vmem_shared>>
      tpu.wait_indirect_dma semaphore(%arg25 : memref<!tpu.dma_semaphore, #tpu.memory_space<semaphore_mem>>) src(%dma_wait3A_441 : memref<128x64xf32, #tpu.memory_space<vmem>>) dst(%dma_wait3A_447 : memref<10240x64xf32, #tpu.memory_space<vmem_shared>>)
      %add3A_448 = arith.constant 1 : i32
      %add3A_449 = arith.addi %scan3A_108, %add3A_448 : i32
      %lt3A_450 = arith.constant 10 : i32
      %lt3A_451 = arith.cmpi slt, %add3A_449, %lt3A_450 : i32
      %convert_element_type3A_452 = arith.extui %lt3A_451 : i1 to i32
      %cond3A_453 = arith.constant 0 : i32
      %cond3A_454 = arith.cmpi ne, %convert_element_type3A_452, %cond3A_453 : i32
      scf.if %cond3A_454 {
        %add3A_475 = arith.constant 8 : i32
        %add3A_476 = arith.addi %mul3A_110, %add3A_475 : i32
        %add3A_477 = arith.constant 6 : i32
        %add3A_478 = arith.addi %add3A_476, %add3A_477 : i32
        %dma_start3A_479 = arith.constant 6 : i32
        %dma_start3A_480 = arith.constant 0 : i32
        %dma_start3A_481 = arith.constant 0 : i32
        %dma_start3A_482 = tpu.memref_slice %arg9[%dma_start3A_479, %dma_start3A_480, %dma_start3A_481] : memref<8x128x64xf32, #tpu.memory_space<vmem>> -> memref<1x128x64xf32, #tpu.memory_space<vmem>>
        %dma_start3A_483 = tpu.memref_squeeze %dma_start3A_482 : memref<1x128x64xf32, #tpu.memory_space<vmem>> -> memref<128x64xf32, #tpu.memory_space<vmem>>
        %dma_start3A_484 = arith.constant 0 : i32
        %dma_start3A_485 = tpu.memref_slice %arg7[%add3A_478, %dma_start3A_484] : memref<80x128xi32, #tpu.memory_space<vmem>> -> memref<1x128xi32, #tpu.memory_space<vmem>>
        %dma_start3A_486 = tpu.memref_squeeze %dma_start3A_485 : memref<1x128xi32, #tpu.memory_space<vmem>> -> memref<128xi32, #tpu.memory_space<vmem>>
        %dma_start3A_487 = arith.constant 0 : i32
        %dma_start3A_488 = arith.constant 0 : i32
        %dma_start3A_489 = tpu.memref_slice %arg2[%dma_start3A_487, %dma_start3A_488] : memref<10000x64xf32, #tpu.memory_space<hbm>> -> memref<10000x64xf32, #tpu.memory_space<hbm>>
        tpu.enqueue_indirect_dma source(%dma_start3A_489 : memref<10000x64xf32, #tpu.memory_space<hbm>>) target(%dma_start3A_483 : memref<128x64xf32, #tpu.memory_space<vmem>>) offsets(%dma_start3A_486 : memref<128xi32, #tpu.memory_space<vmem>>) semaphore(%arg17 : memref<!tpu.dma_semaphore, #tpu.memory_space<semaphore_mem>>)
      } else {
      }
      %add3A_455 = arith.constant 7 : i32
      %add3A_456 = arith.addi %mul3A_110, %add3A_455 : i32
      %dma_wait3A_457 = arith.constant 7 : i32
      %dma_wait3A_458 = arith.constant 0 : i32
      %dma_wait3A_459 = arith.constant 0 : i32
      %dma_wait3A_460 = tpu.memref_slice %arg9[%dma_wait3A_457, %dma_wait3A_458, %dma_wait3A_459] : memref<8x128x64xf32, #tpu.memory_space<vmem>> -> memref<1x128x64xf32, #tpu.memory_space<vmem>>
      %dma_wait3A_461 = tpu.memref_squeeze %dma_wait3A_460 : memref<1x128x64xf32, #tpu.memory_space<vmem>> -> memref<128x64xf32, #tpu.memory_space<vmem>>
      %dma_wait3A_462 = arith.constant 0 : i32
      %dma_wait3A_463 = tpu.memref_slice %arg8[%add3A_456, %dma_wait3A_462] : memref<80x128xi32, #tpu.memory_space<vmem>> -> memref<1x128xi32, #tpu.memory_space<vmem>>
      %dma_wait3A_464 = tpu.memref_squeeze %dma_wait3A_463 : memref<1x128xi32, #tpu.memory_space<vmem>> -> memref<128xi32, #tpu.memory_space<vmem>>
      %dma_wait3A_465 = arith.constant 0 : i32
      %dma_wait3A_466 = arith.constant 0 : i32
      %dma_wait3A_467 = tpu.memref_slice %arg10[%dma_wait3A_465, %dma_wait3A_466] : memref<10240x64xf32, #tpu.memory_space<vmem_shared>> -> memref<10240x64xf32, #tpu.memory_space<vmem_shared>>
      tpu.wait_indirect_dma semaphore(%arg26 : memref<!tpu.dma_semaphore, #tpu.memory_space<semaphore_mem>>) src(%dma_wait3A_461 : memref<128x64xf32, #tpu.memory_space<vmem>>) dst(%dma_wait3A_467 : memref<10240x64xf32, #tpu.memory_space<vmem_shared>>)
      %add3A_468 = arith.constant 1 : i32
      %add3A_469 = arith.addi %scan3A_108, %add3A_468 : i32
      %lt3A_470 = arith.constant 10 : i32
      %lt3A_471 = arith.cmpi slt, %add3A_469, %lt3A_470 : i32
      %convert_element_type3A_472 = arith.extui %lt3A_471 : i1 to i32
      %cond3A_473 = arith.constant 0 : i32
      %cond3A_474 = arith.cmpi ne, %convert_element_type3A_472, %cond3A_473 : i32
      scf.if %cond3A_474 {
        %add3A_475 = arith.constant 8 : i32
        %add3A_476 = arith.addi %mul3A_110, %add3A_475 : i32
        %add3A_477 = arith.constant 7 : i32
        %add3A_478 = arith.addi %add3A_476, %add3A_477 : i32
        %dma_start3A_479 = arith.constant 7 : i32
        %dma_start3A_480 = arith.constant 0 : i32
        %dma_start3A_481 = arith.constant 0 : i32
        %dma_start3A_482 = tpu.memref_slice %arg9[%dma_start3A_479, %dma_start3A_480, %dma_start3A_481] : memref<8x128x64xf32, #tpu.memory_space<vmem>> -> memref<1x128x64xf32, #tpu.memory_space<vmem>>
        %dma_start3A_483 = tpu.memref_squeeze %dma_start3A_482 : memref<1x128x64xf32, #tpu.memory_space<vmem>> -> memref<128x64xf32, #tpu.memory_space<vmem>>
        %dma_start3A_484 = arith.constant 0 : i32
        %dma_start3A_485 = tpu.memref_slice %arg7[%add3A_478, %dma_start3A_484] : memref<80x128xi32, #tpu.memory_space<vmem>> -> memref<1x128xi32, #tpu.memory_space<vmem>>
        %dma_start3A_486 = tpu.memref_squeeze %dma_start3A_485 : memref<1x128xi32, #tpu.memory_space<vmem>> -> memref<128xi32, #tpu.memory_space<vmem>>
        %dma_start3A_487 = arith.constant 0 : i32
        %dma_start3A_488 = arith.constant 0 : i32
        %dma_start3A_489 = tpu.memref_slice %arg2[%dma_start3A_487, %dma_start3A_488] : memref<10000x64xf32, #tpu.memory_space<hbm>> -> memref<10000x64xf32, #tpu.memory_space<hbm>>
        tpu.enqueue_indirect_dma source(%dma_start3A_489 : memref<10000x64xf32, #tpu.memory_space<hbm>>) target(%dma_start3A_483 : memref<128x64xf32, #tpu.memory_space<vmem>>) offsets(%dma_start3A_486 : memref<128xi32, #tpu.memory_space<vmem>>) semaphore(%arg18 : memref<!tpu.dma_semaphore, #tpu.memory_space<semaphore_mem>>)
      } else {
      }
    }
    %scan3A_102 = arith.constant 10 : i32
    %barrier3A_103 = arith.constant 0 : index
    tpu.barrier barrier_id(%barrier3A_103)
    %mul3A_104 = arith.constant 640 : i32
    %mul3A_105 = arith.muli %arg1, %mul3A_104 : i32
    %mul3A_106 = arith.constant 640 : i32
    %mul3A_107 = arith.muli %arg1, %mul3A_106 : i32
    "tpu.region"() ({
      %run_scoped3A = tpu.sem_alloc : memref<!tpu.dma_semaphore, #tpu.memory_space<semaphore_mem>>
      %dma_start3A_108 = arith.constant 0 : i32
      %dma_start3A_109 = tpu.memref_slice %arg6[%arg0, %mul3A_107, %dma_start3A_108] : memref<2x10240x64xf32, #tpu.memory_space<hbm>> -> memref<1x640x64xf32, #tpu.memory_space<hbm>>
      %dma_start3A_110 = tpu.memref_squeeze %dma_start3A_109 : memref<1x640x64xf32, #tpu.memory_space<hbm>> -> memref<640x64xf32, #tpu.memory_space<hbm>>
      %dma_start3A_111 = arith.constant 0 : i32
      %dma_start3A_112 = tpu.memref_slice %arg10[%mul3A_105, %dma_start3A_111] : memref<10240x64xf32, #tpu.memory_space<vmem_shared>> -> memref<640x64xf32, #tpu.memory_space<vmem_shared>>
      tpu.enqueue_dma source(%dma_start3A_112 : memref<640x64xf32, #tpu.memory_space<vmem_shared>>) target(%dma_start3A_110 : memref<640x64xf32, #tpu.memory_space<hbm>>) target_semaphore(%run_scoped3A : memref<!tpu.dma_semaphore, #tpu.memory_space<semaphore_mem>>)
      %dma_wait3A = arith.constant 0 : i32
      %dma_wait3A_113 = tpu.memref_slice %arg6[%arg0, %mul3A_107, %dma_wait3A] : memref<2x10240x64xf32, #tpu.memory_space<hbm>> -> memref<1x640x64xf32, #tpu.memory_space<hbm>>
      %dma_wait3A_114 = tpu.memref_squeeze %dma_wait3A_113 : memref<1x640x64xf32, #tpu.memory_space<hbm>> -> memref<640x64xf32, #tpu.memory_space<hbm>>
      %dma_wait3A_115 = arith.constant 0 : i32
      %dma_wait3A_116 = tpu.memref_slice %arg10[%mul3A_105, %dma_wait3A_115] : memref<10240x64xf32, #tpu.memory_space<vmem_shared>> -> memref<640x64xf32, #tpu.memory_space<vmem_shared>>
      tpu.wait_dma2 semaphore(%run_scoped3A : memref<!tpu.dma_semaphore, #tpu.memory_space<semaphore_mem>>) src(%dma_wait3A_116 : memref<640x64xf32, #tpu.memory_space<vmem_shared>>) dst(%dma_wait3A_114 : memref<640x64xf32, #tpu.memory_space<hbm>>)
      tpu.yield
    }) : () -> ()
    return
  }
}

#map = affine_map<(d0, d1) -> (0, 0, 0)>
#map1 = affine_map<(d0, d1) -> (0)>
module attributes {stable_mosaic.version = 14 : i64} {
  func.func @_deg_body(%arg0: i32, %arg1: i32, %arg2: memref<32x80x128xi32, #tpu.memory_space<hbm>>, %arg3: memref<640xf32, #tpu.memory_space<hbm>>, %arg4: memref<20480xf32, #tpu.memory_space<hbm>>, %arg5: memref<80x128xi32, #tpu.memory_space<vmem>>, %arg6: memref<128xf32, #tpu.memory_space<vmem>>, %arg7: memref<10240xf32, #tpu.memory_space<vmem_shared>>, %arg8: memref<!tpu.dma_semaphore, #tpu.memory_space<semaphore_mem>>) attributes {dimension_semantics = [#tpu.dimension_semantics<core_parallel>, #tpu.dimension_semantics<subcore_parallel>], iteration_bounds = array<i64: 2, 16>, scalar_prefetch = 0 : i64, scratch_operands = 4 : i64, tpu.core_type = #tpu.core_type<sc_vector_subcore>, window_params = [{transform_indices = #map}, {transform_indices = #map1}, {transform_indices = #map1}]} {
    %mul3A = arith.constant 2 : i32
    %mul3A_0 = arith.muli %arg1, %mul3A : i32
    %add3A = arith.addi %mul3A_0, %arg0 : i32
    %scan3A = arith.constant 0 : i32
    %scan3A_1 = arith.constant 0 : i32
    %scan3A_2 = arith.constant 8 : i32
    %scan3A_3 = arith.addi %scan3A_1, %scan3A_2 : i32
    %scan3A_4 = arith.constant 1 : i32
    scf.for %scan3A_28 = %scan3A_1 to %scan3A_3 step %scan3A_4  : i32 {
      %broadcast_in_dim3A = arith.constant 1.000000e+00 : f32
      %broadcast_in_dim3A_29 = vector.broadcast %broadcast_in_dim3A : f32 to vector<16xf32>
      %mul3A_30 = arith.constant 16 : i32
      %mul3A_31 = arith.muli %scan3A_28, %mul3A_30 : i32
      %multiple_of3A = tpu.assume_multiple %mul3A_31, 16 : i32
      %swap3A = arith.index_cast %multiple_of3A : i32 to index
      %swap3A_32 = tpu.vector_load %arg6[%swap3A] {strides = array<i32>} : memref<128xf32, #tpu.memory_space<vmem>>, vector<16xf32>,
      %swap3A_33 = vector.shape_cast %swap3A_32 : vector<16xf32> to vector<16xf32>
      %swap3A_34 = vector.shape_cast %broadcast_in_dim3A_29 : vector<16xf32> to vector<16xf32>
      tpu.vector_store %arg6[%swap3A], %swap3A_34 {strides = array<i32>} : memref<128xf32, #tpu.memory_space<vmem>>, vector<16xf32>,
    }
    %scan3A_5 = arith.constant 8 : i32
    "tpu.region"() ({
      %run_scoped3A = tpu.sem_alloc : memref<!tpu.dma_semaphore, #tpu.memory_space<semaphore_mem>>
      %dma_start3A = arith.constant 0 : i32
      %dma_start3A_28 = arith.constant 0 : i32
      %dma_start3A_29 = tpu.memref_slice %arg2[%add3A, %dma_start3A, %dma_start3A_28] : memref<32x80x128xi32, #tpu.memory_space<hbm>> -> memref<1x80x128xi32, #tpu.memory_space<hbm>>
      %dma_start3A_30 = tpu.memref_squeeze %dma_start3A_29 : memref<1x80x128xi32, #tpu.memory_space<hbm>> -> memref<80x128xi32, #tpu.memory_space<hbm>>
      %dma_start3A_31 = arith.constant 0 : i32
      %dma_start3A_32 = arith.constant 0 : i32
      %dma_start3A_33 = tpu.memref_slice %arg2[%add3A, %dma_start3A_31, %dma_start3A_32] : memref<32x80x128xi32, #tpu.memory_space<hbm>> -> memref<1x80x128xi32, #tpu.memory_space<hbm>>
      %dma_start3A_34 = tpu.memref_squeeze %dma_start3A_33 : memref<1x80x128xi32, #tpu.memory_space<hbm>> -> memref<80x128xi32, #tpu.memory_space<hbm>>
      tpu.enqueue_dma source(%dma_start3A_34 : memref<80x128xi32, #tpu.memory_space<hbm>>) target(%arg5 : memref<80x128xi32, #tpu.memory_space<vmem>>) target_semaphore(%run_scoped3A : memref<!tpu.dma_semaphore, #tpu.memory_space<semaphore_mem>>)
      %dma_wait3A = arith.constant 0 : i32
      %dma_wait3A_35 = arith.constant 0 : i32
      %dma_wait3A_36 = tpu.memref_slice %arg2[%add3A, %dma_wait3A, %dma_wait3A_35] : memref<32x80x128xi32, #tpu.memory_space<hbm>> -> memref<1x80x128xi32, #tpu.memory_space<hbm>>
      %dma_wait3A_37 = tpu.memref_squeeze %dma_wait3A_36 : memref<1x80x128xi32, #tpu.memory_space<hbm>> -> memref<80x128xi32, #tpu.memory_space<hbm>>
      %dma_wait3A_38 = arith.constant 0 : i32
      %dma_wait3A_39 = arith.constant 0 : i32
      %dma_wait3A_40 = tpu.memref_slice %arg2[%add3A, %dma_wait3A_38, %dma_wait3A_39] : memref<32x80x128xi32, #tpu.memory_space<hbm>> -> memref<1x80x128xi32, #tpu.memory_space<hbm>>
      %dma_wait3A_41 = tpu.memref_squeeze %dma_wait3A_40 : memref<1x80x128xi32, #tpu.memory_space<hbm>> -> memref<80x128xi32, #tpu.memory_space<hbm>>
      tpu.wait_dma2 semaphore(%run_scoped3A : memref<!tpu.dma_semaphore, #tpu.memory_space<semaphore_mem>>) src(%dma_wait3A_41 : memref<80x128xi32, #tpu.memory_space<hbm>>) dst(%arg5 : memref<80x128xi32, #tpu.memory_space<vmem>>)
      tpu.yield
    }) : () -> ()
    %mul3A_6 = arith.constant 640 : i32
    %mul3A_7 = arith.muli %arg1, %mul3A_6 : i32
    "tpu.region"() ({
      %run_scoped3A = tpu.sem_alloc : memref<!tpu.dma_semaphore, #tpu.memory_space<semaphore_mem>>
      %dma_start3A = tpu.memref_slice %arg7[%mul3A_7] : memref<10240xf32, #tpu.memory_space<vmem_shared>> -> memref<640xf32, #tpu.memory_space<vmem_shared>>
      tpu.enqueue_dma source(%arg3 : memref<640xf32, #tpu.memory_space<hbm>>) target(%dma_start3A : memref<640xf32, #tpu.memory_space<vmem_shared>>) target_semaphore(%run_scoped3A : memref<!tpu.dma_semaphore, #tpu.memory_space<semaphore_mem>>)
      %dma_wait3A = tpu.memref_slice %arg7[%mul3A_7] : memref<10240xf32, #tpu.memory_space<vmem_shared>> -> memref<640xf32, #tpu.memory_space<vmem_shared>>
      tpu.wait_dma2 semaphore(%run_scoped3A : memref<!tpu.dma_semaphore, #tpu.memory_space<semaphore_mem>>) src(%arg3 : memref<640xf32, #tpu.memory_space<hbm>>) dst(%dma_wait3A : memref<640xf32, #tpu.memory_space<vmem_shared>>)
      tpu.yield
    }) : () -> ()
    %barrier3A = arith.constant 0 : index
    tpu.barrier barrier_id(%barrier3A)
    %scan3A_8 = arith.constant 0 : i32
    %scan3A_9 = arith.constant 0 : i32
    %scan3A_10 = arith.constant 80 : i32
    %scan3A_11 = arith.addi %scan3A_9, %scan3A_10 : i32
    %scan3A_12 = arith.constant 1 : i32
    scf.for %scan3A_28 = %scan3A_9 to %scan3A_11 step %scan3A_12  : i32 {
      %dma_start3A = arith.constant 0 : i32
      %dma_start3A_29 = tpu.memref_slice %arg5[%scan3A_28, %dma_start3A] : memref<80x128xi32, #tpu.memory_space<vmem>> -> memref<1x128xi32, #tpu.memory_space<vmem>>
      %dma_start3A_30 = tpu.memref_squeeze %dma_start3A_29 : memref<1x128xi32, #tpu.memory_space<vmem>> -> memref<128xi32, #tpu.memory_space<vmem>>
      %dma_start3A_31 = arith.constant 0 : i32
      %dma_start3A_32 = tpu.memref_slice %arg7[%dma_start3A_31] : memref<10240xf32, #tpu.memory_space<vmem_shared>> -> memref<10240xf32, #tpu.memory_space<vmem_shared>>
      tpu.enqueue_indirect_dma source(%arg6 : memref<128xf32, #tpu.memory_space<vmem>>) target(%dma_start3A_32 : memref<10240xf32, #tpu.memory_space<vmem_shared>>) offsets(%dma_start3A_30 : memref<128xi32, #tpu.memory_space<vmem>>) semaphore(%arg8 : memref<!tpu.dma_semaphore, #tpu.memory_space<semaphore_mem>>) {add = true}
    }
    %scan3A_13 = arith.constant 80 : i32
    %scan3A_14 = arith.constant 0 : i32
    %scan3A_15 = arith.constant 0 : i32
    %scan3A_16 = arith.constant 80 : i32
    %scan3A_17 = arith.addi %scan3A_15, %scan3A_16 : i32
    %scan3A_18 = arith.constant 1 : i32
    scf.for %scan3A_28 = %scan3A_15 to %scan3A_17 step %scan3A_18  : i32 {
      %dma_wait3A = arith.constant 0 : i32
      %dma_wait3A_29 = tpu.memref_slice %arg5[%scan3A_28, %dma_wait3A] : memref<80x128xi32, #tpu.memory_space<vmem>> -> memref<1x128xi32, #tpu.memory_space<vmem>>
      %dma_wait3A_30 = tpu.memref_squeeze %dma_wait3A_29 : memref<1x128xi32, #tpu.memory_space<vmem>> -> memref<128xi32, #tpu.memory_space<vmem>>
      %dma_wait3A_31 = arith.constant 0 : i32
      %dma_wait3A_32 = tpu.memref_slice %arg7[%dma_wait3A_31] : memref<10240xf32, #tpu.memory_space<vmem_shared>> -> memref<10240xf32, #tpu.memory_space<vmem_shared>>
      tpu.wait_indirect_dma semaphore(%arg8 : memref<!tpu.dma_semaphore, #tpu.memory_space<semaphore_mem>>) src(%arg6 : memref<128xf32, #tpu.memory_space<vmem>>) dst(%dma_wait3A_32 : memref<10240xf32, #tpu.memory_space<vmem_shared>>)
    }
    %scan3A_19 = arith.constant 80 : i32
    %barrier3A_20 = arith.constant 0 : index
    tpu.barrier barrier_id(%barrier3A_20)
    %mul3A_21 = arith.constant 640 : i32
    %mul3A_22 = arith.muli %arg1, %mul3A_21 : i32
    %mul3A_23 = arith.constant 10240 : i32
    %mul3A_24 = arith.muli %arg0, %mul3A_23 : i32
    %mul3A_25 = arith.constant 640 : i32
    %mul3A_26 = arith.muli %arg1, %mul3A_25 : i32
    %add3A_27 = arith.addi %mul3A_24, %mul3A_26 : i32
    "tpu.region"() ({
      %run_scoped3A = tpu.sem_alloc : memref<!tpu.dma_semaphore, #tpu.memory_space<semaphore_mem>>
      %dma_start3A = tpu.memref_slice %arg4[%add3A_27] : memref<20480xf32, #tpu.memory_space<hbm>> -> memref<640xf32, #tpu.memory_space<hbm>>
      %dma_start3A_28 = tpu.memref_slice %arg7[%mul3A_22] : memref<10240xf32, #tpu.memory_space<vmem_shared>> -> memref<640xf32, #tpu.memory_space<vmem_shared>>
      tpu.enqueue_dma source(%dma_start3A_28 : memref<640xf32, #tpu.memory_space<vmem_shared>>) target(%dma_start3A : memref<640xf32, #tpu.memory_space<hbm>>) target_semaphore(%run_scoped3A : memref<!tpu.dma_semaphore, #tpu.memory_space<semaphore_mem>>)
      %dma_wait3A = tpu.memref_slice %arg4[%add3A_27] : memref<20480xf32, #tpu.memory_space<hbm>> -> memref<640xf32, #tpu.memory_space<hbm>>
      %dma_wait3A_29 = tpu.memref_slice %arg7[%mul3A_22] : memref<10240xf32, #tpu.memory_space<vmem_shared>> -> memref<640xf32, #tpu.memory_space<vmem_shared>>
      tpu.wait_dma2 semaphore(%run_scoped3A : memref<!tpu.dma_semaphore, #tpu.memory_space<semaphore_mem>>) src(%dma_wait3A_29 : memref<640xf32, #tpu.memory_space<vmem_shared>>) dst(%dma_wait3A : memref<640xf32, #tpu.memory_space<hbm>>)
      tpu.yield
    }) : () -> ()
    return
  }
}

#map = affine_map<(d0, d1) -> (0, 0)>
#map1 = affine_map<(d0, d1) -> (0, 0, 0)>
module attributes {stable_mosaic.version = 14 : i64} {
  func.func @_msg_body(%arg0: i32, %arg1: i32, %arg2: memref<10000x64xf32, #tpu.memory_space<hbm>>, %arg3: memref<32x80x128xi32, #tpu.memory_space<hbm>>, %arg4: memref<32x80x128xi32, #tpu.memory_space<hbm>>, %arg5: memref<640x64xf32, #tpu.memory_space<hbm>>, %arg6: memref<2x10240x64xf32, #tpu.memory_space<hbm>>, %arg7: memref<80x128xi32, #tpu.memory_space<vmem>>, %arg8: memref<80x128xi32, #tpu.memory_space<vmem>>, %arg9: memref<8x128x64xf32, #tpu.memory_space<vmem>>, %arg10: memref<10240x64xf32, #tpu.memory_space<vmem_shared>>, %arg11: memref<!tpu.dma_semaphore, #tpu.memory_space<semaphore_mem>>, %arg12: memref<!tpu.dma_semaphore, #tpu.memory_space<semaphore_mem>>, %arg13: memref<!tpu.dma_semaphore, #tpu.memory_space<semaphore_mem>>, %arg14: memref<!tpu.dma_semaphore, #tpu.memory_space<semaphore_mem>>, %arg15: memref<!tpu.dma_semaphore, #tpu.memory_space<semaphore_mem>>, %arg16: memref<!tpu.dma_semaphore, #tpu.memory_space<semaphore_mem>>, %arg17: memref<!tpu.dma_semaphore, #tpu.memory_space<semaphore_mem>>, %arg18: memref<!tpu.dma_semaphore, #tpu.memory_space<semaphore_mem>>, %arg19: memref<!tpu.dma_semaphore, #tpu.memory_space<semaphore_mem>>, %arg20: memref<!tpu.dma_semaphore, #tpu.memory_space<semaphore_mem>>, %arg21: memref<!tpu.dma_semaphore, #tpu.memory_space<semaphore_mem>>, %arg22: memref<!tpu.dma_semaphore, #tpu.memory_space<semaphore_mem>>, %arg23: memref<!tpu.dma_semaphore, #tpu.memory_space<semaphore_mem>>, %arg24: memref<!tpu.dma_semaphore, #tpu.memory_space<semaphore_mem>>, %arg25: memref<!tpu.dma_semaphore, #tpu.memory_space<semaphore_mem>>, %arg26: memref<!tpu.dma_semaphore, #tpu.memory_space<semaphore_mem>>) attributes {dimension_semantics = [#tpu.dimension_semantics<core_parallel>, #tpu.dimension_semantics<subcore_parallel>], iteration_bounds = array<i64: 2, 16>, scalar_prefetch = 0 : i64, scratch_operands = 20 : i64, tpu.core_type = #tpu.core_type<sc_vector_subcore>, window_params = [{transform_indices = #map}, {transform_indices = #map1}, {transform_indices = #map1}, {transform_indices = #map}, {transform_indices = #map1}]} {
    %mul3A = arith.constant 2 : i32
    %mul3A_0 = arith.muli %arg1, %mul3A : i32
    %add3A = arith.addi %mul3A_0, %arg0 : i32
    "tpu.region"() ({
      %run_scoped3A = tpu.sem_alloc : memref<!tpu.dma_semaphore, #tpu.memory_space<semaphore_mem>>
      %dma_start3A_108 = arith.constant 0 : i32
      %dma_start3A_109 = arith.constant 0 : i32
      %dma_start3A_110 = tpu.memref_slice %arg3[%add3A, %dma_start3A_108, %dma_start3A_109] : memref<32x80x128xi32, #tpu.memory_space<hbm>> -> memref<1x80x128xi32, #tpu.memory_space<hbm>>
      %dma_start3A_111 = tpu.memref_squeeze %dma_start3A_110 : memref<1x80x128xi32, #tpu.memory_space<hbm>> -> memref<80x128xi32, #tpu.memory_space<hbm>>
      %dma_start3A_112 = arith.constant 0 : i32
      %dma_start3A_113 = arith.constant 0 : i32
      %dma_start3A_114 = tpu.memref_slice %arg3[%add3A, %dma_start3A_112, %dma_start3A_113] : memref<32x80x128xi32, #tpu.memory_space<hbm>> -> memref<1x80x128xi32, #tpu.memory_space<hbm>>
      %dma_start3A_115 = tpu.memref_squeeze %dma_start3A_114 : memref<1x80x128xi32, #tpu.memory_space<hbm>> -> memref<80x128xi32, #tpu.memory_space<hbm>>
      tpu.enqueue_dma source(%dma_start3A_115 : memref<80x128xi32, #tpu.memory_space<hbm>>) target(%arg7 : memref<80x128xi32, #tpu.memory_space<vmem>>) target_semaphore(%run_scoped3A : memref<!tpu.dma_semaphore, #tpu.memory_space<semaphore_mem>>)
      %dma_wait3A = arith.constant 0 : i32
      %dma_wait3A_116 = arith.constant 0 : i32
      %dma_wait3A_117 = tpu.memref_slice %arg3[%add3A, %dma_wait3A, %dma_wait3A_116] : memref<32x80x128xi32, #tpu.memory_space<hbm>> -> memref<1x80x128xi32, #tpu.memory_space<hbm>>
      %dma_wait3A_118 = tpu.memref_squeeze %dma_wait3A_117 : memref<1x80x128xi32, #tpu.memory_space<hbm>> -> memref<80x128xi32, #tpu.memory_space<hbm>>
      %dma_wait3A_119 = arith.constant 0 : i32
      %dma_wait3A_120 = arith.constant 0 : i32
      %dma_wait3A_121 = tpu.memref_slice %arg3[%add3A, %dma_wait3A_119, %dma_wait3A_120] : memref<32x80x128xi32, #tpu.memory_space<hbm>> -> memref<1x80x128xi32, #tpu.memory_space<hbm>>
      %dma_wait3A_122 = tpu.memref_squeeze %dma_wait3A_121 : memref<1x80x128xi32, #tpu.memory_space<hbm>> -> memref<80x128xi32, #tpu.memory_space<hbm>>
      tpu.wait_dma2 semaphore(%run_scoped3A : memref<!tpu.dma_semaphore, #tpu.memory_space<semaphore_mem>>) src(%dma_wait3A_122 : memref<80x128xi32, #tpu.memory_space<hbm>>) dst(%arg7 : memref<80x128xi32, #tpu.memory_space<vmem>>)
      tpu.yield
    }) : () -> ()
    "tpu.region"() ({
      %run_scoped3A = tpu.sem_alloc : memref<!tpu.dma_semaphore, #tpu.memory_space<semaphore_mem>>
      %dma_start3A_108 = arith.constant 0 : i32
      %dma_start3A_109 = arith.constant 0 : i32
      %dma_start3A_110 = tpu.memref_slice %arg4[%add3A, %dma_start3A_108, %dma_start3A_109] : memref<32x80x128xi32, #tpu.memory_space<hbm>> -> memref<1x80x128xi32, #tpu.memory_space<hbm>>
      %dma_start3A_111 = tpu.memref_squeeze %dma_start3A_110 : memref<1x80x128xi32, #tpu.memory_space<hbm>> -> memref<80x128xi32, #tpu.memory_space<hbm>>
      %dma_start3A_112 = arith.constant 0 : i32
      %dma_start3A_113 = arith.constant 0 : i32
      %dma_start3A_114 = tpu.memref_slice %arg4[%add3A, %dma_start3A_112, %dma_start3A_113] : memref<32x80x128xi32, #tpu.memory_space<hbm>> -> memref<1x80x128xi32, #tpu.memory_space<hbm>>
      %dma_start3A_115 = tpu.memref_squeeze %dma_start3A_114 : memref<1x80x128xi32, #tpu.memory_space<hbm>> -> memref<80x128xi32, #tpu.memory_space<hbm>>
      tpu.enqueue_dma source(%dma_start3A_115 : memref<80x128xi32, #tpu.memory_space<hbm>>) target(%arg8 : memref<80x128xi32, #tpu.memory_space<vmem>>) target_semaphore(%run_scoped3A : memref<!tpu.dma_semaphore, #tpu.memory_space<semaphore_mem>>)
      %dma_wait3A = arith.constant 0 : i32
      %dma_wait3A_116 = arith.constant 0 : i32
      %dma_wait3A_117 = tpu.memref_slice %arg4[%add3A, %dma_wait3A, %dma_wait3A_116] : memref<32x80x128xi32, #tpu.memory_space<hbm>> -> memref<1x80x128xi32, #tpu.memory_space<hbm>>
      %dma_wait3A_118 = tpu.memref_squeeze %dma_wait3A_117 : memref<1x80x128xi32, #tpu.memory_space<hbm>> -> memref<80x128xi32, #tpu.memory_space<hbm>>
      %dma_wait3A_119 = arith.constant 0 : i32
      %dma_wait3A_120 = arith.constant 0 : i32
      %dma_wait3A_121 = tpu.memref_slice %arg4[%add3A, %dma_wait3A_119, %dma_wait3A_120] : memref<32x80x128xi32, #tpu.memory_space<hbm>> -> memref<1x80x128xi32, #tpu.memory_space<hbm>>
      %dma_wait3A_122 = tpu.memref_squeeze %dma_wait3A_121 : memref<1x80x128xi32, #tpu.memory_space<hbm>> -> memref<80x128xi32, #tpu.memory_space<hbm>>
      tpu.wait_dma2 semaphore(%run_scoped3A : memref<!tpu.dma_semaphore, #tpu.memory_space<semaphore_mem>>) src(%dma_wait3A_122 : memref<80x128xi32, #tpu.memory_space<hbm>>) dst(%arg8 : memref<80x128xi32, #tpu.memory_space<vmem>>)
      tpu.yield
    }) : () -> ()
    %mul3A_1 = arith.constant 640 : i32
    %mul3A_2 = arith.muli %arg1, %mul3A_1 : i32
    "tpu.region"() ({
      %run_scoped3A = tpu.sem_alloc : memref<!tpu.dma_semaphore, #tpu.memory_space<semaphore_mem>>
      %dma_start3A_108 = arith.constant 0 : i32
      %dma_start3A_109 = tpu.memref_slice %arg10[%mul3A_2, %dma_start3A_108] : memref<10240x64xf32, #tpu.memory_space<vmem_shared>> -> memref<640x64xf32, #tpu.memory_space<vmem_shared>>
      tpu.enqueue_dma source(%arg5 : memref<640x64xf32, #tpu.memory_space<hbm>>) target(%dma_start3A_109 : memref<640x64xf32, #tpu.memory_space<vmem_shared>>) target_semaphore(%run_scoped3A : memref<!tpu.dma_semaphore, #tpu.memory_space<semaphore_mem>>)
      %dma_wait3A = arith.constant 0 : i32
      %dma_wait3A_110 = tpu.memref_slice %arg10[%mul3A_2, %dma_wait3A] : memref<10240x64xf32, #tpu.memory_space<vmem_shared>> -> memref<640x64xf32, #tpu.memory_space<vmem_shared>>
      tpu.wait_dma2 semaphore(%run_scoped3A : memref<!tpu.dma_semaphore, #tpu.memory_space<semaphore_mem>>) src(%arg5 : memref<640x64xf32, #tpu.memory_space<hbm>>) dst(%dma_wait3A_110 : memref<640x64xf32, #tpu.memory_space<vmem_shared>>)
      tpu.yield
    }) : () -> ()
    %barrier3A = arith.constant 0 : index
    tpu.barrier barrier_id(%barrier3A)
    %dma_start3A = arith.constant 0 : i32
    %dma_start3A_3 = arith.constant 0 : i32
    %dma_start3A_4 = arith.constant 0 : i32
    %dma_start3A_5 = arith.constant 0 : i32
    %dma_start3A_6 = tpu.memref_slice %arg9[%dma_start3A_3, %dma_start3A_4, %dma_start3A_5] : memref<8x128x64xf32, #tpu.memory_space<vmem>> -> memref<1x128x64xf32, #tpu.memory_space<vmem>>
    %dma_start3A_7 = tpu.memref_squeeze %dma_start3A_6 : memref<1x128x64xf32, #tpu.memory_space<vmem>> -> memref<128x64xf32, #tpu.memory_space<vmem>>
    %dma_start3A_8 = arith.constant 0 : i32
    %dma_start3A_9 = tpu.memref_slice %arg7[%dma_start3A, %dma_start3A_8] : memref<80x128xi32, #tpu.memory_space<vmem>> -> memref<1x128xi32, #tpu.memory_space<vmem>>
    %dma_start3A_10 = tpu.memref_squeeze %dma_start3A_9 : memref<1x128xi32, #tpu.memory_space<vmem>> -> memref<128xi32, #tpu.memory_space<vmem>>
    %dma_start3A_11 = arith.constant 0 : i32
    %dma_start3A_12 = arith.constant 0 : i32
    %dma_start3A_13 = tpu.memref_slice %arg2[%dma_start3A_11, %dma_start3A_12] : memref<10000x64xf32, #tpu.memory_space<hbm>> -> memref<10000x64xf32, #tpu.memory_space<hbm>>
    tpu.enqueue_indirect_dma source(%dma_start3A_13 : memref<10000x64xf32, #tpu.memory_space<hbm>>) target(%dma_start3A_7 : memref<128x64xf32, #tpu.memory_space<vmem>>) offsets(%dma_start3A_10 : memref<128xi32, #tpu.memory_space<vmem>>) semaphore(%arg11 : memref<!tpu.dma_semaphore, #tpu.memory_space<semaphore_mem>>)
    %dma_start3A_14 = arith.constant 1 : i32
    %dma_start3A_15 = arith.constant 1 : i32
    %dma_start3A_16 = arith.constant 0 : i32
    %dma_start3A_17 = arith.constant 0 : i32
    %dma_start3A_18 = tpu.memref_slice %arg9[%dma_start3A_15, %dma_start3A_16, %dma_start3A_17] : memref<8x128x64xf32, #tpu.memory_space<vmem>> -> memref<1x128x64xf32, #tpu.memory_space<vmem>>
    %dma_start3A_19 = tpu.memref_squeeze %dma_start3A_18 : memref<1x128x64xf32, #tpu.memory_space<vmem>> -> memref<128x64xf32, #tpu.memory_space<vmem>>
    %dma_start3A_20 = arith.constant 0 : i32
    %dma_start3A_21 = tpu.memref_slice %arg7[%dma_start3A_14, %dma_start3A_20] : memref<80x128xi32, #tpu.memory_space<vmem>> -> memref<1x128xi32, #tpu.memory_space<vmem>>
    %dma_start3A_22 = tpu.memref_squeeze %dma_start3A_21 : memref<1x128xi32, #tpu.memory_space<vmem>> -> memref<128xi32, #tpu.memory_space<vmem>>
    %dma_start3A_23 = arith.constant 0 : i32
    %dma_start3A_24 = arith.constant 0 : i32
    %dma_start3A_25 = tpu.memref_slice %arg2[%dma_start3A_23, %dma_start3A_24] : memref<10000x64xf32, #tpu.memory_space<hbm>> -> memref<10000x64xf32, #tpu.memory_space<hbm>>
    tpu.enqueue_indirect_dma source(%dma_start3A_25 : memref<10000x64xf32, #tpu.memory_space<hbm>>) target(%dma_start3A_19 : memref<128x64xf32, #tpu.memory_space<vmem>>) offsets(%dma_start3A_22 : memref<128xi32, #tpu.memory_space<vmem>>) semaphore(%arg12 : memref<!tpu.dma_semaphore, #tpu.memory_space<semaphore_mem>>)
    %dma_start3A_26 = arith.constant 2 : i32
    %dma_start3A_27 = arith.constant 2 : i32
    %dma_start3A_28 = arith.constant 0 : i32
    %dma_start3A_29 = arith.constant 0 : i32
    %dma_start3A_30 = tpu.memref_slice %arg9[%dma_start3A_27, %dma_start3A_28, %dma_start3A_29] : memref<8x128x64xf32, #tpu.memory_space<vmem>> -> memref<1x128x64xf32, #tpu.memory_space<vmem>>
    %dma_start3A_31 = tpu.memref_squeeze %dma_start3A_30 : memref<1x128x64xf32, #tpu.memory_space<vmem>> -> memref<128x64xf32, #tpu.memory_space<vmem>>
    %dma_start3A_32 = arith.constant 0 : i32
    %dma_start3A_33 = tpu.memref_slice %arg7[%dma_start3A_26, %dma_start3A_32] : memref<80x128xi32, #tpu.memory_space<vmem>> -> memref<1x128xi32, #tpu.memory_space<vmem>>
    %dma_start3A_34 = tpu.memref_squeeze %dma_start3A_33 : memref<1x128xi32, #tpu.memory_space<vmem>> -> memref<128xi32, #tpu.memory_space<vmem>>
    %dma_start3A_35 = arith.constant 0 : i32
    %dma_start3A_36 = arith.constant 0 : i32
    %dma_start3A_37 = tpu.memref_slice %arg2[%dma_start3A_35, %dma_start3A_36] : memref<10000x64xf32, #tpu.memory_space<hbm>> -> memref<10000x64xf32, #tpu.memory_space<hbm>>
    tpu.enqueue_indirect_dma source(%dma_start3A_37 : memref<10000x64xf32, #tpu.memory_space<hbm>>) target(%dma_start3A_31 : memref<128x64xf32, #tpu.memory_space<vmem>>) offsets(%dma_start3A_34 : memref<128xi32, #tpu.memory_space<vmem>>) semaphore(%arg13 : memref<!tpu.dma_semaphore, #tpu.memory_space<semaphore_mem>>)
    %dma_start3A_38 = arith.constant 3 : i32
    %dma_start3A_39 = arith.constant 3 : i32
    %dma_start3A_40 = arith.constant 0 : i32
    %dma_start3A_41 = arith.constant 0 : i32
    %dma_start3A_42 = tpu.memref_slice %arg9[%dma_start3A_39, %dma_start3A_40, %dma_start3A_41] : memref<8x128x64xf32, #tpu.memory_space<vmem>> -> memref<1x128x64xf32, #tpu.memory_space<vmem>>
    %dma_start3A_43 = tpu.memref_squeeze %dma_start3A_42 : memref<1x128x64xf32, #tpu.memory_space<vmem>> -> memref<128x64xf32, #tpu.memory_space<vmem>>
    %dma_start3A_44 = arith.constant 0 : i32
    %dma_start3A_45 = tpu.memref_slice %arg7[%dma_start3A_38, %dma_start3A_44] : memref<80x128xi32, #tpu.memory_space<vmem>> -> memref<1x128xi32, #tpu.memory_space<vmem>>
    %dma_start3A_46 = tpu.memref_squeeze %dma_start3A_45 : memref<1x128xi32, #tpu.memory_space<vmem>> -> memref<128xi32, #tpu.memory_space<vmem>>
    %dma_start3A_47 = arith.constant 0 : i32
    %dma_start3A_48 = arith.constant 0 : i32
    %dma_start3A_49 = tpu.memref_slice %arg2[%dma_start3A_47, %dma_start3A_48] : memref<10000x64xf32, #tpu.memory_space<hbm>> -> memref<10000x64xf32, #tpu.memory_space<hbm>>
    tpu.enqueue_indirect_dma source(%dma_start3A_49 : memref<10000x64xf32, #tpu.memory_space<hbm>>) target(%dma_start3A_43 : memref<128x64xf32, #tpu.memory_space<vmem>>) offsets(%dma_start3A_46 : memref<128xi32, #tpu.memory_space<vmem>>) semaphore(%arg14 : memref<!tpu.dma_semaphore, #tpu.memory_space<semaphore_mem>>)
    %dma_start3A_50 = arith.constant 4 : i32
    %dma_start3A_51 = arith.constant 4 : i32
    %dma_start3A_52 = arith.constant 0 : i32
    %dma_start3A_53 = arith.constant 0 : i32
    %dma_start3A_54 = tpu.memref_slice %arg9[%dma_start3A_51, %dma_start3A_52, %dma_start3A_53] : memref<8x128x64xf32, #tpu.memory_space<vmem>> -> memref<1x128x64xf32, #tpu.memory_space<vmem>>
    %dma_start3A_55 = tpu.memref_squeeze %dma_start3A_54 : memref<1x128x64xf32, #tpu.memory_space<vmem>> -> memref<128x64xf32, #tpu.memory_space<vmem>>
    %dma_start3A_56 = arith.constant 0 : i32
    %dma_start3A_57 = tpu.memref_slice %arg7[%dma_start3A_50, %dma_start3A_56] : memref<80x128xi32, #tpu.memory_space<vmem>> -> memref<1x128xi32, #tpu.memory_space<vmem>>
    %dma_start3A_58 = tpu.memref_squeeze %dma_start3A_57 : memref<1x128xi32, #tpu.memory_space<vmem>> -> memref<128xi32, #tpu.memory_space<vmem>>
    %dma_start3A_59 = arith.constant 0 : i32
    %dma_start3A_60 = arith.constant 0 : i32
    %dma_start3A_61 = tpu.memref_slice %arg2[%dma_start3A_59, %dma_start3A_60] : memref<10000x64xf32, #tpu.memory_space<hbm>> -> memref<10000x64xf32, #tpu.memory_space<hbm>>
    tpu.enqueue_indirect_dma source(%dma_start3A_61 : memref<10000x64xf32, #tpu.memory_space<hbm>>) target(%dma_start3A_55 : memref<128x64xf32, #tpu.memory_space<vmem>>) offsets(%dma_start3A_58 : memref<128xi32, #tpu.memory_space<vmem>>) semaphore(%arg15 : memref<!tpu.dma_semaphore, #tpu.memory_space<semaphore_mem>>)
    %dma_start3A_62 = arith.constant 5 : i32
    %dma_start3A_63 = arith.constant 5 : i32
    %dma_start3A_64 = arith.constant 0 : i32
    %dma_start3A_65 = arith.constant 0 : i32
    %dma_start3A_66 = tpu.memref_slice %arg9[%dma_start3A_63, %dma_start3A_64, %dma_start3A_65] : memref<8x128x64xf32, #tpu.memory_space<vmem>> -> memref<1x128x64xf32, #tpu.memory_space<vmem>>
    %dma_start3A_67 = tpu.memref_squeeze %dma_start3A_66 : memref<1x128x64xf32, #tpu.memory_space<vmem>> -> memref<128x64xf32, #tpu.memory_space<vmem>>
    %dma_start3A_68 = arith.constant 0 : i32
    %dma_start3A_69 = tpu.memref_slice %arg7[%dma_start3A_62, %dma_start3A_68] : memref<80x128xi32, #tpu.memory_space<vmem>> -> memref<1x128xi32, #tpu.memory_space<vmem>>
    %dma_start3A_70 = tpu.memref_squeeze %dma_start3A_69 : memref<1x128xi32, #tpu.memory_space<vmem>> -> memref<128xi32, #tpu.memory_space<vmem>>
    %dma_start3A_71 = arith.constant 0 : i32
    %dma_start3A_72 = arith.constant 0 : i32
    %dma_start3A_73 = tpu.memref_slice %arg2[%dma_start3A_71, %dma_start3A_72] : memref<10000x64xf32, #tpu.memory_space<hbm>> -> memref<10000x64xf32, #tpu.memory_space<hbm>>
    tpu.enqueue_indirect_dma source(%dma_start3A_73 : memref<10000x64xf32, #tpu.memory_space<hbm>>) target(%dma_start3A_67 : memref<128x64xf32, #tpu.memory_space<vmem>>) offsets(%dma_start3A_70 : memref<128xi32, #tpu.memory_space<vmem>>) semaphore(%arg16 : memref<!tpu.dma_semaphore, #tpu.memory_space<semaphore_mem>>)
    %dma_start3A_74 = arith.constant 6 : i32
    %dma_start3A_75 = arith.constant 6 : i32
    %dma_start3A_76 = arith.constant 0 : i32
    %dma_start3A_77 = arith.constant 0 : i32
    %dma_start3A_78 = tpu.memref_slice %arg9[%dma_start3A_75, %dma_start3A_76, %dma_start3A_77] : memref<8x128x64xf32, #tpu.memory_space<vmem>> -> memref<1x128x64xf32, #tpu.memory_space<vmem>>
    %dma_start3A_79 = tpu.memref_squeeze %dma_start3A_78 : memref<1x128x64xf32, #tpu.memory_space<vmem>> -> memref<128x64xf32, #tpu.memory_space<vmem>>
    %dma_start3A_80 = arith.constant 0 : i32
    %dma_start3A_81 = tpu.memref_slice %arg7[%dma_start3A_74, %dma_start3A_80] : memref<80x128xi32, #tpu.memory_space<vmem>> -> memref<1x128xi32, #tpu.memory_space<vmem>>
    %dma_start3A_82 = tpu.memref_squeeze %dma_start3A_81 : memref<1x128xi32, #tpu.memory_space<vmem>> -> memref<128xi32, #tpu.memory_space<vmem>>
    %dma_start3A_83 = arith.constant 0 : i32
    %dma_start3A_84 = arith.constant 0 : i32
    %dma_start3A_85 = tpu.memref_slice %arg2[%dma_start3A_83, %dma_start3A_84] : memref<10000x64xf32, #tpu.memory_space<hbm>> -> memref<10000x64xf32, #tpu.memory_space<hbm>>
    tpu.enqueue_indirect_dma source(%dma_start3A_85 : memref<10000x64xf32, #tpu.memory_space<hbm>>) target(%dma_start3A_79 : memref<128x64xf32, #tpu.memory_space<vmem>>) offsets(%dma_start3A_82 : memref<128xi32, #tpu.memory_space<vmem>>) semaphore(%arg17 : memref<!tpu.dma_semaphore, #tpu.memory_space<semaphore_mem>>)
    %dma_start3A_86 = arith.constant 7 : i32
    %dma_start3A_87 = arith.constant 7 : i32
    %dma_start3A_88 = arith.constant 0 : i32
    %dma_start3A_89 = arith.constant 0 : i32
    %dma_start3A_90 = tpu.memref_slice %arg9[%dma_start3A_87, %dma_start3A_88, %dma_start3A_89] : memref<8x128x64xf32, #tpu.memory_space<vmem>> -> memref<1x128x64xf32, #tpu.memory_space<vmem>>
    %dma_start3A_91 = tpu.memref_squeeze %dma_start3A_90 : memref<1x128x64xf32, #tpu.memory_space<vmem>> -> memref<128x64xf32, #tpu.memory_space<vmem>>
    %dma_start3A_92 = arith.constant 0 : i32
    %dma_start3A_93 = tpu.memref_slice %arg7[%dma_start3A_86, %dma_start3A_92] : memref<80x128xi32, #tpu.memory_space<vmem>> -> memref<1x128xi32, #tpu.memory_space<vmem>>
    %dma_start3A_94 = tpu.memref_squeeze %dma_start3A_93 : memref<1x128xi32, #tpu.memory_space<vmem>> -> memref<128xi32, #tpu.memory_space<vmem>>
    %dma_start3A_95 = arith.constant 0 : i32
    %dma_start3A_96 = arith.constant 0 : i32
    %dma_start3A_97 = tpu.memref_slice %arg2[%dma_start3A_95, %dma_start3A_96] : memref<10000x64xf32, #tpu.memory_space<hbm>> -> memref<10000x64xf32, #tpu.memory_space<hbm>>
    tpu.enqueue_indirect_dma source(%dma_start3A_97 : memref<10000x64xf32, #tpu.memory_space<hbm>>) target(%dma_start3A_91 : memref<128x64xf32, #tpu.memory_space<vmem>>) offsets(%dma_start3A_94 : memref<128xi32, #tpu.memory_space<vmem>>) semaphore(%arg18 : memref<!tpu.dma_semaphore, #tpu.memory_space<semaphore_mem>>)
    %scan3A = arith.constant 0 : i32
    %scan3A_98 = arith.constant 0 : i32
    %scan3A_99 = arith.constant 10 : i32
    %scan3A_100 = arith.addi %scan3A_98, %scan3A_99 : i32
    %scan3A_101 = arith.constant 1 : i32
    scf.for %scan3A_108 = %scan3A_98 to %scan3A_100 step %scan3A_101  : i32 {
      %mul3A_109 = arith.constant 8 : i32
      %mul3A_110 = arith.muli %scan3A_108, %mul3A_109 : i32
      %add3A_111 = arith.constant 0 : i32
      %add3A_112 = arith.addi %mul3A_110, %add3A_111 : i32
      %dma_wait3A = arith.constant 0 : i32
      %dma_wait3A_113 = arith.constant 0 : i32
      %dma_wait3A_114 = arith.constant 0 : i32
      %dma_wait3A_115 = tpu.memref_slice %arg9[%dma_wait3A, %dma_wait3A_113, %dma_wait3A_114] : memref<8x128x64xf32, #tpu.memory_space<vmem>> -> memref<1x128x64xf32, #tpu.memory_space<vmem>>
      %dma_wait3A_116 = tpu.memref_squeeze %dma_wait3A_115 : memref<1x128x64xf32, #tpu.memory_space<vmem>> -> memref<128x64xf32, #tpu.memory_space<vmem>>
      %dma_wait3A_117 = arith.constant 0 : i32
      %dma_wait3A_118 = tpu.memref_slice %arg7[%add3A_112, %dma_wait3A_117] : memref<80x128xi32, #tpu.memory_space<vmem>> -> memref<1x128xi32, #tpu.memory_space<vmem>>
      %dma_wait3A_119 = tpu.memref_squeeze %dma_wait3A_118 : memref<1x128xi32, #tpu.memory_space<vmem>> -> memref<128xi32, #tpu.memory_space<vmem>>
      %dma_wait3A_120 = arith.constant 0 : i32
      %dma_wait3A_121 = arith.constant 0 : i32
      %dma_wait3A_122 = tpu.memref_slice %arg2[%dma_wait3A_120, %dma_wait3A_121] : memref<10000x64xf32, #tpu.memory_space<hbm>> -> memref<10000x64xf32, #tpu.memory_space<hbm>>
      tpu.wait_indirect_dma semaphore(%arg11 : memref<!tpu.dma_semaphore, #tpu.memory_space<semaphore_mem>>) src(%dma_wait3A_122 : memref<10000x64xf32, #tpu.memory_space<hbm>>) dst(%dma_wait3A_116 : memref<128x64xf32, #tpu.memory_space<vmem>>)
      %add3A_123 = arith.constant 0 : i32
      %add3A_124 = arith.addi %mul3A_110, %add3A_123 : i32
      %dma_start3A_125 = arith.constant 0 : i32
      %dma_start3A_126 = arith.constant 0 : i32
      %dma_start3A_127 = arith.constant 0 : i32
      %dma_start3A_128 = tpu.memref_slice %arg9[%dma_start3A_125, %dma_start3A_126, %dma_start3A_127] : memref<8x128x64xf32, #tpu.memory_space<vmem>> -> memref<1x128x64xf32, #tpu.memory_space<vmem>>
      %dma_start3A_129 = tpu.memref_squeeze %dma_start3A_128 : memref<1x128x64xf32, #tpu.memory_space<vmem>> -> memref<128x64xf32, #tpu.memory_space<vmem>>
      %dma_start3A_130 = arith.constant 0 : i32
      %dma_start3A_131 = tpu.memref_slice %arg8[%add3A_124, %dma_start3A_130] : memref<80x128xi32, #tpu.memory_space<vmem>> -> memref<1x128xi32, #tpu.memory_space<vmem>>
      %dma_start3A_132 = tpu.memref_squeeze %dma_start3A_131 : memref<1x128xi32, #tpu.memory_space<vmem>> -> memref<128xi32, #tpu.memory_space<vmem>>
      %dma_start3A_133 = arith.constant 0 : i32
      %dma_start3A_134 = arith.constant 0 : i32
      %dma_start3A_135 = tpu.memref_slice %arg10[%dma_start3A_133, %dma_start3A_134] : memref<10240x64xf32, #tpu.memory_space<vmem_shared>> -> memref<10240x64xf32, #tpu.memory_space<vmem_shared>>
      tpu.enqueue_indirect_dma source(%dma_start3A_129 : memref<128x64xf32, #tpu.memory_space<vmem>>) target(%dma_start3A_135 : memref<10240x64xf32, #tpu.memory_space<vmem_shared>>) offsets(%dma_start3A_132 : memref<128xi32, #tpu.memory_space<vmem>>) semaphore(%arg19 : memref<!tpu.dma_semaphore, #tpu.memory_space<semaphore_mem>>) {add = true}
      %add3A_136 = arith.constant 1 : i32
      %add3A_137 = arith.addi %mul3A_110, %add3A_136 : i32
      %dma_wait3A_138 = arith.constant 1 : i32
      %dma_wait3A_139 = arith.constant 0 : i32
      %dma_wait3A_140 = arith.constant 0 : i32
      %dma_wait3A_141 = tpu.memref_slice %arg9[%dma_wait3A_138, %dma_wait3A_139, %dma_wait3A_140] : memref<8x128x64xf32, #tpu.memory_space<vmem>> -> memref<1x128x64xf32, #tpu.memory_space<vmem>>
      %dma_wait3A_142 = tpu.memref_squeeze %dma_wait3A_141 : memref<1x128x64xf32, #tpu.memory_space<vmem>> -> memref<128x64xf32, #tpu.memory_space<vmem>>
      %dma_wait3A_143 = arith.constant 0 : i32
      %dma_wait3A_144 = tpu.memref_slice %arg7[%add3A_137, %dma_wait3A_143] : memref<80x128xi32, #tpu.memory_space<vmem>> -> memref<1x128xi32, #tpu.memory_space<vmem>>
      %dma_wait3A_145 = tpu.memref_squeeze %dma_wait3A_144 : memref<1x128xi32, #tpu.memory_space<vmem>> -> memref<128xi32, #tpu.memory_space<vmem>>
      %dma_wait3A_146 = arith.constant 0 : i32
      %dma_wait3A_147 = arith.constant 0 : i32
      %dma_wait3A_148 = tpu.memref_slice %arg2[%dma_wait3A_146, %dma_wait3A_147] : memref<10000x64xf32, #tpu.memory_space<hbm>> -> memref<10000x64xf32, #tpu.memory_space<hbm>>
      tpu.wait_indirect_dma semaphore(%arg12 : memref<!tpu.dma_semaphore, #tpu.memory_space<semaphore_mem>>) src(%dma_wait3A_148 : memref<10000x64xf32, #tpu.memory_space<hbm>>) dst(%dma_wait3A_142 : memref<128x64xf32, #tpu.memory_space<vmem>>)
      %add3A_149 = arith.constant 1 : i32
      %add3A_150 = arith.addi %mul3A_110, %add3A_149 : i32
      %dma_start3A_151 = arith.constant 1 : i32
      %dma_start3A_152 = arith.constant 0 : i32
      %dma_start3A_153 = arith.constant 0 : i32
      %dma_start3A_154 = tpu.memref_slice %arg9[%dma_start3A_151, %dma_start3A_152, %dma_start3A_153] : memref<8x128x64xf32, #tpu.memory_space<vmem>> -> memref<1x128x64xf32, #tpu.memory_space<vmem>>
      %dma_start3A_155 = tpu.memref_squeeze %dma_start3A_154 : memref<1x128x64xf32, #tpu.memory_space<vmem>> -> memref<128x64xf32, #tpu.memory_space<vmem>>
      %dma_start3A_156 = arith.constant 0 : i32
      %dma_start3A_157 = tpu.memref_slice %arg8[%add3A_150, %dma_start3A_156] : memref<80x128xi32, #tpu.memory_space<vmem>> -> memref<1x128xi32, #tpu.memory_space<vmem>>
      %dma_start3A_158 = tpu.memref_squeeze %dma_start3A_157 : memref<1x128xi32, #tpu.memory_space<vmem>> -> memref<128xi32, #tpu.memory_space<vmem>>
      %dma_start3A_159 = arith.constant 0 : i32
      %dma_start3A_160 = arith.constant 0 : i32
      %dma_start3A_161 = tpu.memref_slice %arg10[%dma_start3A_159, %dma_start3A_160] : memref<10240x64xf32, #tpu.memory_space<vmem_shared>> -> memref<10240x64xf32, #tpu.memory_space<vmem_shared>>
      tpu.enqueue_indirect_dma source(%dma_start3A_155 : memref<128x64xf32, #tpu.memory_space<vmem>>) target(%dma_start3A_161 : memref<10240x64xf32, #tpu.memory_space<vmem_shared>>) offsets(%dma_start3A_158 : memref<128xi32, #tpu.memory_space<vmem>>) semaphore(%arg20 : memref<!tpu.dma_semaphore, #tpu.memory_space<semaphore_mem>>) {add = true}
      %add3A_162 = arith.constant 2 : i32
      %add3A_163 = arith.addi %mul3A_110, %add3A_162 : i32
      %dma_wait3A_164 = arith.constant 2 : i32
      %dma_wait3A_165 = arith.constant 0 : i32
      %dma_wait3A_166 = arith.constant 0 : i32
      %dma_wait3A_167 = tpu.memref_slice %arg9[%dma_wait3A_164, %dma_wait3A_165, %dma_wait3A_166] : memref<8x128x64xf32, #tpu.memory_space<vmem>> -> memref<1x128x64xf32, #tpu.memory_space<vmem>>
      %dma_wait3A_168 = tpu.memref_squeeze %dma_wait3A_167 : memref<1x128x64xf32, #tpu.memory_space<vmem>> -> memref<128x64xf32, #tpu.memory_space<vmem>>
      %dma_wait3A_169 = arith.constant 0 : i32
      %dma_wait3A_170 = tpu.memref_slice %arg7[%add3A_163, %dma_wait3A_169] : memref<80x128xi32, #tpu.memory_space<vmem>> -> memref<1x128xi32, #tpu.memory_space<vmem>>
      %dma_wait3A_171 = tpu.memref_squeeze %dma_wait3A_170 : memref<1x128xi32, #tpu.memory_space<vmem>> -> memref<128xi32, #tpu.memory_space<vmem>>
      %dma_wait3A_172 = arith.constant 0 : i32
      %dma_wait3A_173 = arith.constant 0 : i32
      %dma_wait3A_174 = tpu.memref_slice %arg2[%dma_wait3A_172, %dma_wait3A_173] : memref<10000x64xf32, #tpu.memory_space<hbm>> -> memref<10000x64xf32, #tpu.memory_space<hbm>>
      tpu.wait_indirect_dma semaphore(%arg13 : memref<!tpu.dma_semaphore, #tpu.memory_space<semaphore_mem>>) src(%dma_wait3A_174 : memref<10000x64xf32, #tpu.memory_space<hbm>>) dst(%dma_wait3A_168 : memref<128x64xf32, #tpu.memory_space<vmem>>)
      %add3A_175 = arith.constant 2 : i32
      %add3A_176 = arith.addi %mul3A_110, %add3A_175 : i32
      %dma_start3A_177 = arith.constant 2 : i32
      %dma_start3A_178 = arith.constant 0 : i32
      %dma_start3A_179 = arith.constant 0 : i32
      %dma_start3A_180 = tpu.memref_slice %arg9[%dma_start3A_177, %dma_start3A_178, %dma_start3A_179] : memref<8x128x64xf32, #tpu.memory_space<vmem>> -> memref<1x128x64xf32, #tpu.memory_space<vmem>>
      %dma_start3A_181 = tpu.memref_squeeze %dma_start3A_180 : memref<1x128x64xf32, #tpu.memory_space<vmem>> -> memref<128x64xf32, #tpu.memory_space<vmem>>
      %dma_start3A_182 = arith.constant 0 : i32
      %dma_start3A_183 = tpu.memref_slice %arg8[%add3A_176, %dma_start3A_182] : memref<80x128xi32, #tpu.memory_space<vmem>> -> memref<1x128xi32, #tpu.memory_space<vmem>>
      %dma_start3A_184 = tpu.memref_squeeze %dma_start3A_183 : memref<1x128xi32, #tpu.memory_space<vmem>> -> memref<128xi32, #tpu.memory_space<vmem>>
      %dma_start3A_185 = arith.constant 0 : i32
      %dma_start3A_186 = arith.constant 0 : i32
      %dma_start3A_187 = tpu.memref_slice %arg10[%dma_start3A_185, %dma_start3A_186] : memref<10240x64xf32, #tpu.memory_space<vmem_shared>> -> memref<10240x64xf32, #tpu.memory_space<vmem_shared>>
      tpu.enqueue_indirect_dma source(%dma_start3A_181 : memref<128x64xf32, #tpu.memory_space<vmem>>) target(%dma_start3A_187 : memref<10240x64xf32, #tpu.memory_space<vmem_shared>>) offsets(%dma_start3A_184 : memref<128xi32, #tpu.memory_space<vmem>>) semaphore(%arg21 : memref<!tpu.dma_semaphore, #tpu.memory_space<semaphore_mem>>) {add = true}
      %add3A_188 = arith.constant 3 : i32
      %add3A_189 = arith.addi %mul3A_110, %add3A_188 : i32
      %dma_wait3A_190 = arith.constant 3 : i32
      %dma_wait3A_191 = arith.constant 0 : i32
      %dma_wait3A_192 = arith.constant 0 : i32
      %dma_wait3A_193 = tpu.memref_slice %arg9[%dma_wait3A_190, %dma_wait3A_191, %dma_wait3A_192] : memref<8x128x64xf32, #tpu.memory_space<vmem>> -> memref<1x128x64xf32, #tpu.memory_space<vmem>>
      %dma_wait3A_194 = tpu.memref_squeeze %dma_wait3A_193 : memref<1x128x64xf32, #tpu.memory_space<vmem>> -> memref<128x64xf32, #tpu.memory_space<vmem>>
      %dma_wait3A_195 = arith.constant 0 : i32
      %dma_wait3A_196 = tpu.memref_slice %arg7[%add3A_189, %dma_wait3A_195] : memref<80x128xi32, #tpu.memory_space<vmem>> -> memref<1x128xi32, #tpu.memory_space<vmem>>
      %dma_wait3A_197 = tpu.memref_squeeze %dma_wait3A_196 : memref<1x128xi32, #tpu.memory_space<vmem>> -> memref<128xi32, #tpu.memory_space<vmem>>
      %dma_wait3A_198 = arith.constant 0 : i32
      %dma_wait3A_199 = arith.constant 0 : i32
      %dma_wait3A_200 = tpu.memref_slice %arg2[%dma_wait3A_198, %dma_wait3A_199] : memref<10000x64xf32, #tpu.memory_space<hbm>> -> memref<10000x64xf32, #tpu.memory_space<hbm>>
      tpu.wait_indirect_dma semaphore(%arg14 : memref<!tpu.dma_semaphore, #tpu.memory_space<semaphore_mem>>) src(%dma_wait3A_200 : memref<10000x64xf32, #tpu.memory_space<hbm>>) dst(%dma_wait3A_194 : memref<128x64xf32, #tpu.memory_space<vmem>>)
      %add3A_201 = arith.constant 3 : i32
      %add3A_202 = arith.addi %mul3A_110, %add3A_201 : i32
      %dma_start3A_203 = arith.constant 3 : i32
      %dma_start3A_204 = arith.constant 0 : i32
      %dma_start3A_205 = arith.constant 0 : i32
      %dma_start3A_206 = tpu.memref_slice %arg9[%dma_start3A_203, %dma_start3A_204, %dma_start3A_205] : memref<8x128x64xf32, #tpu.memory_space<vmem>> -> memref<1x128x64xf32, #tpu.memory_space<vmem>>
      %dma_start3A_207 = tpu.memref_squeeze %dma_start3A_206 : memref<1x128x64xf32, #tpu.memory_space<vmem>> -> memref<128x64xf32, #tpu.memory_space<vmem>>
      %dma_start3A_208 = arith.constant 0 : i32
      %dma_start3A_209 = tpu.memref_slice %arg8[%add3A_202, %dma_start3A_208] : memref<80x128xi32, #tpu.memory_space<vmem>> -> memref<1x128xi32, #tpu.memory_space<vmem>>
      %dma_start3A_210 = tpu.memref_squeeze %dma_start3A_209 : memref<1x128xi32, #tpu.memory_space<vmem>> -> memref<128xi32, #tpu.memory_space<vmem>>
      %dma_start3A_211 = arith.constant 0 : i32
      %dma_start3A_212 = arith.constant 0 : i32
      %dma_start3A_213 = tpu.memref_slice %arg10[%dma_start3A_211, %dma_start3A_212] : memref<10240x64xf32, #tpu.memory_space<vmem_shared>> -> memref<10240x64xf32, #tpu.memory_space<vmem_shared>>
      tpu.enqueue_indirect_dma source(%dma_start3A_207 : memref<128x64xf32, #tpu.memory_space<vmem>>) target(%dma_start3A_213 : memref<10240x64xf32, #tpu.memory_space<vmem_shared>>) offsets(%dma_start3A_210 : memref<128xi32, #tpu.memory_space<vmem>>) semaphore(%arg22 : memref<!tpu.dma_semaphore, #tpu.memory_space<semaphore_mem>>) {add = true}
      %add3A_214 = arith.constant 4 : i32
      %add3A_215 = arith.addi %mul3A_110, %add3A_214 : i32
      %dma_wait3A_216 = arith.constant 4 : i32
      %dma_wait3A_217 = arith.constant 0 : i32
      %dma_wait3A_218 = arith.constant 0 : i32
      %dma_wait3A_219 = tpu.memref_slice %arg9[%dma_wait3A_216, %dma_wait3A_217, %dma_wait3A_218] : memref<8x128x64xf32, #tpu.memory_space<vmem>> -> memref<1x128x64xf32, #tpu.memory_space<vmem>>
      %dma_wait3A_220 = tpu.memref_squeeze %dma_wait3A_219 : memref<1x128x64xf32, #tpu.memory_space<vmem>> -> memref<128x64xf32, #tpu.memory_space<vmem>>
      %dma_wait3A_221 = arith.constant 0 : i32
      %dma_wait3A_222 = tpu.memref_slice %arg7[%add3A_215, %dma_wait3A_221] : memref<80x128xi32, #tpu.memory_space<vmem>> -> memref<1x128xi32, #tpu.memory_space<vmem>>
      %dma_wait3A_223 = tpu.memref_squeeze %dma_wait3A_222 : memref<1x128xi32, #tpu.memory_space<vmem>> -> memref<128xi32, #tpu.memory_space<vmem>>
      %dma_wait3A_224 = arith.constant 0 : i32
      %dma_wait3A_225 = arith.constant 0 : i32
      %dma_wait3A_226 = tpu.memref_slice %arg2[%dma_wait3A_224, %dma_wait3A_225] : memref<10000x64xf32, #tpu.memory_space<hbm>> -> memref<10000x64xf32, #tpu.memory_space<hbm>>
      tpu.wait_indirect_dma semaphore(%arg15 : memref<!tpu.dma_semaphore, #tpu.memory_space<semaphore_mem>>) src(%dma_wait3A_226 : memref<10000x64xf32, #tpu.memory_space<hbm>>) dst(%dma_wait3A_220 : memref<128x64xf32, #tpu.memory_space<vmem>>)
      %add3A_227 = arith.constant 4 : i32
      %add3A_228 = arith.addi %mul3A_110, %add3A_227 : i32
      %dma_start3A_229 = arith.constant 4 : i32
      %dma_start3A_230 = arith.constant 0 : i32
      %dma_start3A_231 = arith.constant 0 : i32
      %dma_start3A_232 = tpu.memref_slice %arg9[%dma_start3A_229, %dma_start3A_230, %dma_start3A_231] : memref<8x128x64xf32, #tpu.memory_space<vmem>> -> memref<1x128x64xf32, #tpu.memory_space<vmem>>
      %dma_start3A_233 = tpu.memref_squeeze %dma_start3A_232 : memref<1x128x64xf32, #tpu.memory_space<vmem>> -> memref<128x64xf32, #tpu.memory_space<vmem>>
      %dma_start3A_234 = arith.constant 0 : i32
      %dma_start3A_235 = tpu.memref_slice %arg8[%add3A_228, %dma_start3A_234] : memref<80x128xi32, #tpu.memory_space<vmem>> -> memref<1x128xi32, #tpu.memory_space<vmem>>
      %dma_start3A_236 = tpu.memref_squeeze %dma_start3A_235 : memref<1x128xi32, #tpu.memory_space<vmem>> -> memref<128xi32, #tpu.memory_space<vmem>>
      %dma_start3A_237 = arith.constant 0 : i32
      %dma_start3A_238 = arith.constant 0 : i32
      %dma_start3A_239 = tpu.memref_slice %arg10[%dma_start3A_237, %dma_start3A_238] : memref<10240x64xf32, #tpu.memory_space<vmem_shared>> -> memref<10240x64xf32, #tpu.memory_space<vmem_shared>>
      tpu.enqueue_indirect_dma source(%dma_start3A_233 : memref<128x64xf32, #tpu.memory_space<vmem>>) target(%dma_start3A_239 : memref<10240x64xf32, #tpu.memory_space<vmem_shared>>) offsets(%dma_start3A_236 : memref<128xi32, #tpu.memory_space<vmem>>) semaphore(%arg23 : memref<!tpu.dma_semaphore, #tpu.memory_space<semaphore_mem>>) {add = true}
      %add3A_240 = arith.constant 5 : i32
      %add3A_241 = arith.addi %mul3A_110, %add3A_240 : i32
      %dma_wait3A_242 = arith.constant 5 : i32
      %dma_wait3A_243 = arith.constant 0 : i32
      %dma_wait3A_244 = arith.constant 0 : i32
      %dma_wait3A_245 = tpu.memref_slice %arg9[%dma_wait3A_242, %dma_wait3A_243, %dma_wait3A_244] : memref<8x128x64xf32, #tpu.memory_space<vmem>> -> memref<1x128x64xf32, #tpu.memory_space<vmem>>
      %dma_wait3A_246 = tpu.memref_squeeze %dma_wait3A_245 : memref<1x128x64xf32, #tpu.memory_space<vmem>> -> memref<128x64xf32, #tpu.memory_space<vmem>>
      %dma_wait3A_247 = arith.constant 0 : i32
      %dma_wait3A_248 = tpu.memref_slice %arg7[%add3A_241, %dma_wait3A_247] : memref<80x128xi32, #tpu.memory_space<vmem>> -> memref<1x128xi32, #tpu.memory_space<vmem>>
      %dma_wait3A_249 = tpu.memref_squeeze %dma_wait3A_248 : memref<1x128xi32, #tpu.memory_space<vmem>> -> memref<128xi32, #tpu.memory_space<vmem>>
      %dma_wait3A_250 = arith.constant 0 : i32
      %dma_wait3A_251 = arith.constant 0 : i32
      %dma_wait3A_252 = tpu.memref_slice %arg2[%dma_wait3A_250, %dma_wait3A_251] : memref<10000x64xf32, #tpu.memory_space<hbm>> -> memref<10000x64xf32, #tpu.memory_space<hbm>>
      tpu.wait_indirect_dma semaphore(%arg16 : memref<!tpu.dma_semaphore, #tpu.memory_space<semaphore_mem>>) src(%dma_wait3A_252 : memref<10000x64xf32, #tpu.memory_space<hbm>>) dst(%dma_wait3A_246 : memref<128x64xf32, #tpu.memory_space<vmem>>)
      %add3A_253 = arith.constant 5 : i32
      %add3A_254 = arith.addi %mul3A_110, %add3A_253 : i32
      %dma_start3A_255 = arith.constant 5 : i32
      %dma_start3A_256 = arith.constant 0 : i32
      %dma_start3A_257 = arith.constant 0 : i32
      %dma_start3A_258 = tpu.memref_slice %arg9[%dma_start3A_255, %dma_start3A_256, %dma_start3A_257] : memref<8x128x64xf32, #tpu.memory_space<vmem>> -> memref<1x128x64xf32, #tpu.memory_space<vmem>>
      %dma_start3A_259 = tpu.memref_squeeze %dma_start3A_258 : memref<1x128x64xf32, #tpu.memory_space<vmem>> -> memref<128x64xf32, #tpu.memory_space<vmem>>
      %dma_start3A_260 = arith.constant 0 : i32
      %dma_start3A_261 = tpu.memref_slice %arg8[%add3A_254, %dma_start3A_260] : memref<80x128xi32, #tpu.memory_space<vmem>> -> memref<1x128xi32, #tpu.memory_space<vmem>>
      %dma_start3A_262 = tpu.memref_squeeze %dma_start3A_261 : memref<1x128xi32, #tpu.memory_space<vmem>> -> memref<128xi32, #tpu.memory_space<vmem>>
      %dma_start3A_263 = arith.constant 0 : i32
      %dma_start3A_264 = arith.constant 0 : i32
      %dma_start3A_265 = tpu.memref_slice %arg10[%dma_start3A_263, %dma_start3A_264] : memref<10240x64xf32, #tpu.memory_space<vmem_shared>> -> memref<10240x64xf32, #tpu.memory_space<vmem_shared>>
      tpu.enqueue_indirect_dma source(%dma_start3A_259 : memref<128x64xf32, #tpu.memory_space<vmem>>) target(%dma_start3A_265 : memref<10240x64xf32, #tpu.memory_space<vmem_shared>>) offsets(%dma_start3A_262 : memref<128xi32, #tpu.memory_space<vmem>>) semaphore(%arg24 : memref<!tpu.dma_semaphore, #tpu.memory_space<semaphore_mem>>) {add = true}
      %add3A_266 = arith.constant 6 : i32
      %add3A_267 = arith.addi %mul3A_110, %add3A_266 : i32
      %dma_wait3A_268 = arith.constant 6 : i32
      %dma_wait3A_269 = arith.constant 0 : i32
      %dma_wait3A_270 = arith.constant 0 : i32
      %dma_wait3A_271 = tpu.memref_slice %arg9[%dma_wait3A_268, %dma_wait3A_269, %dma_wait3A_270] : memref<8x128x64xf32, #tpu.memory_space<vmem>> -> memref<1x128x64xf32, #tpu.memory_space<vmem>>
      %dma_wait3A_272 = tpu.memref_squeeze %dma_wait3A_271 : memref<1x128x64xf32, #tpu.memory_space<vmem>> -> memref<128x64xf32, #tpu.memory_space<vmem>>
      %dma_wait3A_273 = arith.constant 0 : i32
      %dma_wait3A_274 = tpu.memref_slice %arg7[%add3A_267, %dma_wait3A_273] : memref<80x128xi32, #tpu.memory_space<vmem>> -> memref<1x128xi32, #tpu.memory_space<vmem>>
      %dma_wait3A_275 = tpu.memref_squeeze %dma_wait3A_274 : memref<1x128xi32, #tpu.memory_space<vmem>> -> memref<128xi32, #tpu.memory_space<vmem>>
      %dma_wait3A_276 = arith.constant 0 : i32
      %dma_wait3A_277 = arith.constant 0 : i32
      %dma_wait3A_278 = tpu.memref_slice %arg2[%dma_wait3A_276, %dma_wait3A_277] : memref<10000x64xf32, #tpu.memory_space<hbm>> -> memref<10000x64xf32, #tpu.memory_space<hbm>>
      tpu.wait_indirect_dma semaphore(%arg17 : memref<!tpu.dma_semaphore, #tpu.memory_space<semaphore_mem>>) src(%dma_wait3A_278 : memref<10000x64xf32, #tpu.memory_space<hbm>>) dst(%dma_wait3A_272 : memref<128x64xf32, #tpu.memory_space<vmem>>)
      %add3A_279 = arith.constant 6 : i32
      %add3A_280 = arith.addi %mul3A_110, %add3A_279 : i32
      %dma_start3A_281 = arith.constant 6 : i32
      %dma_start3A_282 = arith.constant 0 : i32
      %dma_start3A_283 = arith.constant 0 : i32
      %dma_start3A_284 = tpu.memref_slice %arg9[%dma_start3A_281, %dma_start3A_282, %dma_start3A_283] : memref<8x128x64xf32, #tpu.memory_space<vmem>> -> memref<1x128x64xf32, #tpu.memory_space<vmem>>
      %dma_start3A_285 = tpu.memref_squeeze %dma_start3A_284 : memref<1x128x64xf32, #tpu.memory_space<vmem>> -> memref<128x64xf32, #tpu.memory_space<vmem>>
      %dma_start3A_286 = arith.constant 0 : i32
      %dma_start3A_287 = tpu.memref_slice %arg8[%add3A_280, %dma_start3A_286] : memref<80x128xi32, #tpu.memory_space<vmem>> -> memref<1x128xi32, #tpu.memory_space<vmem>>
      %dma_start3A_288 = tpu.memref_squeeze %dma_start3A_287 : memref<1x128xi32, #tpu.memory_space<vmem>> -> memref<128xi32, #tpu.memory_space<vmem>>
      %dma_start3A_289 = arith.constant 0 : i32
      %dma_start3A_290 = arith.constant 0 : i32
      %dma_start3A_291 = tpu.memref_slice %arg10[%dma_start3A_289, %dma_start3A_290] : memref<10240x64xf32, #tpu.memory_space<vmem_shared>> -> memref<10240x64xf32, #tpu.memory_space<vmem_shared>>
      tpu.enqueue_indirect_dma source(%dma_start3A_285 : memref<128x64xf32, #tpu.memory_space<vmem>>) target(%dma_start3A_291 : memref<10240x64xf32, #tpu.memory_space<vmem_shared>>) offsets(%dma_start3A_288 : memref<128xi32, #tpu.memory_space<vmem>>) semaphore(%arg25 : memref<!tpu.dma_semaphore, #tpu.memory_space<semaphore_mem>>) {add = true}
      %add3A_292 = arith.constant 7 : i32
      %add3A_293 = arith.addi %mul3A_110, %add3A_292 : i32
      %dma_wait3A_294 = arith.constant 7 : i32
      %dma_wait3A_295 = arith.constant 0 : i32
      %dma_wait3A_296 = arith.constant 0 : i32
      %dma_wait3A_297 = tpu.memref_slice %arg9[%dma_wait3A_294, %dma_wait3A_295, %dma_wait3A_296] : memref<8x128x64xf32, #tpu.memory_space<vmem>> -> memref<1x128x64xf32, #tpu.memory_space<vmem>>
      %dma_wait3A_298 = tpu.memref_squeeze %dma_wait3A_297 : memref<1x128x64xf32, #tpu.memory_space<vmem>> -> memref<128x64xf32, #tpu.memory_space<vmem>>
      %dma_wait3A_299 = arith.constant 0 : i32
      %dma_wait3A_300 = tpu.memref_slice %arg7[%add3A_293, %dma_wait3A_299] : memref<80x128xi32, #tpu.memory_space<vmem>> -> memref<1x128xi32, #tpu.memory_space<vmem>>
      %dma_wait3A_301 = tpu.memref_squeeze %dma_wait3A_300 : memref<1x128xi32, #tpu.memory_space<vmem>> -> memref<128xi32, #tpu.memory_space<vmem>>
      %dma_wait3A_302 = arith.constant 0 : i32
      %dma_wait3A_303 = arith.constant 0 : i32
      %dma_wait3A_304 = tpu.memref_slice %arg2[%dma_wait3A_302, %dma_wait3A_303] : memref<10000x64xf32, #tpu.memory_space<hbm>> -> memref<10000x64xf32, #tpu.memory_space<hbm>>
      tpu.wait_indirect_dma semaphore(%arg18 : memref<!tpu.dma_semaphore, #tpu.memory_space<semaphore_mem>>) src(%dma_wait3A_304 : memref<10000x64xf32, #tpu.memory_space<hbm>>) dst(%dma_wait3A_298 : memref<128x64xf32, #tpu.memory_space<vmem>>)
      %add3A_305 = arith.constant 7 : i32
      %add3A_306 = arith.addi %mul3A_110, %add3A_305 : i32
      %dma_start3A_307 = arith.constant 7 : i32
      %dma_start3A_308 = arith.constant 0 : i32
      %dma_start3A_309 = arith.constant 0 : i32
      %dma_start3A_310 = tpu.memref_slice %arg9[%dma_start3A_307, %dma_start3A_308, %dma_start3A_309] : memref<8x128x64xf32, #tpu.memory_space<vmem>> -> memref<1x128x64xf32, #tpu.memory_space<vmem>>
      %dma_start3A_311 = tpu.memref_squeeze %dma_start3A_310 : memref<1x128x64xf32, #tpu.memory_space<vmem>> -> memref<128x64xf32, #tpu.memory_space<vmem>>
      %dma_start3A_312 = arith.constant 0 : i32
      %dma_start3A_313 = tpu.memref_slice %arg8[%add3A_306, %dma_start3A_312] : memref<80x128xi32, #tpu.memory_space<vmem>> -> memref<1x128xi32, #tpu.memory_space<vmem>>
      %dma_start3A_314 = tpu.memref_squeeze %dma_start3A_313 : memref<1x128xi32, #tpu.memory_space<vmem>> -> memref<128xi32, #tpu.memory_space<vmem>>
      %dma_start3A_315 = arith.constant 0 : i32
      %dma_start3A_316 = arith.constant 0 : i32
      %dma_start3A_317 = tpu.memref_slice %arg10[%dma_start3A_315, %dma_start3A_316] : memref<10240x64xf32, #tpu.memory_space<vmem_shared>> -> memref<10240x64xf32, #tpu.memory_space<vmem_shared>>
      tpu.enqueue_indirect_dma source(%dma_start3A_311 : memref<128x64xf32, #tpu.memory_space<vmem>>) target(%dma_start3A_317 : memref<10240x64xf32, #tpu.memory_space<vmem_shared>>) offsets(%dma_start3A_314 : memref<128xi32, #tpu.memory_space<vmem>>) semaphore(%arg26 : memref<!tpu.dma_semaphore, #tpu.memory_space<semaphore_mem>>) {add = true}
      %add3A_318 = arith.constant 0 : i32
      %add3A_319 = arith.addi %mul3A_110, %add3A_318 : i32
      %dma_wait3A_320 = arith.constant 0 : i32
      %dma_wait3A_321 = arith.constant 0 : i32
      %dma_wait3A_322 = arith.constant 0 : i32
      %dma_wait3A_323 = tpu.memref_slice %arg9[%dma_wait3A_320, %dma_wait3A_321, %dma_wait3A_322] : memref<8x128x64xf32, #tpu.memory_space<vmem>> -> memref<1x128x64xf32, #tpu.memory_space<vmem>>
      %dma_wait3A_324 = tpu.memref_squeeze %dma_wait3A_323 : memref<1x128x64xf32, #tpu.memory_space<vmem>> -> memref<128x64xf32, #tpu.memory_space<vmem>>
      %dma_wait3A_325 = arith.constant 0 : i32
      %dma_wait3A_326 = tpu.memref_slice %arg8[%add3A_319, %dma_wait3A_325] : memref<80x128xi32, #tpu.memory_space<vmem>> -> memref<1x128xi32, #tpu.memory_space<vmem>>
      %dma_wait3A_327 = tpu.memref_squeeze %dma_wait3A_326 : memref<1x128xi32, #tpu.memory_space<vmem>> -> memref<128xi32, #tpu.memory_space<vmem>>
      %dma_wait3A_328 = arith.constant 0 : i32
      %dma_wait3A_329 = arith.constant 0 : i32
      %dma_wait3A_330 = tpu.memref_slice %arg10[%dma_wait3A_328, %dma_wait3A_329] : memref<10240x64xf32, #tpu.memory_space<vmem_shared>> -> memref<10240x64xf32, #tpu.memory_space<vmem_shared>>
      tpu.wait_indirect_dma semaphore(%arg19 : memref<!tpu.dma_semaphore, #tpu.memory_space<semaphore_mem>>) src(%dma_wait3A_324 : memref<128x64xf32, #tpu.memory_space<vmem>>) dst(%dma_wait3A_330 : memref<10240x64xf32, #tpu.memory_space<vmem_shared>>)
      %add3A_331 = arith.constant 1 : i32
      %add3A_332 = arith.addi %scan3A_108, %add3A_331 : i32
      %lt3A = arith.constant 10 : i32
      %lt3A_333 = arith.cmpi slt, %add3A_332, %lt3A : i32
      %convert_element_type3A = arith.extui %lt3A_333 : i1 to i32
      %cond3A = arith.constant 0 : i32
      %cond3A_334 = arith.cmpi ne, %convert_element_type3A, %cond3A : i32
      scf.if %cond3A_334 {
        %add3A_475 = arith.constant 8 : i32
        %add3A_476 = arith.addi %mul3A_110, %add3A_475 : i32
        %add3A_477 = arith.constant 0 : i32
        %add3A_478 = arith.addi %add3A_476, %add3A_477 : i32
        %dma_start3A_479 = arith.constant 0 : i32
        %dma_start3A_480 = arith.constant 0 : i32
        %dma_start3A_481 = arith.constant 0 : i32
        %dma_start3A_482 = tpu.memref_slice %arg9[%dma_start3A_479, %dma_start3A_480, %dma_start3A_481] : memref<8x128x64xf32, #tpu.memory_space<vmem>> -> memref<1x128x64xf32, #tpu.memory_space<vmem>>
        %dma_start3A_483 = tpu.memref_squeeze %dma_start3A_482 : memref<1x128x64xf32, #tpu.memory_space<vmem>> -> memref<128x64xf32, #tpu.memory_space<vmem>>
        %dma_start3A_484 = arith.constant 0 : i32
        %dma_start3A_485 = tpu.memref_slice %arg7[%add3A_478, %dma_start3A_484] : memref<80x128xi32, #tpu.memory_space<vmem>> -> memref<1x128xi32, #tpu.memory_space<vmem>>
        %dma_start3A_486 = tpu.memref_squeeze %dma_start3A_485 : memref<1x128xi32, #tpu.memory_space<vmem>> -> memref<128xi32, #tpu.memory_space<vmem>>
        %dma_start3A_487 = arith.constant 0 : i32
        %dma_start3A_488 = arith.constant 0 : i32
        %dma_start3A_489 = tpu.memref_slice %arg2[%dma_start3A_487, %dma_start3A_488] : memref<10000x64xf32, #tpu.memory_space<hbm>> -> memref<10000x64xf32, #tpu.memory_space<hbm>>
        tpu.enqueue_indirect_dma source(%dma_start3A_489 : memref<10000x64xf32, #tpu.memory_space<hbm>>) target(%dma_start3A_483 : memref<128x64xf32, #tpu.memory_space<vmem>>) offsets(%dma_start3A_486 : memref<128xi32, #tpu.memory_space<vmem>>) semaphore(%arg11 : memref<!tpu.dma_semaphore, #tpu.memory_space<semaphore_mem>>)
      } else {
      }
      %add3A_335 = arith.constant 1 : i32
      %add3A_336 = arith.addi %mul3A_110, %add3A_335 : i32
      %dma_wait3A_337 = arith.constant 1 : i32
      %dma_wait3A_338 = arith.constant 0 : i32
      %dma_wait3A_339 = arith.constant 0 : i32
      %dma_wait3A_340 = tpu.memref_slice %arg9[%dma_wait3A_337, %dma_wait3A_338, %dma_wait3A_339] : memref<8x128x64xf32, #tpu.memory_space<vmem>> -> memref<1x128x64xf32, #tpu.memory_space<vmem>>
      %dma_wait3A_341 = tpu.memref_squeeze %dma_wait3A_340 : memref<1x128x64xf32, #tpu.memory_space<vmem>> -> memref<128x64xf32, #tpu.memory_space<vmem>>
      %dma_wait3A_342 = arith.constant 0 : i32
      %dma_wait3A_343 = tpu.memref_slice %arg8[%add3A_336, %dma_wait3A_342] : memref<80x128xi32, #tpu.memory_space<vmem>> -> memref<1x128xi32, #tpu.memory_space<vmem>>
      %dma_wait3A_344 = tpu.memref_squeeze %dma_wait3A_343 : memref<1x128xi32, #tpu.memory_space<vmem>> -> memref<128xi32, #tpu.memory_space<vmem>>
      %dma_wait3A_345 = arith.constant 0 : i32
      %dma_wait3A_346 = arith.constant 0 : i32
      %dma_wait3A_347 = tpu.memref_slice %arg10[%dma_wait3A_345, %dma_wait3A_346] : memref<10240x64xf32, #tpu.memory_space<vmem_shared>> -> memref<10240x64xf32, #tpu.memory_space<vmem_shared>>
      tpu.wait_indirect_dma semaphore(%arg20 : memref<!tpu.dma_semaphore, #tpu.memory_space<semaphore_mem>>) src(%dma_wait3A_341 : memref<128x64xf32, #tpu.memory_space<vmem>>) dst(%dma_wait3A_347 : memref<10240x64xf32, #tpu.memory_space<vmem_shared>>)
      %add3A_348 = arith.constant 1 : i32
      %add3A_349 = arith.addi %scan3A_108, %add3A_348 : i32
      %lt3A_350 = arith.constant 10 : i32
      %lt3A_351 = arith.cmpi slt, %add3A_349, %lt3A_350 : i32
      %convert_element_type3A_352 = arith.extui %lt3A_351 : i1 to i32
      %cond3A_353 = arith.constant 0 : i32
      %cond3A_354 = arith.cmpi ne, %convert_element_type3A_352, %cond3A_353 : i32
      scf.if %cond3A_354 {
        %add3A_475 = arith.constant 8 : i32
        %add3A_476 = arith.addi %mul3A_110, %add3A_475 : i32
        %add3A_477 = arith.constant 1 : i32
        %add3A_478 = arith.addi %add3A_476, %add3A_477 : i32
        %dma_start3A_479 = arith.constant 1 : i32
        %dma_start3A_480 = arith.constant 0 : i32
        %dma_start3A_481 = arith.constant 0 : i32
        %dma_start3A_482 = tpu.memref_slice %arg9[%dma_start3A_479, %dma_start3A_480, %dma_start3A_481] : memref<8x128x64xf32, #tpu.memory_space<vmem>> -> memref<1x128x64xf32, #tpu.memory_space<vmem>>
        %dma_start3A_483 = tpu.memref_squeeze %dma_start3A_482 : memref<1x128x64xf32, #tpu.memory_space<vmem>> -> memref<128x64xf32, #tpu.memory_space<vmem>>
        %dma_start3A_484 = arith.constant 0 : i32
        %dma_start3A_485 = tpu.memref_slice %arg7[%add3A_478, %dma_start3A_484] : memref<80x128xi32, #tpu.memory_space<vmem>> -> memref<1x128xi32, #tpu.memory_space<vmem>>
        %dma_start3A_486 = tpu.memref_squeeze %dma_start3A_485 : memref<1x128xi32, #tpu.memory_space<vmem>> -> memref<128xi32, #tpu.memory_space<vmem>>
        %dma_start3A_487 = arith.constant 0 : i32
        %dma_start3A_488 = arith.constant 0 : i32
        %dma_start3A_489 = tpu.memref_slice %arg2[%dma_start3A_487, %dma_start3A_488] : memref<10000x64xf32, #tpu.memory_space<hbm>> -> memref<10000x64xf32, #tpu.memory_space<hbm>>
        tpu.enqueue_indirect_dma source(%dma_start3A_489 : memref<10000x64xf32, #tpu.memory_space<hbm>>) target(%dma_start3A_483 : memref<128x64xf32, #tpu.memory_space<vmem>>) offsets(%dma_start3A_486 : memref<128xi32, #tpu.memory_space<vmem>>) semaphore(%arg12 : memref<!tpu.dma_semaphore, #tpu.memory_space<semaphore_mem>>)
      } else {
      }
      %add3A_355 = arith.constant 2 : i32
      %add3A_356 = arith.addi %mul3A_110, %add3A_355 : i32
      %dma_wait3A_357 = arith.constant 2 : i32
      %dma_wait3A_358 = arith.constant 0 : i32
      %dma_wait3A_359 = arith.constant 0 : i32
      %dma_wait3A_360 = tpu.memref_slice %arg9[%dma_wait3A_357, %dma_wait3A_358, %dma_wait3A_359] : memref<8x128x64xf32, #tpu.memory_space<vmem>> -> memref<1x128x64xf32, #tpu.memory_space<vmem>>
      %dma_wait3A_361 = tpu.memref_squeeze %dma_wait3A_360 : memref<1x128x64xf32, #tpu.memory_space<vmem>> -> memref<128x64xf32, #tpu.memory_space<vmem>>
      %dma_wait3A_362 = arith.constant 0 : i32
      %dma_wait3A_363 = tpu.memref_slice %arg8[%add3A_356, %dma_wait3A_362] : memref<80x128xi32, #tpu.memory_space<vmem>> -> memref<1x128xi32, #tpu.memory_space<vmem>>
      %dma_wait3A_364 = tpu.memref_squeeze %dma_wait3A_363 : memref<1x128xi32, #tpu.memory_space<vmem>> -> memref<128xi32, #tpu.memory_space<vmem>>
      %dma_wait3A_365 = arith.constant 0 : i32
      %dma_wait3A_366 = arith.constant 0 : i32
      %dma_wait3A_367 = tpu.memref_slice %arg10[%dma_wait3A_365, %dma_wait3A_366] : memref<10240x64xf32, #tpu.memory_space<vmem_shared>> -> memref<10240x64xf32, #tpu.memory_space<vmem_shared>>
      tpu.wait_indirect_dma semaphore(%arg21 : memref<!tpu.dma_semaphore, #tpu.memory_space<semaphore_mem>>) src(%dma_wait3A_361 : memref<128x64xf32, #tpu.memory_space<vmem>>) dst(%dma_wait3A_367 : memref<10240x64xf32, #tpu.memory_space<vmem_shared>>)
      %add3A_368 = arith.constant 1 : i32
      %add3A_369 = arith.addi %scan3A_108, %add3A_368 : i32
      %lt3A_370 = arith.constant 10 : i32
      %lt3A_371 = arith.cmpi slt, %add3A_369, %lt3A_370 : i32
      %convert_element_type3A_372 = arith.extui %lt3A_371 : i1 to i32
      %cond3A_373 = arith.constant 0 : i32
      %cond3A_374 = arith.cmpi ne, %convert_element_type3A_372, %cond3A_373 : i32
      scf.if %cond3A_374 {
        %add3A_475 = arith.constant 8 : i32
        %add3A_476 = arith.addi %mul3A_110, %add3A_475 : i32
        %add3A_477 = arith.constant 2 : i32
        %add3A_478 = arith.addi %add3A_476, %add3A_477 : i32
        %dma_start3A_479 = arith.constant 2 : i32
        %dma_start3A_480 = arith.constant 0 : i32
        %dma_start3A_481 = arith.constant 0 : i32
        %dma_start3A_482 = tpu.memref_slice %arg9[%dma_start3A_479, %dma_start3A_480, %dma_start3A_481] : memref<8x128x64xf32, #tpu.memory_space<vmem>> -> memref<1x128x64xf32, #tpu.memory_space<vmem>>
        %dma_start3A_483 = tpu.memref_squeeze %dma_start3A_482 : memref<1x128x64xf32, #tpu.memory_space<vmem>> -> memref<128x64xf32, #tpu.memory_space<vmem>>
        %dma_start3A_484 = arith.constant 0 : i32
        %dma_start3A_485 = tpu.memref_slice %arg7[%add3A_478, %dma_start3A_484] : memref<80x128xi32, #tpu.memory_space<vmem>> -> memref<1x128xi32, #tpu.memory_space<vmem>>
        %dma_start3A_486 = tpu.memref_squeeze %dma_start3A_485 : memref<1x128xi32, #tpu.memory_space<vmem>> -> memref<128xi32, #tpu.memory_space<vmem>>
        %dma_start3A_487 = arith.constant 0 : i32
        %dma_start3A_488 = arith.constant 0 : i32
        %dma_start3A_489 = tpu.memref_slice %arg2[%dma_start3A_487, %dma_start3A_488] : memref<10000x64xf32, #tpu.memory_space<hbm>> -> memref<10000x64xf32, #tpu.memory_space<hbm>>
        tpu.enqueue_indirect_dma source(%dma_start3A_489 : memref<10000x64xf32, #tpu.memory_space<hbm>>) target(%dma_start3A_483 : memref<128x64xf32, #tpu.memory_space<vmem>>) offsets(%dma_start3A_486 : memref<128xi32, #tpu.memory_space<vmem>>) semaphore(%arg13 : memref<!tpu.dma_semaphore, #tpu.memory_space<semaphore_mem>>)
      } else {
      }
      %add3A_375 = arith.constant 3 : i32
      %add3A_376 = arith.addi %mul3A_110, %add3A_375 : i32
      %dma_wait3A_377 = arith.constant 3 : i32
      %dma_wait3A_378 = arith.constant 0 : i32
      %dma_wait3A_379 = arith.constant 0 : i32
      %dma_wait3A_380 = tpu.memref_slice %arg9[%dma_wait3A_377, %dma_wait3A_378, %dma_wait3A_379] : memref<8x128x64xf32, #tpu.memory_space<vmem>> -> memref<1x128x64xf32, #tpu.memory_space<vmem>>
      %dma_wait3A_381 = tpu.memref_squeeze %dma_wait3A_380 : memref<1x128x64xf32, #tpu.memory_space<vmem>> -> memref<128x64xf32, #tpu.memory_space<vmem>>
      %dma_wait3A_382 = arith.constant 0 : i32
      %dma_wait3A_383 = tpu.memref_slice %arg8[%add3A_376, %dma_wait3A_382] : memref<80x128xi32, #tpu.memory_space<vmem>> -> memref<1x128xi32, #tpu.memory_space<vmem>>
      %dma_wait3A_384 = tpu.memref_squeeze %dma_wait3A_383 : memref<1x128xi32, #tpu.memory_space<vmem>> -> memref<128xi32, #tpu.memory_space<vmem>>
      %dma_wait3A_385 = arith.constant 0 : i32
      %dma_wait3A_386 = arith.constant 0 : i32
      %dma_wait3A_387 = tpu.memref_slice %arg10[%dma_wait3A_385, %dma_wait3A_386] : memref<10240x64xf32, #tpu.memory_space<vmem_shared>> -> memref<10240x64xf32, #tpu.memory_space<vmem_shared>>
      tpu.wait_indirect_dma semaphore(%arg22 : memref<!tpu.dma_semaphore, #tpu.memory_space<semaphore_mem>>) src(%dma_wait3A_381 : memref<128x64xf32, #tpu.memory_space<vmem>>) dst(%dma_wait3A_387 : memref<10240x64xf32, #tpu.memory_space<vmem_shared>>)
      %add3A_388 = arith.constant 1 : i32
      %add3A_389 = arith.addi %scan3A_108, %add3A_388 : i32
      %lt3A_390 = arith.constant 10 : i32
      %lt3A_391 = arith.cmpi slt, %add3A_389, %lt3A_390 : i32
      %convert_element_type3A_392 = arith.extui %lt3A_391 : i1 to i32
      %cond3A_393 = arith.constant 0 : i32
      %cond3A_394 = arith.cmpi ne, %convert_element_type3A_392, %cond3A_393 : i32
      scf.if %cond3A_394 {
        %add3A_475 = arith.constant 8 : i32
        %add3A_476 = arith.addi %mul3A_110, %add3A_475 : i32
        %add3A_477 = arith.constant 3 : i32
        %add3A_478 = arith.addi %add3A_476, %add3A_477 : i32
        %dma_start3A_479 = arith.constant 3 : i32
        %dma_start3A_480 = arith.constant 0 : i32
        %dma_start3A_481 = arith.constant 0 : i32
        %dma_start3A_482 = tpu.memref_slice %arg9[%dma_start3A_479, %dma_start3A_480, %dma_start3A_481] : memref<8x128x64xf32, #tpu.memory_space<vmem>> -> memref<1x128x64xf32, #tpu.memory_space<vmem>>
        %dma_start3A_483 = tpu.memref_squeeze %dma_start3A_482 : memref<1x128x64xf32, #tpu.memory_space<vmem>> -> memref<128x64xf32, #tpu.memory_space<vmem>>
        %dma_start3A_484 = arith.constant 0 : i32
        %dma_start3A_485 = tpu.memref_slice %arg7[%add3A_478, %dma_start3A_484] : memref<80x128xi32, #tpu.memory_space<vmem>> -> memref<1x128xi32, #tpu.memory_space<vmem>>
        %dma_start3A_486 = tpu.memref_squeeze %dma_start3A_485 : memref<1x128xi32, #tpu.memory_space<vmem>> -> memref<128xi32, #tpu.memory_space<vmem>>
        %dma_start3A_487 = arith.constant 0 : i32
        %dma_start3A_488 = arith.constant 0 : i32
        %dma_start3A_489 = tpu.memref_slice %arg2[%dma_start3A_487, %dma_start3A_488] : memref<10000x64xf32, #tpu.memory_space<hbm>> -> memref<10000x64xf32, #tpu.memory_space<hbm>>
        tpu.enqueue_indirect_dma source(%dma_start3A_489 : memref<10000x64xf32, #tpu.memory_space<hbm>>) target(%dma_start3A_483 : memref<128x64xf32, #tpu.memory_space<vmem>>) offsets(%dma_start3A_486 : memref<128xi32, #tpu.memory_space<vmem>>) semaphore(%arg14 : memref<!tpu.dma_semaphore, #tpu.memory_space<semaphore_mem>>)
      } else {
      }
      %add3A_395 = arith.constant 4 : i32
      %add3A_396 = arith.addi %mul3A_110, %add3A_395 : i32
      %dma_wait3A_397 = arith.constant 4 : i32
      %dma_wait3A_398 = arith.constant 0 : i32
      %dma_wait3A_399 = arith.constant 0 : i32
      %dma_wait3A_400 = tpu.memref_slice %arg9[%dma_wait3A_397, %dma_wait3A_398, %dma_wait3A_399] : memref<8x128x64xf32, #tpu.memory_space<vmem>> -> memref<1x128x64xf32, #tpu.memory_space<vmem>>
      %dma_wait3A_401 = tpu.memref_squeeze %dma_wait3A_400 : memref<1x128x64xf32, #tpu.memory_space<vmem>> -> memref<128x64xf32, #tpu.memory_space<vmem>>
      %dma_wait3A_402 = arith.constant 0 : i32
      %dma_wait3A_403 = tpu.memref_slice %arg8[%add3A_396, %dma_wait3A_402] : memref<80x128xi32, #tpu.memory_space<vmem>> -> memref<1x128xi32, #tpu.memory_space<vmem>>
      %dma_wait3A_404 = tpu.memref_squeeze %dma_wait3A_403 : memref<1x128xi32, #tpu.memory_space<vmem>> -> memref<128xi32, #tpu.memory_space<vmem>>
      %dma_wait3A_405 = arith.constant 0 : i32
      %dma_wait3A_406 = arith.constant 0 : i32
      %dma_wait3A_407 = tpu.memref_slice %arg10[%dma_wait3A_405, %dma_wait3A_406] : memref<10240x64xf32, #tpu.memory_space<vmem_shared>> -> memref<10240x64xf32, #tpu.memory_space<vmem_shared>>
      tpu.wait_indirect_dma semaphore(%arg23 : memref<!tpu.dma_semaphore, #tpu.memory_space<semaphore_mem>>) src(%dma_wait3A_401 : memref<128x64xf32, #tpu.memory_space<vmem>>) dst(%dma_wait3A_407 : memref<10240x64xf32, #tpu.memory_space<vmem_shared>>)
      %add3A_408 = arith.constant 1 : i32
      %add3A_409 = arith.addi %scan3A_108, %add3A_408 : i32
      %lt3A_410 = arith.constant 10 : i32
      %lt3A_411 = arith.cmpi slt, %add3A_409, %lt3A_410 : i32
      %convert_element_type3A_412 = arith.extui %lt3A_411 : i1 to i32
      %cond3A_413 = arith.constant 0 : i32
      %cond3A_414 = arith.cmpi ne, %convert_element_type3A_412, %cond3A_413 : i32
      scf.if %cond3A_414 {
        %add3A_475 = arith.constant 8 : i32
        %add3A_476 = arith.addi %mul3A_110, %add3A_475 : i32
        %add3A_477 = arith.constant 4 : i32
        %add3A_478 = arith.addi %add3A_476, %add3A_477 : i32
        %dma_start3A_479 = arith.constant 4 : i32
        %dma_start3A_480 = arith.constant 0 : i32
        %dma_start3A_481 = arith.constant 0 : i32
        %dma_start3A_482 = tpu.memref_slice %arg9[%dma_start3A_479, %dma_start3A_480, %dma_start3A_481] : memref<8x128x64xf32, #tpu.memory_space<vmem>> -> memref<1x128x64xf32, #tpu.memory_space<vmem>>
        %dma_start3A_483 = tpu.memref_squeeze %dma_start3A_482 : memref<1x128x64xf32, #tpu.memory_space<vmem>> -> memref<128x64xf32, #tpu.memory_space<vmem>>
        %dma_start3A_484 = arith.constant 0 : i32
        %dma_start3A_485 = tpu.memref_slice %arg7[%add3A_478, %dma_start3A_484] : memref<80x128xi32, #tpu.memory_space<vmem>> -> memref<1x128xi32, #tpu.memory_space<vmem>>
        %dma_start3A_486 = tpu.memref_squeeze %dma_start3A_485 : memref<1x128xi32, #tpu.memory_space<vmem>> -> memref<128xi32, #tpu.memory_space<vmem>>
        %dma_start3A_487 = arith.constant 0 : i32
        %dma_start3A_488 = arith.constant 0 : i32
        %dma_start3A_489 = tpu.memref_slice %arg2[%dma_start3A_487, %dma_start3A_488] : memref<10000x64xf32, #tpu.memory_space<hbm>> -> memref<10000x64xf32, #tpu.memory_space<hbm>>
        tpu.enqueue_indirect_dma source(%dma_start3A_489 : memref<10000x64xf32, #tpu.memory_space<hbm>>) target(%dma_start3A_483 : memref<128x64xf32, #tpu.memory_space<vmem>>) offsets(%dma_start3A_486 : memref<128xi32, #tpu.memory_space<vmem>>) semaphore(%arg15 : memref<!tpu.dma_semaphore, #tpu.memory_space<semaphore_mem>>)
      } else {
      }
      %add3A_415 = arith.constant 5 : i32
      %add3A_416 = arith.addi %mul3A_110, %add3A_415 : i32
      %dma_wait3A_417 = arith.constant 5 : i32
      %dma_wait3A_418 = arith.constant 0 : i32
      %dma_wait3A_419 = arith.constant 0 : i32
      %dma_wait3A_420 = tpu.memref_slice %arg9[%dma_wait3A_417, %dma_wait3A_418, %dma_wait3A_419] : memref<8x128x64xf32, #tpu.memory_space<vmem>> -> memref<1x128x64xf32, #tpu.memory_space<vmem>>
      %dma_wait3A_421 = tpu.memref_squeeze %dma_wait3A_420 : memref<1x128x64xf32, #tpu.memory_space<vmem>> -> memref<128x64xf32, #tpu.memory_space<vmem>>
      %dma_wait3A_422 = arith.constant 0 : i32
      %dma_wait3A_423 = tpu.memref_slice %arg8[%add3A_416, %dma_wait3A_422] : memref<80x128xi32, #tpu.memory_space<vmem>> -> memref<1x128xi32, #tpu.memory_space<vmem>>
      %dma_wait3A_424 = tpu.memref_squeeze %dma_wait3A_423 : memref<1x128xi32, #tpu.memory_space<vmem>> -> memref<128xi32, #tpu.memory_space<vmem>>
      %dma_wait3A_425 = arith.constant 0 : i32
      %dma_wait3A_426 = arith.constant 0 : i32
      %dma_wait3A_427 = tpu.memref_slice %arg10[%dma_wait3A_425, %dma_wait3A_426] : memref<10240x64xf32, #tpu.memory_space<vmem_shared>> -> memref<10240x64xf32, #tpu.memory_space<vmem_shared>>
      tpu.wait_indirect_dma semaphore(%arg24 : memref<!tpu.dma_semaphore, #tpu.memory_space<semaphore_mem>>) src(%dma_wait3A_421 : memref<128x64xf32, #tpu.memory_space<vmem>>) dst(%dma_wait3A_427 : memref<10240x64xf32, #tpu.memory_space<vmem_shared>>)
      %add3A_428 = arith.constant 1 : i32
      %add3A_429 = arith.addi %scan3A_108, %add3A_428 : i32
      %lt3A_430 = arith.constant 10 : i32
      %lt3A_431 = arith.cmpi slt, %add3A_429, %lt3A_430 : i32
      %convert_element_type3A_432 = arith.extui %lt3A_431 : i1 to i32
      %cond3A_433 = arith.constant 0 : i32
      %cond3A_434 = arith.cmpi ne, %convert_element_type3A_432, %cond3A_433 : i32
      scf.if %cond3A_434 {
        %add3A_475 = arith.constant 8 : i32
        %add3A_476 = arith.addi %mul3A_110, %add3A_475 : i32
        %add3A_477 = arith.constant 5 : i32
        %add3A_478 = arith.addi %add3A_476, %add3A_477 : i32
        %dma_start3A_479 = arith.constant 5 : i32
        %dma_start3A_480 = arith.constant 0 : i32
        %dma_start3A_481 = arith.constant 0 : i32
        %dma_start3A_482 = tpu.memref_slice %arg9[%dma_start3A_479, %dma_start3A_480, %dma_start3A_481] : memref<8x128x64xf32, #tpu.memory_space<vmem>> -> memref<1x128x64xf32, #tpu.memory_space<vmem>>
        %dma_start3A_483 = tpu.memref_squeeze %dma_start3A_482 : memref<1x128x64xf32, #tpu.memory_space<vmem>> -> memref<128x64xf32, #tpu.memory_space<vmem>>
        %dma_start3A_484 = arith.constant 0 : i32
        %dma_start3A_485 = tpu.memref_slice %arg7[%add3A_478, %dma_start3A_484] : memref<80x128xi32, #tpu.memory_space<vmem>> -> memref<1x128xi32, #tpu.memory_space<vmem>>
        %dma_start3A_486 = tpu.memref_squeeze %dma_start3A_485 : memref<1x128xi32, #tpu.memory_space<vmem>> -> memref<128xi32, #tpu.memory_space<vmem>>
        %dma_start3A_487 = arith.constant 0 : i32
        %dma_start3A_488 = arith.constant 0 : i32
        %dma_start3A_489 = tpu.memref_slice %arg2[%dma_start3A_487, %dma_start3A_488] : memref<10000x64xf32, #tpu.memory_space<hbm>> -> memref<10000x64xf32, #tpu.memory_space<hbm>>
        tpu.enqueue_indirect_dma source(%dma_start3A_489 : memref<10000x64xf32, #tpu.memory_space<hbm>>) target(%dma_start3A_483 : memref<128x64xf32, #tpu.memory_space<vmem>>) offsets(%dma_start3A_486 : memref<128xi32, #tpu.memory_space<vmem>>) semaphore(%arg16 : memref<!tpu.dma_semaphore, #tpu.memory_space<semaphore_mem>>)
      } else {
      }
      %add3A_435 = arith.constant 6 : i32
      %add3A_436 = arith.addi %mul3A_110, %add3A_435 : i32
      %dma_wait3A_437 = arith.constant 6 : i32
      %dma_wait3A_438 = arith.constant 0 : i32
      %dma_wait3A_439 = arith.constant 0 : i32
      %dma_wait3A_440 = tpu.memref_slice %arg9[%dma_wait3A_437, %dma_wait3A_438, %dma_wait3A_439] : memref<8x128x64xf32, #tpu.memory_space<vmem>> -> memref<1x128x64xf32, #tpu.memory_space<vmem>>
      %dma_wait3A_441 = tpu.memref_squeeze %dma_wait3A_440 : memref<1x128x64xf32, #tpu.memory_space<vmem>> -> memref<128x64xf32, #tpu.memory_space<vmem>>
      %dma_wait3A_442 = arith.constant 0 : i32
      %dma_wait3A_443 = tpu.memref_slice %arg8[%add3A_436, %dma_wait3A_442] : memref<80x128xi32, #tpu.memory_space<vmem>> -> memref<1x128xi32, #tpu.memory_space<vmem>>
      %dma_wait3A_444 = tpu.memref_squeeze %dma_wait3A_443 : memref<1x128xi32, #tpu.memory_space<vmem>> -> memref<128xi32, #tpu.memory_space<vmem>>
      %dma_wait3A_445 = arith.constant 0 : i32
      %dma_wait3A_446 = arith.constant 0 : i32
      %dma_wait3A_447 = tpu.memref_slice %arg10[%dma_wait3A_445, %dma_wait3A_446] : memref<10240x64xf32, #tpu.memory_space<vmem_shared>> -> memref<10240x64xf32, #tpu.memory_space<vmem_shared>>
      tpu.wait_indirect_dma semaphore(%arg25 : memref<!tpu.dma_semaphore, #tpu.memory_space<semaphore_mem>>) src(%dma_wait3A_441 : memref<128x64xf32, #tpu.memory_space<vmem>>) dst(%dma_wait3A_447 : memref<10240x64xf32, #tpu.memory_space<vmem_shared>>)
      %add3A_448 = arith.constant 1 : i32
      %add3A_449 = arith.addi %scan3A_108, %add3A_448 : i32
      %lt3A_450 = arith.constant 10 : i32
      %lt3A_451 = arith.cmpi slt, %add3A_449, %lt3A_450 : i32
      %convert_element_type3A_452 = arith.extui %lt3A_451 : i1 to i32
      %cond3A_453 = arith.constant 0 : i32
      %cond3A_454 = arith.cmpi ne, %convert_element_type3A_452, %cond3A_453 : i32
      scf.if %cond3A_454 {
        %add3A_475 = arith.constant 8 : i32
        %add3A_476 = arith.addi %mul3A_110, %add3A_475 : i32
        %add3A_477 = arith.constant 6 : i32
        %add3A_478 = arith.addi %add3A_476, %add3A_477 : i32
        %dma_start3A_479 = arith.constant 6 : i32
        %dma_start3A_480 = arith.constant 0 : i32
        %dma_start3A_481 = arith.constant 0 : i32
        %dma_start3A_482 = tpu.memref_slice %arg9[%dma_start3A_479, %dma_start3A_480, %dma_start3A_481] : memref<8x128x64xf32, #tpu.memory_space<vmem>> -> memref<1x128x64xf32, #tpu.memory_space<vmem>>
        %dma_start3A_483 = tpu.memref_squeeze %dma_start3A_482 : memref<1x128x64xf32, #tpu.memory_space<vmem>> -> memref<128x64xf32, #tpu.memory_space<vmem>>
        %dma_start3A_484 = arith.constant 0 : i32
        %dma_start3A_485 = tpu.memref_slice %arg7[%add3A_478, %dma_start3A_484] : memref<80x128xi32, #tpu.memory_space<vmem>> -> memref<1x128xi32, #tpu.memory_space<vmem>>
        %dma_start3A_486 = tpu.memref_squeeze %dma_start3A_485 : memref<1x128xi32, #tpu.memory_space<vmem>> -> memref<128xi32, #tpu.memory_space<vmem>>
        %dma_start3A_487 = arith.constant 0 : i32
        %dma_start3A_488 = arith.constant 0 : i32
        %dma_start3A_489 = tpu.memref_slice %arg2[%dma_start3A_487, %dma_start3A_488] : memref<10000x64xf32, #tpu.memory_space<hbm>> -> memref<10000x64xf32, #tpu.memory_space<hbm>>
        tpu.enqueue_indirect_dma source(%dma_start3A_489 : memref<10000x64xf32, #tpu.memory_space<hbm>>) target(%dma_start3A_483 : memref<128x64xf32, #tpu.memory_space<vmem>>) offsets(%dma_start3A_486 : memref<128xi32, #tpu.memory_space<vmem>>) semaphore(%arg17 : memref<!tpu.dma_semaphore, #tpu.memory_space<semaphore_mem>>)
      } else {
      }
      %add3A_455 = arith.constant 7 : i32
      %add3A_456 = arith.addi %mul3A_110, %add3A_455 : i32
      %dma_wait3A_457 = arith.constant 7 : i32
      %dma_wait3A_458 = arith.constant 0 : i32
      %dma_wait3A_459 = arith.constant 0 : i32
      %dma_wait3A_460 = tpu.memref_slice %arg9[%dma_wait3A_457, %dma_wait3A_458, %dma_wait3A_459] : memref<8x128x64xf32, #tpu.memory_space<vmem>> -> memref<1x128x64xf32, #tpu.memory_space<vmem>>
      %dma_wait3A_461 = tpu.memref_squeeze %dma_wait3A_460 : memref<1x128x64xf32, #tpu.memory_space<vmem>> -> memref<128x64xf32, #tpu.memory_space<vmem>>
      %dma_wait3A_462 = arith.constant 0 : i32
      %dma_wait3A_463 = tpu.memref_slice %arg8[%add3A_456, %dma_wait3A_462] : memref<80x128xi32, #tpu.memory_space<vmem>> -> memref<1x128xi32, #tpu.memory_space<vmem>>
      %dma_wait3A_464 = tpu.memref_squeeze %dma_wait3A_463 : memref<1x128xi32, #tpu.memory_space<vmem>> -> memref<128xi32, #tpu.memory_space<vmem>>
      %dma_wait3A_465 = arith.constant 0 : i32
      %dma_wait3A_466 = arith.constant 0 : i32
      %dma_wait3A_467 = tpu.memref_slice %arg10[%dma_wait3A_465, %dma_wait3A_466] : memref<10240x64xf32, #tpu.memory_space<vmem_shared>> -> memref<10240x64xf32, #tpu.memory_space<vmem_shared>>
      tpu.wait_indirect_dma semaphore(%arg26 : memref<!tpu.dma_semaphore, #tpu.memory_space<semaphore_mem>>) src(%dma_wait3A_461 : memref<128x64xf32, #tpu.memory_space<vmem>>) dst(%dma_wait3A_467 : memref<10240x64xf32, #tpu.memory_space<vmem_shared>>)
      %add3A_468 = arith.constant 1 : i32
      %add3A_469 = arith.addi %scan3A_108, %add3A_468 : i32
      %lt3A_470 = arith.constant 10 : i32
      %lt3A_471 = arith.cmpi slt, %add3A_469, %lt3A_470 : i32
      %convert_element_type3A_472 = arith.extui %lt3A_471 : i1 to i32
      %cond3A_473 = arith.constant 0 : i32
      %cond3A_474 = arith.cmpi ne, %convert_element_type3A_472, %cond3A_473 : i32
      scf.if %cond3A_474 {
        %add3A_475 = arith.constant 8 : i32
        %add3A_476 = arith.addi %mul3A_110, %add3A_475 : i32
        %add3A_477 = arith.constant 7 : i32
        %add3A_478 = arith.addi %add3A_476, %add3A_477 : i32
        %dma_start3A_479 = arith.constant 7 : i32
        %dma_start3A_480 = arith.constant 0 : i32
        %dma_start3A_481 = arith.constant 0 : i32
        %dma_start3A_482 = tpu.memref_slice %arg9[%dma_start3A_479, %dma_start3A_480, %dma_start3A_481] : memref<8x128x64xf32, #tpu.memory_space<vmem>> -> memref<1x128x64xf32, #tpu.memory_space<vmem>>
        %dma_start3A_483 = tpu.memref_squeeze %dma_start3A_482 : memref<1x128x64xf32, #tpu.memory_space<vmem>> -> memref<128x64xf32, #tpu.memory_space<vmem>>
        %dma_start3A_484 = arith.constant 0 : i32
        %dma_start3A_485 = tpu.memref_slice %arg7[%add3A_478, %dma_start3A_484] : memref<80x128xi32, #tpu.memory_space<vmem>> -> memref<1x128xi32, #tpu.memory_space<vmem>>
        %dma_start3A_486 = tpu.memref_squeeze %dma_start3A_485 : memref<1x128xi32, #tpu.memory_space<vmem>> -> memref<128xi32, #tpu.memory_space<vmem>>
        %dma_start3A_487 = arith.constant 0 : i32
        %dma_start3A_488 = arith.constant 0 : i32
        %dma_start3A_489 = tpu.memref_slice %arg2[%dma_start3A_487, %dma_start3A_488] : memref<10000x64xf32, #tpu.memory_space<hbm>> -> memref<10000x64xf32, #tpu.memory_space<hbm>>
        tpu.enqueue_indirect_dma source(%dma_start3A_489 : memref<10000x64xf32, #tpu.memory_space<hbm>>) target(%dma_start3A_483 : memref<128x64xf32, #tpu.memory_space<vmem>>) offsets(%dma_start3A_486 : memref<128xi32, #tpu.memory_space<vmem>>) semaphore(%arg18 : memref<!tpu.dma_semaphore, #tpu.memory_space<semaphore_mem>>)
      } else {
      }
    }
    %scan3A_102 = arith.constant 10 : i32
    %barrier3A_103 = arith.constant 0 : index
    tpu.barrier barrier_id(%barrier3A_103)
    %mul3A_104 = arith.constant 640 : i32
    %mul3A_105 = arith.muli %arg1, %mul3A_104 : i32
    %mul3A_106 = arith.constant 640 : i32
    %mul3A_107 = arith.muli %arg1, %mul3A_106 : i32
    "tpu.region"() ({
      %run_scoped3A = tpu.sem_alloc : memref<!tpu.dma_semaphore, #tpu.memory_space<semaphore_mem>>
      %dma_start3A_108 = arith.constant 0 : i32
      %dma_start3A_109 = tpu.memref_slice %arg6[%arg0, %mul3A_107, %dma_start3A_108] : memref<2x10240x64xf32, #tpu.memory_space<hbm>> -> memref<1x640x64xf32, #tpu.memory_space<hbm>>
      %dma_start3A_110 = tpu.memref_squeeze %dma_start3A_109 : memref<1x640x64xf32, #tpu.memory_space<hbm>> -> memref<640x64xf32, #tpu.memory_space<hbm>>
      %dma_start3A_111 = arith.constant 0 : i32
      %dma_start3A_112 = tpu.memref_slice %arg10[%mul3A_105, %dma_start3A_111] : memref<10240x64xf32, #tpu.memory_space<vmem_shared>> -> memref<640x64xf32, #tpu.memory_space<vmem_shared>>
      tpu.enqueue_dma source(%dma_start3A_112 : memref<640x64xf32, #tpu.memory_space<vmem_shared>>) target(%dma_start3A_110 : memref<640x64xf32, #tpu.memory_space<hbm>>) target_semaphore(%run_scoped3A : memref<!tpu.dma_semaphore, #tpu.memory_space<semaphore_mem>>)
      %dma_wait3A = arith.constant 0 : i32
      %dma_wait3A_113 = tpu.memref_slice %arg6[%arg0, %mul3A_107, %dma_wait3A] : memref<2x10240x64xf32, #tpu.memory_space<hbm>> -> memref<1x640x64xf32, #tpu.memory_space<hbm>>
      %dma_wait3A_114 = tpu.memref_squeeze %dma_wait3A_113 : memref<1x640x64xf32, #tpu.memory_space<hbm>> -> memref<640x64xf32, #tpu.memory_space<hbm>>
      %dma_wait3A_115 = arith.constant 0 : i32
      %dma_wait3A_116 = tpu.memref_slice %arg10[%mul3A_105, %dma_wait3A_115] : memref<10240x64xf32, #tpu.memory_space<vmem_shared>> -> memref<640x64xf32, #tpu.memory_space<vmem_shared>>
      tpu.wait_dma2 semaphore(%run_scoped3A : memref<!tpu.dma_semaphore, #tpu.memory_space<semaphore_mem>>) src(%dma_wait3A_116 : memref<640x64xf32, #tpu.memory_space<vmem_shared>>) dst(%dma_wait3A_114 : memref<640x64xf32, #tpu.memory_space<hbm>>)
      tpu.yield
    }) : () -> ()
    return
  }
}

module attributes {stable_mosaic.version = 14 : i64} {
  func.func @_a_body(%arg0: i32, %arg1: memref<2000x128xf32, #tpu.memory_space<vmem>>, %arg2: memref<128x64xf32, #tpu.memory_space<vmem>>, %arg3: memref<2000x64xf32, #tpu.memory_space<vmem>>) attributes {dimension_semantics = [#tpu.dimension_semantics<arbitrary>], iteration_bounds = array<i64: 5>, scalar_prefetch = 0 : i64, scratch_operands = 0 : i64, tpu.core_type = #tpu.core_type<tc>, window_params = [{transform_indices = @transform_0, window_bounds = array<i64: 2000, 128>}, {pipeline_mode = #tpu.pipeline_mode<synchronous>, transform_indices = @transform_1, window_bounds = array<i64: 128, 64>}, {transform_indices = @transform_2, window_bounds = array<i64: 2000, 64>}]} {
    %get3A = arith.constant 0 : index
    %get3A_0 = arith.constant 0 : index
    %get3A_1 = vector.load %arg1[%get3A, %get3A_0] : memref<2000x128xf32, #tpu.memory_space<vmem>>, vector<2000x128xf32>
    %get3A_2 = arith.constant 0 : index
    %get3A_3 = arith.constant 0 : index
    %get3A_4 = vector.load %arg2[%get3A_2, %get3A_3] : memref<128x64xf32, #tpu.memory_space<vmem>>, vector<128x64xf32>
    %dot_general3A = arith.constant dense<0.000000e+00> : vector<2000x64xf32>
    %dot_general3A_5 = tpu.matmul %get3A_1, %get3A_4, %dot_general3A {dimension_numbers = #tpu.dot_dimension_numbers<[1], [0], [0], [1], [0, 0, 1, 1], [], []>, transpose_lhs_hint = false} : vector<2000x128xf32>, vector<128x64xf32>, vector<2000x64xf32> -> vector<2000x64xf32>
    %swap3A = arith.constant 0 : index
    %swap3A_6 = arith.constant 0 : index
    %swap3A_7 = vector.load %arg3[%swap3A, %swap3A_6] : memref<2000x64xf32, #tpu.memory_space<vmem>>, vector<2000x64xf32>
    tpu.vector_store %arg3[%swap3A, %swap3A_6], %dot_general3A_5 {strides = array<i32>} : memref<2000x64xf32, #tpu.memory_space<vmem>>, vector<2000x64xf32>,
    return
  }
  func.func @transform_0(%arg0: i32) -> (i32, i32) {
    %c0_i32 = arith.constant 0 : i32
    %c0_i32_0 = arith.constant 0 : i32
    return %arg0, %c0_i32 : i32, i32
  }
  func.func @transform_1(%arg0: i32) -> (i32, i32) {
    %c0_i32 = arith.constant 0 : i32
    %c0_i32_0 = arith.constant 0 : i32
    %c0_i32_1 = arith.constant 0 : i32
    return %c0_i32, %c0_i32_0 : i32, i32
  }
  func.func @transform_2(%arg0: i32) -> (i32, i32) {
    %c0_i32 = arith.constant 0 : i32
    %c0_i32_0 = arith.constant 0 : i32
    return %arg0, %c0_i32 : i32, i32
  }
}

module attributes {stable_mosaic.version = 14 : i64} {
  func.func @_s_body(%arg0: i32, %arg1: memref<2000x64xf32, #tpu.memory_space<vmem>>, %arg2: memref<2000x64xf32, #tpu.memory_space<vmem>>, %arg3: memref<2000x64xf32, #tpu.memory_space<vmem>>) attributes {dimension_semantics = [#tpu.dimension_semantics<arbitrary>], iteration_bounds = array<i64: 5>, scalar_prefetch = 0 : i64, scratch_operands = 0 : i64, tpu.core_type = #tpu.core_type<tc>, window_params = [{transform_indices = @transform_0, window_bounds = array<i64: 2000, 64>}, {transform_indices = @transform_1, window_bounds = array<i64: 2000, 64>}, {transform_indices = @transform_2, window_bounds = array<i64: 2000, 64>}]} {
    %get3A = arith.constant 0 : index
    %get3A_0 = arith.constant 0 : index
    %get3A_1 = vector.load %arg1[%get3A, %get3A_0] : memref<2000x64xf32, #tpu.memory_space<vmem>>, vector<2000x64xf32>
    %get3A_2 = arith.constant 0 : index
    %get3A_3 = arith.constant 0 : index
    %get3A_4 = vector.load %arg2[%get3A_2, %get3A_3] : memref<2000x64xf32, #tpu.memory_space<vmem>>, vector<2000x64xf32>
    %mul3A = arith.mulf %get3A_1, %get3A_4 : vector<2000x64xf32>
    %swap3A = arith.constant 0 : index
    %swap3A_5 = arith.constant 0 : index
    %swap3A_6 = vector.load %arg3[%swap3A, %swap3A_5] : memref<2000x64xf32, #tpu.memory_space<vmem>>, vector<2000x64xf32>
    tpu.vector_store %arg3[%swap3A, %swap3A_5], %mul3A {strides = array<i32>} : memref<2000x64xf32, #tpu.memory_space<vmem>>, vector<2000x64xf32>,
    return
  }
  func.func @transform_0(%arg0: i32) -> (i32, i32) {
    %c0_i32 = arith.constant 0 : i32
    %c0_i32_0 = arith.constant 0 : i32
    return %arg0, %c0_i32 : i32, i32
  }
  func.func @transform_1(%arg0: i32) -> (i32, i32) {
    %c0_i32 = arith.constant 0 : i32
    %c0_i32_0 = arith.constant 0 : i32
    return %arg0, %c0_i32 : i32, i32
  }
  func.func @transform_2(%arg0: i32) -> (i32, i32) {
    %c0_i32 = arith.constant 0 : i32
    %c0_i32_0 = arith.constant 0 : i32
    return %arg0, %c0_i32 : i32, i32
  }
}

module attributes {stable_mosaic.version = 14 : i64} {
  func.func @_b_body(%arg0: i32, %arg1: memref<2x2000x64xf32, #tpu.memory_space<vmem>>, %arg2: memref<2000x64xf32, #tpu.memory_space<vmem>>, %arg3: memref<2000x64xf32, #tpu.memory_space<vmem>>, %arg4: memref<1x64xf32, #tpu.memory_space<vmem>>, %arg5: memref<64x64xf32, #tpu.memory_space<vmem>>, %arg6: memref<2000x64xf32, #tpu.memory_space<vmem>>) attributes {dimension_semantics = [#tpu.dimension_semantics<arbitrary>], iteration_bounds = array<i64: 5>, scalar_prefetch = 0 : i64, scratch_operands = 0 : i64, tpu.core_type = #tpu.core_type<tc>, window_params = [{transform_indices = @transform_0, window_bounds = array<i64: 2, 2000, 64>}, {transform_indices = @transform_1, window_bounds = array<i64: 2000, 64>}, {transform_indices = @transform_2, window_bounds = array<i64: 2000, 64>}, {pipeline_mode = #tpu.pipeline_mode<synchronous>, transform_indices = @transform_3, window_bounds = array<i64: 1, 64>}, {pipeline_mode = #tpu.pipeline_mode<synchronous>, transform_indices = @transform_4, window_bounds = array<i64: 64, 64>}, {transform_indices = @transform_5, window_bounds = array<i64: 2000, 64>}]} {
    %get3A = arith.constant 0 : index
    %get3A_0 = arith.constant 0 : index
    %get3A_1 = vector.load %arg3[%get3A, %get3A_0] : memref<2000x64xf32, #tpu.memory_space<vmem>>, vector<2000x64xf32>
    %get3A_2 = arith.constant 0 : index
    %get3A_3 = arith.constant 0 : index
    %get3A_4 = arith.constant 0 : index
    %get3A_5 = vector.load %arg1[%get3A_2, %get3A_3, %get3A_4] : memref<2x2000x64xf32, #tpu.memory_space<vmem>>, vector<1x2000x64xf32>
    %get3A_6 = vector.shape_cast %get3A_5 : vector<1x2000x64xf32> to vector<2000x64xf32>
    %get3A_7 = arith.constant 1 : index
    %get3A_8 = arith.constant 0 : index
    %get3A_9 = arith.constant 0 : index
    %get3A_10 = vector.load %arg1[%get3A_7, %get3A_8, %get3A_9] : memref<2x2000x64xf32, #tpu.memory_space<vmem>>, vector<1x2000x64xf32>
    %get3A_11 = vector.shape_cast %get3A_10 : vector<1x2000x64xf32> to vector<2000x64xf32>
    %add3A = arith.addf %get3A_6, %get3A_11 : vector<2000x64xf32>
    %get3A_12 = arith.constant 0 : index
    %get3A_13 = arith.constant 0 : index
    %get3A_14 = vector.load %arg2[%get3A_12, %get3A_13] : memref<2000x64xf32, #tpu.memory_space<vmem>>, vector<2000x64xf32>
    %add3A_15 = arith.addf %add3A, %get3A_14 : vector<2000x64xf32>
    %mul3A = arith.mulf %get3A_1, %add3A_15 : vector<2000x64xf32>
    %get3A_16 = arith.constant 0 : index
    %get3A_17 = arith.constant 0 : index
    %get3A_18 = vector.load %arg4[%get3A_16, %get3A_17] : memref<1x64xf32, #tpu.memory_space<vmem>>, vector<1x64xf32>
    %add3A_19 = vector.broadcast %get3A_18 : vector<1x64xf32> to vector<2000x64xf32>
    %add3A_20 = arith.addf %mul3A, %add3A_19 : vector<2000x64xf32>
    %max3A = arith.constant 0.000000e+00 : f32
    %max3A_21 = vector.broadcast %max3A : f32 to vector<2000x64xf32>
    %max3A_22 = arith.maximumf %add3A_20, %max3A_21 : vector<2000x64xf32>
    %get3A_23 = arith.constant 0 : index
    %get3A_24 = arith.constant 0 : index
    %get3A_25 = vector.load %arg5[%get3A_23, %get3A_24] : memref<64x64xf32, #tpu.memory_space<vmem>>, vector<64x64xf32>
    %dot_general3A = arith.constant dense<0.000000e+00> : vector<2000x64xf32>
    %dot_general3A_26 = tpu.matmul %max3A_22, %get3A_25, %dot_general3A {dimension_numbers = #tpu.dot_dimension_numbers<[1], [0], [0], [1], [0, 0, 1, 1], [], []>, transpose_lhs_hint = false} : vector<2000x64xf32>, vector<64x64xf32>, vector<2000x64xf32> -> vector<2000x64xf32>
    %mul3A_27 = arith.mulf %dot_general3A_26, %get3A_1 : vector<2000x64xf32>
    %swap3A = arith.constant 0 : index
    %swap3A_28 = arith.constant 0 : index
    %swap3A_29 = vector.load %arg6[%swap3A, %swap3A_28] : memref<2000x64xf32, #tpu.memory_space<vmem>>, vector<2000x64xf32>
    tpu.vector_store %arg6[%swap3A, %swap3A_28], %mul3A_27 {strides = array<i32>} : memref<2000x64xf32, #tpu.memory_space<vmem>>, vector<2000x64xf32>,
    return
  }
  func.func @transform_0(%arg0: i32) -> (i32, i32, i32) {
    %c0_i32 = arith.constant 0 : i32
    %c0_i32_0 = arith.constant 0 : i32
    %c0_i32_1 = arith.constant 0 : i32
    return %c0_i32, %arg0, %c0_i32_0 : i32, i32, i32
  }
  func.func @transform_1(%arg0: i32) -> (i32, i32) {
    %c0_i32 = arith.constant 0 : i32
    %c0_i32_0 = arith.constant 0 : i32
    return %arg0, %c0_i32 : i32, i32
  }
  func.func @transform_2(%arg0: i32) -> (i32, i32) {
    %c0_i32 = arith.constant 0 : i32
    %c0_i32_0 = arith.constant 0 : i32
    return %arg0, %c0_i32 : i32, i32
  }
  func.func @transform_3(%arg0: i32) -> (i32, i32) {
    %c0_i32 = arith.constant 0 : i32
    %c0_i32_0 = arith.constant 0 : i32
    %c0_i32_1 = arith.constant 0 : i32
    return %c0_i32, %c0_i32_0 : i32, i32
  }
  func.func @transform_4(%arg0: i32) -> (i32, i32) {
    %c0_i32 = arith.constant 0 : i32
    %c0_i32_0 = arith.constant 0 : i32
    %c0_i32_1 = arith.constant 0 : i32
    return %c0_i32, %c0_i32_0 : i32, i32
  }
  func.func @transform_5(%arg0: i32) -> (i32, i32) {
    %c0_i32 = arith.constant 0 : i32
    %c0_i32_0 = arith.constant 0 : i32
    return %arg0, %c0_i32 : i32, i32
  }
}

module attributes {stable_mosaic.version = 14 : i64} {
  func.func @_c_body(%arg0: i32, %arg1: memref<2x2000x64xf32, #tpu.memory_space<vmem>>, %arg2: memref<2000x64xf32, #tpu.memory_space<vmem>>, %arg3: memref<2000x64xf32, #tpu.memory_space<vmem>>, %arg4: memref<1x64xf32, #tpu.memory_space<vmem>>, %arg5: memref<1x1x2000xi32, #tpu.memory_space<vmem>>, %arg6: memref<64x32xf32, #tpu.memory_space<vmem>>, %arg7: memref<1x32xf32, #tpu.memory_space<vmem>>, %arg8: memref<32x1xf32, #tpu.memory_space<vmem>>, %arg9: memref<1x1xf32, #tpu.memory_space<vmem>>, %arg10: memref<128x1xf32, #tpu.memory_space<vmem>>, %arg11: memref<128x64xf32, #tpu.memory_space<vmem>>, %arg12: memref<128x1xf32, #tpu.memory_space<vmem>>) attributes {dimension_semantics = [#tpu.dimension_semantics<arbitrary>], iteration_bounds = array<i64: 5>, scalar_prefetch = 0 : i64, scratch_operands = 2 : i64, tpu.core_type = #tpu.core_type<tc>, window_params = [{transform_indices = @transform_0, window_bounds = array<i64: 2, 2000, 64>}, {transform_indices = @transform_1, window_bounds = array<i64: 2000, 64>}, {transform_indices = @transform_2, window_bounds = array<i64: 2000, 64>}, {pipeline_mode = #tpu.pipeline_mode<synchronous>, transform_indices = @transform_3, window_bounds = array<i64: 1, 64>}, {transform_indices = @transform_4, window_bounds = array<i64: 1, 1, 2000>}, {pipeline_mode = #tpu.pipeline_mode<synchronous>, transform_indices = @transform_5, window_bounds = array<i64: 64, 32>}, {pipeline_mode = #tpu.pipeline_mode<synchronous>, transform_indices = @transform_6, window_bounds = array<i64: 1, 32>}, {pipeline_mode = #tpu.pipeline_mode<synchronous>, transform_indices = @transform_7, window_bounds = array<i64: 32, 1>}, {pipeline_mode = #tpu.pipeline_mode<synchronous>, transform_indices = @transform_8, window_bounds = array<i64: 1, 1>}, {pipeline_mode = #tpu.pipeline_mode<synchronous>, transform_indices = @transform_9, window_bounds = array<i64: 128, 1>}]} {
    %eq3A = arith.constant 0 : i32
    %eq3A_0 = arith.cmpi eq, %arg0, %eq3A : i32
    %convert_element_type3A = arith.extui %eq3A_0 : i1 to i32
    %cond3A = arith.constant 0 : i32
    %cond3A_1 = arith.cmpi ne, %convert_element_type3A, %cond3A : i32
    scf.if %cond3A_1 {
      %broadcast_in_dim3A_54 = arith.constant 0.000000e+00 : f32
      %broadcast_in_dim3A_55 = vector.broadcast %broadcast_in_dim3A_54 : f32 to vector<128x64xf32>
      %swap3A_56 = arith.constant 0 : index
      %swap3A_57 = arith.constant 0 : index
      %swap3A_58 = vector.load %arg11[%swap3A_56, %swap3A_57] : memref<128x64xf32, #tpu.memory_space<vmem>>, vector<128x64xf32>
      tpu.vector_store %arg11[%swap3A_56, %swap3A_57], %broadcast_in_dim3A_55 {strides = array<i32>} : memref<128x64xf32, #tpu.memory_space<vmem>>, vector<128x64xf32>,
      %broadcast_in_dim3A_59 = arith.constant 0.000000e+00 : f32
      %broadcast_in_dim3A_60 = vector.broadcast %broadcast_in_dim3A_59 : f32 to vector<128x1xf32>
      %swap3A_61 = arith.constant 0 : index
      %swap3A_62 = arith.constant 0 : index
      %swap3A_63 = vector.load %arg12[%swap3A_61, %swap3A_62] : memref<128x1xf32, #tpu.memory_space<vmem>>, vector<128x1xf32>
      tpu.vector_store %arg12[%swap3A_61, %swap3A_62], %broadcast_in_dim3A_60 {strides = array<i32>} : memref<128x1xf32, #tpu.memory_space<vmem>>, vector<128x1xf32>,
    } else {
    }
    %get3A = arith.constant 0 : index
    %get3A_2 = arith.constant 0 : index
    %get3A_3 = vector.load %arg3[%get3A, %get3A_2] : memref<2000x64xf32, #tpu.memory_space<vmem>>, vector<2000x64xf32>
    %get3A_4 = arith.constant 0 : index
    %get3A_5 = arith.constant 0 : index
    %get3A_6 = arith.constant 0 : index
    %get3A_7 = vector.load %arg1[%get3A_4, %get3A_5, %get3A_6] : memref<2x2000x64xf32, #tpu.memory_space<vmem>>, vector<1x2000x64xf32>
    %get3A_8 = vector.shape_cast %get3A_7 : vector<1x2000x64xf32> to vector<2000x64xf32>
    %get3A_9 = arith.constant 1 : index
    %get3A_10 = arith.constant 0 : index
    %get3A_11 = arith.constant 0 : index
    %get3A_12 = vector.load %arg1[%get3A_9, %get3A_10, %get3A_11] : memref<2x2000x64xf32, #tpu.memory_space<vmem>>, vector<1x2000x64xf32>
    %get3A_13 = vector.shape_cast %get3A_12 : vector<1x2000x64xf32> to vector<2000x64xf32>
    %add3A = arith.addf %get3A_8, %get3A_13 : vector<2000x64xf32>
    %get3A_14 = arith.constant 0 : index
    %get3A_15 = arith.constant 0 : index
    %get3A_16 = vector.load %arg2[%get3A_14, %get3A_15] : memref<2000x64xf32, #tpu.memory_space<vmem>>, vector<2000x64xf32>
    %add3A_17 = arith.addf %add3A, %get3A_16 : vector<2000x64xf32>
    %mul3A = arith.mulf %get3A_3, %add3A_17 : vector<2000x64xf32>
    %get3A_18 = arith.constant 0 : index
    %get3A_19 = arith.constant 0 : index
    %get3A_20 = vector.load %arg4[%get3A_18, %get3A_19] : memref<1x64xf32, #tpu.memory_space<vmem>>, vector<1x64xf32>
    %add3A_21 = vector.broadcast %get3A_20 : vector<1x64xf32> to vector<2000x64xf32>
    %add3A_22 = arith.addf %mul3A, %add3A_21 : vector<2000x64xf32>
    %max3A = arith.constant 0.000000e+00 : f32
    %max3A_23 = vector.broadcast %max3A : f32 to vector<2000x64xf32>
    %max3A_24 = arith.maximumf %add3A_22, %max3A_23 : vector<2000x64xf32>
    %iota3A = tpu.iota {dimensions = array<i32: 0>} : vector<128x2000xi32>
    %get3A_25 = arith.constant 0 : index
    %get3A_26 = arith.constant 0 : index
    %get3A_27 = arith.constant 0 : index
    %get3A_28 = vector.load %arg5[%get3A_25, %get3A_26, %get3A_27] : memref<1x1x2000xi32, #tpu.memory_space<vmem>>, vector<1x1x2000xi32>
    %get3A_29 = vector.shape_cast %get3A_28 : vector<1x1x2000xi32> to vector<1x2000xi32>
    %eq3A_30 = vector.broadcast %get3A_29 : vector<1x2000xi32> to vector<128x2000xi32>
    %eq3A_31 = arith.cmpi eq, %iota3A, %eq3A_30 : vector<128x2000xi32>
    %convert_element_type3A_32 = arith.extui %eq3A_31 : vector<128x2000xi1> to vector<128x2000xi32>
    %convert_element_type3A_33 = arith.sitofp %convert_element_type3A_32 : vector<128x2000xi32> to vector<128x2000xf32>
    %get3A_34 = arith.constant 0 : index
    %get3A_35 = arith.constant 0 : index
    %get3A_36 = vector.load %arg11[%get3A_34, %get3A_35] : memref<128x64xf32, #tpu.memory_space<vmem>>, vector<128x64xf32>
    %dot_general3A = arith.constant dense<0.000000e+00> : vector<128x64xf32>
    %dot_general3A_37 = tpu.matmul %convert_element_type3A_33, %max3A_24, %dot_general3A {dimension_numbers = #tpu.dot_dimension_numbers<[1], [0], [0], [1], [0, 0, 1, 1], [], []>, precision = #tpu.contract_precision<fp32>, transpose_lhs_hint = false} : vector<128x2000xf32>, vector<2000x64xf32>, vector<128x64xf32> -> vector<128x64xf32>
    %add3A_38 = arith.addf %get3A_36, %dot_general3A_37 : vector<128x64xf32>
    %swap3A = arith.constant 0 : index
    %swap3A_39 = arith.constant 0 : index
    %swap3A_40 = vector.load %arg11[%swap3A, %swap3A_39] : memref<128x64xf32, #tpu.memory_space<vmem>>, vector<128x64xf32>
    tpu.vector_store %arg11[%swap3A, %swap3A_39], %add3A_38 {strides = array<i32>} : memref<128x64xf32, #tpu.memory_space<vmem>>, vector<128x64xf32>,
    %get3A_41 = arith.constant 0 : index
    %get3A_42 = arith.constant 0 : index
    %get3A_43 = vector.load %arg12[%get3A_41, %get3A_42] : memref<128x1xf32, #tpu.memory_space<vmem>>, vector<128x1xf32>
    %reduce_sum3A = arith.constant dense<0.000000e+00> : vector<128xf32>
    %reduce_sum3A_44 = vector.multi_reduction <add>, %convert_element_type3A_33, %reduce_sum3A [1] : vector<128x2000xf32> to vector<128xf32>
    %broadcast_in_dim3A = vector.shape_cast %reduce_sum3A_44 : vector<128xf32> to vector<128x1xf32>
    %add3A_45 = arith.addf %get3A_43, %broadcast_in_dim3A : vector<128x1xf32>
    %swap3A_46 = arith.constant 0 : index
    %swap3A_47 = arith.constant 0 : index
    %swap3A_48 = vector.load %arg12[%swap3A_46, %swap3A_47] : memref<128x1xf32, #tpu.memory_space<vmem>>, vector<128x1xf32>
    tpu.vector_store %arg12[%swap3A_46, %swap3A_47], %add3A_45 {strides = array<i32>} : memref<128x1xf32, #tpu.memory_space<vmem>>, vector<128x1xf32>,
    %eq3A_49 = arith.constant 4 : i32
    %eq3A_50 = arith.cmpi eq, %arg0, %eq3A_49 : i32
    %convert_element_type3A_51 = arith.extui %eq3A_50 : i1 to i32
    %cond3A_52 = arith.constant 0 : i32
    %cond3A_53 = arith.cmpi ne, %convert_element_type3A_51, %cond3A_52 : i32
    scf.if %cond3A_53 {
      %get3A_54 = arith.constant 0 : index
      %get3A_55 = arith.constant 0 : index
      %get3A_56 = vector.load %arg11[%get3A_54, %get3A_55] : memref<128x64xf32, #tpu.memory_space<vmem>>, vector<128x64xf32>
      %get3A_57 = arith.constant 0 : index
      %get3A_58 = arith.constant 0 : index
      %get3A_59 = vector.load %arg12[%get3A_57, %get3A_58] : memref<128x1xf32, #tpu.memory_space<vmem>>, vector<128x1xf32>
      %max3A_60 = arith.constant 1.000000e+00 : f32
      %max3A_61 = vector.broadcast %max3A_60 : f32 to vector<128x1xf32>
      %max3A_62 = arith.maximumf %get3A_59, %max3A_61 : vector<128x1xf32>
      %div3A = vector.broadcast %max3A_62 : vector<128x1xf32> to vector<128x64xf32>
      %div3A_63 = arith.divf %get3A_56, %div3A : vector<128x64xf32>
      %get3A_64 = arith.constant 0 : index
      %get3A_65 = arith.constant 0 : index
      %get3A_66 = vector.load %arg6[%get3A_64, %get3A_65] : memref<64x32xf32, #tpu.memory_space<vmem>>, vector<64x32xf32>
      %dot_general3A_67 = arith.constant dense<0.000000e+00> : vector<128x32xf32>
      %dot_general3A_68 = tpu.matmul %div3A_63, %get3A_66, %dot_general3A_67 {dimension_numbers = #tpu.dot_dimension_numbers<[1], [0], [0], [1], [0, 0, 1, 1], [], []>, transpose_lhs_hint = false} : vector<128x64xf32>, vector<64x32xf32>, vector<128x32xf32> -> vector<128x32xf32>
      %get3A_69 = arith.constant 0 : index
      %get3A_70 = arith.constant 0 : index
      %get3A_71 = vector.load %arg7[%get3A_69, %get3A_70] : memref<1x32xf32, #tpu.memory_space<vmem>>, vector<1x32xf32>
      %add3A_72 = vector.broadcast %get3A_71 : vector<1x32xf32> to vector<128x32xf32>
      %add3A_73 = arith.addf %dot_general3A_68, %add3A_72 : vector<128x32xf32>
      %max3A_74 = arith.constant 0.000000e+00 : f32
      %max3A_75 = vector.broadcast %max3A_74 : f32 to vector<128x32xf32>
      %max3A_76 = arith.maximumf %add3A_73, %max3A_75 : vector<128x32xf32>
      %get3A_77 = arith.constant 0 : index
      %get3A_78 = arith.constant 0 : index
      %get3A_79 = vector.load %arg8[%get3A_77, %get3A_78] : memref<32x1xf32, #tpu.memory_space<vmem>>, vector<32x1xf32>
      %dot_general3A_80 = arith.constant dense<0.000000e+00> : vector<128x1xf32>
      %dot_general3A_81 = tpu.matmul %max3A_76, %get3A_79, %dot_general3A_80 {dimension_numbers = #tpu.dot_dimension_numbers<[1], [0], [0], [1], [0, 0, 1, 1], [], []>, transpose_lhs_hint = false} : vector<128x32xf32>, vector<32x1xf32>, vector<128x1xf32> -> vector<128x1xf32>
      %get3A_82 = arith.constant 0 : index
      %get3A_83 = arith.constant 0 : index
      %get3A_84 = vector.load %arg9[%get3A_82, %get3A_83] : memref<1x1xf32, #tpu.memory_space<vmem>>, vector<1x1xf32>
      %add3A_85 = vector.broadcast %get3A_84 : vector<1x1xf32> to vector<128x1xf32>
      %add3A_86 = arith.addf %dot_general3A_81, %add3A_85 : vector<128x1xf32>
      %swap3A_87 = arith.constant 0 : index
      %swap3A_88 = arith.constant 0 : index
      %swap3A_89 = vector.load %arg10[%swap3A_87, %swap3A_88] : memref<128x1xf32, #tpu.memory_space<vmem>>, vector<128x1xf32>
      tpu.vector_store %arg10[%swap3A_87, %swap3A_88], %add3A_86 {strides = array<i32>} : memref<128x1xf32, #tpu.memory_space<vmem>>, vector<128x1xf32>,
    } else {
    }
    return
  }
  func.func @transform_0(%arg0: i32) -> (i32, i32, i32) {
    %c0_i32 = arith.constant 0 : i32
    %c0_i32_0 = arith.constant 0 : i32
    %c0_i32_1 = arith.constant 0 : i32
    return %c0_i32, %arg0, %c0_i32_0 : i32, i32, i32
  }
  func.func @transform_1(%arg0: i32) -> (i32, i32) {
    %c0_i32 = arith.constant 0 : i32
    %c0_i32_0 = arith.constant 0 : i32
    return %arg0, %c0_i32 : i32, i32
  }
  func.func @transform_2(%arg0: i32) -> (i32, i32) {
    %c0_i32 = arith.constant 0 : i32
    %c0_i32_0 = arith.constant 0 : i32
    return %arg0, %c0_i32 : i32, i32
  }
  func.func @transform_3(%arg0: i32) -> (i32, i32) {
    %c0_i32 = arith.constant 0 : i32
    %c0_i32_0 = arith.constant 0 : i32
    %c0_i32_1 = arith.constant 0 : i32
    return %c0_i32, %c0_i32_0 : i32, i32
  }
  func.func @transform_4(%arg0: i32) -> (i32, i32, i32) {
    %c0_i32 = arith.constant 0 : i32
    %c0_i32_0 = arith.constant 0 : i32
    %c0_i32_1 = arith.constant 0 : i32
    return %arg0, %c0_i32, %c0_i32_0 : i32, i32, i32
  }
  func.func @transform_5(%arg0: i32) -> (i32, i32) {
    %c0_i32 = arith.constant 0 : i32
    %c0_i32_0 = arith.constant 0 : i32
    %c0_i32_1 = arith.constant 0 : i32
    return %c0_i32, %c0_i32_0 : i32, i32
  }
  func.func @transform_6(%arg0: i32) -> (i32, i32) {
    %c0_i32 = arith.constant 0 : i32
    %c0_i32_0 = arith.constant 0 : i32
    %c0_i32_1 = arith.constant 0 : i32
    return %c0_i32, %c0_i32_0 : i32, i32
  }
  func.func @transform_7(%arg0: i32) -> (i32, i32) {
    %c0_i32 = arith.constant 0 : i32
    %c0_i32_0 = arith.constant 0 : i32
    %c0_i32_1 = arith.constant 0 : i32
    return %c0_i32, %c0_i32_0 : i32, i32
  }
  func.func @transform_8(%arg0: i32) -> (i32, i32) {
    %c0_i32 = arith.constant 0 : i32
    %c0_i32_0 = arith.constant 0 : i32
    %c0_i32_1 = arith.constant 0 : i32
    return %c0_i32, %c0_i32_0 : i32, i32
  }
  func.func @transform_9(%arg0: i32) -> (i32, i32) {
    %c0_i32 = arith.constant 0 : i32
    %c0_i32_0 = arith.constant 0 : i32
    %c0_i32_1 = arith.constant 0 : i32
    return %c0_i32, %c0_i32_0 : i32, i32
  }
}

</mosaic_0001>

<sc_bundles>
// kernel: kernel.12.cloned.1.call-start
scs
__scs_entry_jumppad:
0x0: {  	(pc) =	sbr.rel $0x88, $3  }
0x1: {  	(tag) =	ssettag $0x0;
	lr =	simm.s32 $0x1  }
0x2: {  	[smem:$0x3F96] =	sst lr;
	_ =	strace $0xD0000000  }
0x3: {  	_ = 	snop  }
0x4: {  	_ = 	snop  }
0x5: {  	_ = 	snop  }
0x6: {  	_ = 	snop  }
0x7: {  	_ = 	snop  }
__scs_overlays_trampoline_lowered:
0x8: {  	[smem:$0x3FA5] =	sst s0  }
0x9: {  	[smem:$0x3FA6] =	sst s1  }
0xa: {  	[smem:$0x3FA7] =	sst s2  }
0xb: {  	[smem:$0x3FA8] =	sst s3  }
0xc: {  	[smem:$0x3FA9] =	sst s4  }
0xd: {  	[smem:$0x3FAA] =	sst s5  }
0xe: {  	[smem:$0x3FAB] =	sst s6  }
0xf: {  	[smem:$0x3FAC] =	sst s7  }
0x10: {  	[smem:$0x3FAD] =	sst s8  }
0x11: {  	[smem:$0x3FAE] =	sst s9;
	s0 =	simm.s32 @!p0 $0x0  }
0x12: {  	s1 =	sld [smem:$0x3F94];
	s0 =	simm.s32 @p0 $0x1  }
0x13: {  	[smem:$0x3FAF] =	sst s0;
	s0 =	simm.s32 @!p1 $0x0  }
0x14: {  	s2 =	sld [smem:$0x3F93];
	s0 =	simm.s32 @p1 $0x1  }
0x15: {  	[smem:$0x3FB0] =	sst s0;
	s0 =	simm.s32 @!p2 $0x0  }
0x16: {  	s3 =	sld [smem:$0x3FDB];
	s0 =	simm.s32 @p2 $0x1  }
0x17: {  	s4 =	simm.s32 $0x1BF5;
	[smem:$0x3FB2] =	sst s0  }
0x18: {  	s0 =	sld [smem:$0x3F95];
	_ =	swait.ge [sflag:s4], $0x0  }
0x19: {  	s7 =	sld [smem:$0x3F96]  }
0x1a: {  	s8 =	sadd.s32 $0xFFFFE003, lr  }
0x1b: {  	s9 =	sadd.s32 $0xFFFFFEF7, lr;
	s5 =	simm.s32 $0xFFFFFFFF;
	p2 =	slt.u32 s8, $0xFFFFF086  }
0x1c: {  	p1 =	slt.u32 s9, $0xF7A;
	s5 =	simm.s32 @!p2 $0x0  }
0x1d: {  	s5 =	simm.s32 @p1 $0x1;
	p0 =	seq.s32 s7, s2  }
0x1e: {  	s7 =	smul.u32 @!p0 $0xF7A, s2;
	p2 =	seq.s32 @!p0 s5, $0x0  }
0x1f: {  	s9 =	smul.u32 $0xF7A, s1;
	s8 =	simm.s32 @!p0 $0x1BF5;
	p2 =	por !p2, p0  }
0x20: {  	[sflag:s8] =	ssyncset.s32 @!p0 $0xFFFFF086;
	s6 =	sadd.s32 @!p0 s3, s7;
	s7 =	simm.s32 @!p0 $0x108  }
0x21: {  	s3 =	sadd.s32 s3, s9;
	s6 =	sadd.s32 @!p0 $0x88, s6;
	s7 =	simm.s32 @p2 $0x1082  }
0x22: {  	[simem:s7], [sflag:s8] =	dma.local @!p0 [hbm:s6], $0xF7A  }
0x23: {  	s9 =	sor.u32 $0xD0000000, s2;
	s6 =	simm.s32 $0x108;
	_ =	swait.ge @!p0 [sflag:s8], $0x0  }
0x24: {  	s3 =	sadd.s32 $0x88, s3;
	s6 =	simm.s32 @!p1 $0x1082;
	[sflag:s4] =	ssyncset.s32 $0xFFFFF086  }
0x25: {  	[simem:s6], [sflag:s4] =	dma.local [hbm:s3], $0xF7A  }
0x26: {  	[smem:$0x3F96] =	sst s1;
	(tag) =	ssettag s2;
	_ =	strace s9  }
0x27: {  	s1 =	sld [smem:$0x3FA6]  }
0x28: {  	s2 =	sld [smem:$0x3FA7]  }
0x29: {  	s4 =	sld [smem:$0x3FA9]  }
0x2a: {  	p0 =	seq.s32 s5, $0x0;
	s5 =	sld [smem:$0x3FAA]  }
0x2b: {  	s6 =	sld [smem:$0x3FAB]  }
0x2c: {  	s7 =	sld [smem:$0x3FAC]  }
0x2d: {  	s3 =	simm.s32 $0x108;
	s8 =	sld [smem:$0x3FAD]  }
0x2e: {  	s3 =	simm.s32 @!p0 $0x1082;
	s9 =	sld [smem:$0x3FAE]  }
0x2f: {  	lr =	sadd.s32 s0, s3;
	s0 =	sld [smem:$0x3FA5]  }
0x30: {  	s3 =	sld [smem:$0x3FA8]  }
0x31: {  	[smem:$0x3FB1] =	sst s10  }
0x32: {  	s10 =	sld [smem:$0x3FAF];
	_ =	sdelay $0x3  }
0x33: {  	p0 =	seq.s32 s10, $0x1;
	s10 =	sld [smem:$0x3FB1];
	_ =	sdelay $0x3  }
0x34: {  	[smem:$0x3FB1] =	sst s10  }
0x35: {  	s10 =	sld [smem:$0x3FB0];
	_ =	sdelay $0x3  }
0x36: {  	p1 =	seq.s32 s10, $0x1;
	s10 =	sld [smem:$0x3FB1];
	_ =	sdelay $0x3  }
0x37: {  	[smem:$0x3FB1] =	sst s10  }
0x38: {  	s10 =	sld [smem:$0x3FB2]  }
0x39: {  	_ = 	snop;
	(pc) =	sbr.ind lr, $3  }
0x3a: {  	_ = 	snop  }
0x3b: {  	_ = 	snop  }
0x3c: {  	p2 =	seq.s32 s10, $0x1;
	s10 =	sld [smem:$0x3FB1]  }
0x3d: {  	_ =	shalt  }
0x3e: {  	_ =	shalt  }
0x3f: {  	_ =	shalt  }
0x40: {  	_ =	shalt  }
0x41: {  	_ =	shalt  }
0x42: {  	_ =	shalt  }
0x43: {  	_ =	shalt  }
0x44: {  	_ =	shalt  }
0x45: {  	_ =	shalt  }
0x46: {  	_ =	shalt  }
0x47: {  	_ =	shalt  }
0x48: {  	_ =	shalt  }
0x49: {  	_ =	shalt  }
0x4a: {  	_ =	shalt  }
0x4b: {  	_ =	shalt  }
0x4c: {  	_ =	shalt  }
0x4d: {  	_ =	shalt  }
0x4e: {  	_ =	shalt  }
0x4f: {  	_ =	shalt  }
0x50: {  	_ =	shalt  }
0x51: {  	_ =	shalt  }
0x52: {  	_ =	shalt  }
0x53: {  	_ =	shalt  }
0x54: {  	_ =	shalt  }
0x55: {  	_ =	shalt  }
0x56: {  	_ =	shalt  }
0x57: {  	_ =	shalt  }
0x58: {  	_ =	shalt  }
0x59: {  	_ =	shalt  }
0x5a: {  	_ =	shalt  }
0x5b: {  	_ =	shalt  }
0x5c: {  	_ =	shalt  }
0x5d: {  	_ =	shalt  }
0x5e: {  	_ =	shalt  }
0x5f: {  	_ =	shalt  }
0x60: {  	_ =	shalt  }
0x61: {  	_ =	shalt  }
0x62: {  	_ =	shalt  }
0x63: {  	_ =	shalt  }
0x64: {  	_ =	shalt  }
0x65: {  	_ =	shalt  }
0x66: {  	_ =	shalt  }
0x67: {  	_ =	shalt  }
0x68: {  	_ =	shalt  }
0x69: {  	_ =	shalt  }
0x6a: {  	_ =	shalt  }
0x6b: {  	_ =	shalt  }
0x6c: {  	_ =	shalt  }
0x6d: {  	_ =	shalt  }
0x6e: {  	_ =	shalt  }
0x6f: {  	_ =	shalt  }
0x70: {  	_ =	shalt  }
0x71: {  	_ =	shalt  }
0x72: {  	_ =	shalt  }
0x73: {  	_ =	shalt  }
0x74: {  	_ =	shalt  }
0x75: {  	_ =	shalt  }
0x76: {  	_ =	shalt  }
0x77: {  	_ =	shalt  }
0x78: {  	_ =	shalt  }
0x79: {  	_ =	shalt  }
0x7a: {  	_ =	shalt  }
0x7b: {  	_ =	shalt  }
0x7c: {  	_ =	shalt  }
0x7d: {  	_ =	shalt  }
0x7e: {  	_ =	shalt  }
0x7f: {  	_ =	shalt  }
0x80: {  	_ =	shalt  }
0x81: {  	_ =	shalt  }
0x82: {  	_ =	shalt  }
0x83: {  	_ =	shalt  }
0x84: {  	_ =	shalt  }
0x85: {  	_ =	shalt  }
0x86: {  	_ =	shalt  }
0x87: {  	_ =	shalt  }
.Lfunc_end0:
.L_simem_size_0:
called_computation.1_lowered:
.L_overlay_start_0:
0x88: {  	s2 =	sld [smem:$0x3FD9]  }
0x89: {  	s3 =	sld [smem:$0x3FFE];
	_ =	sdelay $0x1  }
0x8a: {  	s1 =	srdreg.scid  }
0x8b: {  	s0 =	sand.u32 $0x1, s1  }
0x8c: {  	s16 =	sshll.u32 s0, $0xA;
	s2 =	sadd.s32 s3, s2  }
0x8d: {  	s2 =	sadd.s32 s2, s16  }
0x8e: {  	[smem:$0x3FBD] =	sst s2  }
0x8f: {  	_ = 	snop  }
0x90: {  	(tm) =	ssettm $0x1  }
0x91: {  	s17 =	sld [smem:$0x3FFB];
	_ =	sdelay $0x3  }
0x92: {  	_ =	strace s17  }
0x93: {  	s2 =	sld [smem:$0x3FFC];
	_ =	sdelay $0x3  }
0x94: {  	_ =	strace s2  }
0x95: {  	s2 =	sld [smem:$0x3FFD];
	_ =	sdelay $0x3  }
0x96: {  	_ =	strace s2  }
0x97: {  	_ =	strace $0x8FFFFFFF  }
0x98: {  	s18 =	sld [smem:$0x3FDB];
	_ =	sdelay $0x1  }
0x99: {  	s19 =	simm.s32 $_scs_section_size  }
0x9a: {  	s4 =	simm.s32 $_size__tile_overlayer_lowered;
	s5 =	simm.s32 $_tile_overlayer_lowered  }
0x9b: {  	s22 =	simm.s32 $0x1BFF;
	s21 =	sshll.u32 s5, $0x1;
	s2 =	sadd.s32 s19, s18  }
0x9c: {  	s6 =	simm.s32 $0x0;
	s20 =	sshll.u32 s4, $0x1;
	s4 =	sadd.s32 s21, s2  }
0x9d: {  	[timem:s6], [sflag:s22] =	dma.local [hbm:s4], s20  }
0x9e: {  	_ =	swait.ge [sflag:s22], s20  }
0x9f: {  	s3 =	ssub.s32 $0x0, s20;
	[sflag:s22] =	ssyncset.done $0x0  }
0xa0: {  	[sflag:s22] =	ssyncadd.s32 s3;
	_ =	sdelay $0x1  }
0xa1: {  	s23 =	simm.s32 $0x1B8B  }
0xa2: {  	_ =	swait.ge [sflag:s23], $0x1  }
0xa3: {  	[sflag:s23] =	ssyncset.done $0x0  }
0xa4: {  	s25 =	simm.s32 $0x1B8E;
	s24 =	sld [smem:$0x3FFE];
	[sflag:s23] =	ssyncadd.s32 $0xFFFFFFFF  }
0xa5: {  	s26 =	simm.s32 $execute0_lowered;
	[smem:$0x3FD2] =	sst s25  }
0xa6: {  	s4 =	sshll.u32 s26, $0x1;
	_ =	strace $0x80000049;
	[dreg:$0x1] =	wrdreg $0xFFFFFFFF  }
0xa7: {  	s28 =	simm.s32 $_size_execute0_lowered;
	s2 =	sadd.s32 s2, s4;
	[dreg:$0x0] =	wrdreg $0x0  }
0xa8: {  	s4 =	sshll.u32 s28, $0x1;
	[dreg:$0x2] =	wrdreg s2  }
0xa9: {  	[dreg:$0x3] =	wrdreg s4  }
0xaa: {  	[dreg:$0x4] =	wrdreg $0xC0  }
0xab: {  	_ =	task [dreg:s6], $0x5FFFF  }
0xac: {  	[dreg:$0x1] =	wrdreg $0xFFFFFFFF  }
0xad: {  	[dreg:$0x0] =	wrdreg $0x60  }
0xae: {  	[dreg:$0x2] =	wrdreg s24  }
0xaf: {  	[dreg:$0x3] =	wrdreg $0x150000  }
0xb0: {  	[dreg:$0x4] =	wrdreg $0x9  }
0xb1: {  	_ =	task.clear_ibuf [dreg:s6], $0x5FFFF;
	_ =	strace $0x90000049  }
0xb2: {  	s29 =	simm.s32 $0x9;
	_ =	strace $0x8000004B  }
0xb3: {  	_ =	swait.ge [sflag:s29], $0x1  }
0xb4: {  	[sflag:s29] =	ssyncadd.s32 $0xFFFFFFFF  }
0xb5: {  	_ =	strace $0x9000004B  }
0xb6: {  	_ =	sfence  }
0xb7: {  	s30 =	sld [smem:$0x0];
	_ =	sdelay $0x2  }
0xb8: {  	s31 =	sshll.u32 s1, $0xD;
	s1 =	sshrl.u32 s1, $0x2  }
0xb9: {  	s3 =	sand.u32 $0x4000, s31;
	s1 =	sadd.s32 s1, s30  }
0xba: {  	s0 =	sor.u32 s3, s0;
	s1 =	sshll.u32 s1, $0x11  }
0xbb: {  	s0 =	sor.u32 s1, s0  }
0xbc: {  	s0 =	sadd.s32 $0x8F2B, s0  }
0xbd: {  	[sflag:s0] =	ssyncadd.remote.s32 $0x1  }
0xbe: {  	_ =	sfence.sel $0xFFFF  }
0xbf: {  	[dreg:$0x0] =	wrdreg $0xFFFFFFFF;
	(pc) =	sbr.abs _section_cstart, $3  }
0xc0: {  	[dreg:$0x1] =	wrdreg $0xFFFFFFFF  }
0xc1: {  	_ =	task.clear_ibuf [dreg:s6], $0x2FFFF;
	_ =	strace $0x9FFFFFFF  }
0xc2: {  	(tm) =	ssettm $0x7FFFFFFF  }
0xc3: {  	_ =	shalt  }
tec
execute0_lowered:
.L_overlay_start_1:
0x0: {  	(tag) =	ssettag $0x1  }
0x1: {  	s0 =	rddreg [dreg:$0x0]  }
0x2: {  	s2 =	rddreg [dreg:$0x1];
	s4 =	simm.s32 $0x0  }
0x3: {  	s1 =	srdreg.scid;
	s8 =	stileid.u32;
	s13 =	simm.s32 $0x11  }
0x4: {  	s18 =	simm.s32 $0x9000;
	s20 =	simm.s32 $0xB000;
	s22 =	simm.s32 $0xD000  }
0x5: {  	s24 =	simm.s32 $0xF000;
	s26 =	simm.s32 $0x11000;
	s29 =	simm.s32 $0x13000  }
0x6: {  	s30 =	simm.s32 $0x1;
	s31 =	simm.s32 $0x2;
	s17 =	simm.s32 $0x6  }
0x7: {  	s19 =	simm.s32 $0x7;
	s21 =	simm.s32 $0x8;
	s23 =	simm.s32 $0x9  }
0x8: {  	s25 =	simm.s32 $0xA;
	s28 =	simm.s32 $0xB;
	s16 =	simm.s32 $0x0  }
0x9: {  	s1 =	sand.u32 $0x1, s1;
	s3 =	sshll.u32 s8, $0x1;
	s5 =	smul.u32 $0xA000, s8  }
0xa: {  	[smem:$0x7FF] =	sst s4;
	s4 =	sadd.s32 $0x16C00, s0;
	s9 =	sadd.s32 $0x2A600, s0  }
0xb: {  	s15 =	sshll.u32 s8, $0x6;
	s8 =	simm.s32 $0xF;
	s3 =	sor.u32 s1, s3  }
0xc: {  	s6 =	smul.u32 $0xA0000, s1;
	_ =	strace $0x8000004A;
	s1 =	ssub.s32 $0x2, s1  }
0xd: {  	[dreg:$0x3] =	wrdreg s9;
	s15 =	sor.u32 $0x1C11, s15;
	s9 =	simm.s32 $0x10  }
0xe: {  	[dreg:$0x9] =	wrdreg s16;
	s3 =	smul.u32 $0x500, s3;
	s7 =	sshrl.u32 s1, $0x1  }
0xf: {  	s12 =	sadd.s32 s5, s2;
	s6 =	sadd.s32 s5, s6;
	s1 =	ssub.s32 s1, s7  }
0x10: {  	s12 =	sshrl.u32 s12, $0x3;
	s5 =	simm.s32 $0xC;
	s7 =	simm.s32 $0xE  }
0x11: {  	s3 =	sadd.s32 s3, s0;
	s6 =	sshrl.u32 s6, $0x3;
	s14 =	smax.u32 s1, $0x1  }
.Ltmp0:
0x12: {  	s1 =	simm.s32 $0x4;
	[dreg:$0x8] =	wrdreg s12;
	(pc) =	sbr.rel .LBB2_1-.Ltmp0, $4  }
0x13: {  	s0 =	sadd.s32 s6, s0;
	s11 =	sadd.s32 $0xCC00, s3;
	[dreg:$0x7] =	wrdreg s14  }
0x14: {  	s3 =	sadd.s32 $0x2000, s3;
	s14 =	simm.s32 $0x80;
	[dreg:$0x4] =	wrdreg s11  }
0x15: {  	s6 =	simm.s32 $0xD;
	[dreg:$0x5] =	wrdreg s3;
	s0 =	sadd.s32 $0x2BA00, s0  }
0x16: {  	s11 =	simm.s32 $0x5;
	[dreg:$0x6] =	wrdreg s0;
	s0 =	simm.s32 $0x3  }
.LBB2_3:
0x17: {  	_ =	swait.ge [sflag:s25], $0x2000  }
0x18: {  	[sflag:s25] =	ssyncset.done $0x0  }
0x19: {  	[sflag:s25] =	ssyncadd.s32 $0xFFFFE000  }
0x1a: {  	_ =	swait.ge [sflag:s28], $0x2000  }
0x1b: {  	[sflag:s28] =	ssyncset.done $0x0  }
0x1c: {  	[sflag:s28] =	ssyncadd.s32 $0xFFFFE000  }
0x1d: {  	_ =	swait.ge [sflag:s5], $0x2000  }
0x1e: {  	[sflag:s5] =	ssyncset.done $0x0  }
0x1f: {  	[sflag:s5] =	ssyncadd.s32 $0xFFFFE000  }
0x20: {  	_ =	swait.ge [sflag:s6], $0x2000  }
0x21: {  	[sflag:s6] =	ssyncset.done $0x0  }
0x22: {  	[sflag:s6] =	ssyncadd.s32 $0xFFFFE000  }
0x23: {  	_ =	swait.ge [sflag:s7], $0x2000  }
0x24: {  	[sflag:s7] =	ssyncset.done $0x0  }
0x25: {  	[sflag:s7] =	ssyncadd.s32 $0xFFFFE000  }
0x26: {  	_ =	swait.ge [sflag:s8], $0x2000  }
0x27: {  	[sflag:s8] =	ssyncset.done $0x0  }
0x28: {  	[sflag:s8] =	ssyncadd.s32 $0xFFFFE000  }
0x29: {  	_ =	swait.ge [sflag:s9], $0x2000  }
0x2a: {  	[sflag:s9] =	ssyncset.done $0x0  }
0x2b: {  	[sflag:s9] =	ssyncadd.s32 $0xFFFFE000  }
.LBB2_5:
0x2c: {  	[bflag:$0x0] =	sbarrier.arrive $0xFFFF  }
0x2d: {  	s10 =	rddreg [dreg:$0x6]  }
0x2e: {  	s13 =	simm.s32 $0x11;
	s12 =	rddreg [dreg:$0x8]  }
0x2f: {  	[hbm:s10], [sflag:s3] =	dma.local [spmem:s12], $0x1400  }
0x30: {  	_ =	swait.ge [sflag:s13], $0x1400  }
0x31: {  	s10 =	rddreg [dreg:$0x9]  }
0x32: {  	s15 =	smov.u32 s3;
	s16 =	rddreg [dreg:$0x7];
	s3 =	sadd.s32 $0x1, s10  }
0x33: {  	p0 =	sne.s32 s3, s16  }
.Ltmp1:
0x34: {  	_ = 	snop;
	(pc) =	sbr.rel @!p0 .LBB2_6-.Ltmp1, $3  }
0x35: {  	_ =	sdelay $0x1  }
0x36: {  	[sflag:s13] =	ssyncset.done $0x0  }
0x37: {  	[sflag:s13] =	ssyncadd.s32 $0xFFFFEC00;
	[dreg:$0x9] =	wrdreg s3  }
.LBB2_1:
0x38: {  	s3 =	simm.s32 $0x0;
	s16 =	rddreg [dreg:$0x4]  }
0x39: {  	[tilespmem:s3], [sflag:$0x11] =	stream.linear.gather [hbm4b:s16+s3], $0x2800, $0x38;
	[tilespmem:$0x1F000] =	vst v63  }
0x3a: {  	_ =	swait.ge [sflag:s13], $0x2800  }
0x3b: {  	s10 =	smov.u32 s12;
	s3 =	simm.s32 $0x2800;
	[sflag:s13] =	ssyncset.done $0x0  }
0x3c: {  	s16 =	simm.s32 $0x0;
	s12 =	rddreg [dreg:$0x5];
	[sflag:s13] =	ssyncadd.s32 $0xFFFFD800  }
0x3d: {  	[tilespmem:s3], [sflag:$0x11] =	stream.linear.gather [hbm4b:s12+s16], $0x2800, $0x38;
	[tilespmem:$0x1F000] =	vst v63  }
0x3e: {  	_ =	swait.ge [sflag:s13], $0x2800  }
0x3f: {  	[sflag:s13] =	ssyncset.done $0x0  }
0x40: {  	s3 =	rddreg [dreg:$0x3];
	[sflag:s13] =	ssyncadd.s32 $0xFFFFD800  }
0x41: {  	[spmem:s10], [sflag:s15] =	dma.local [hbm:s3], $0x1400  }
0x42: {  	_ =	swait.ge [sflag:s13], $0x1400  }
0x43: {  	[sflag:s13] =	ssyncset.done $0x0  }
0x44: {  	[sflag:s13] =	ssyncadd.s32 $0xFFFFEC00  }
0x45: {  	s16 =	simm.s32 $0x0;
	s13 =	simm.s32 $0x5000;
	[bflag:$0x0] =	sbarrier.arrive $0xFFFF  }
0x46: {  	[tilespmem:s13], [sflag:$0x1] =	stream.indirect.gather [hbm4b:s4+s14], $0x40, s16, s14, $0xb8;
	[tilespmem:$0x1F000] =	vst v63  }
0x47: {  	s16 =	simm.s32 $0x7000  }
0x48: {  	[tilespmem:s16], [sflag:$0x2] =	stream.indirect.gather [hbm4b:s4+s14], $0x40, s14, s14, $0xb8;
	[tilespmem:$0x1F000] =	vst v63  }
0x49: {  	s10 =	simm.s32 $0x100  }
0x4a: {  	[tilespmem:s18], [sflag:$0x3] =	stream.indirect.gather [hbm4b:s4+s14], $0x40, s10, s14, $0xb8;
	[tilespmem:$0x1F000] =	vst v63  }
0x4b: {  	s12 =	simm.s32 $0x180  }
0x4c: {  	[tilespmem:s20], [sflag:$0x4] =	stream.indirect.gather [hbm4b:s4+s14], $0x40, s12, s14, $0xb8;
	[tilespmem:$0x1F000] =	vst v63  }
0x4d: {  	s13 =	simm.s32 $0x200  }
0x4e: {  	[tilespmem:s22], [sflag:$0x5] =	stream.indirect.gather [hbm4b:s4+s14], $0x40, s13, s14, $0xb8;
	[tilespmem:$0x1F000] =	vst v63  }
0x4f: {  	s10 =	simm.s32 $0x280  }
0x50: {  	[tilespmem:s24], [sflag:$0x6] =	stream.indirect.gather [hbm4b:s4+s14], $0x40, s10, s14, $0xb8;
	[tilespmem:$0x1F000] =	vst v63  }
0x51: {  	s3 =	smov.u32 s15;
	s12 =	simm.s32 $0x300  }
0x52: {  	[tilespmem:s26], [sflag:$0x7] =	stream.indirect.gather [hbm4b:s4+s14], $0x40, s12, s14, $0xb8;
	[tilespmem:$0x1F000] =	vst v63  }
0x53: {  	s15 =	simm.s32 $0x5000;
	s13 =	simm.s32 $0x380;
	s12 =	simm.s32 $0x0  }
0x54: {  	[tilespmem:s29], [sflag:$0x8] =	stream.indirect.gather [hbm4b:s4+s14], $0x40, s13, s14, $0xb8;
	[tilespmem:$0x1F000] =	vst v63  }
.LBB2_2:
0x55: {  	_ =	swait.ge [sflag:s30], $0x2000  }
0x56: {  	s13 =	sshra.s32 s12, $0x2;
	[sflag:s30] =	ssyncset.done $0x0  }
0x57: {  	s10 =	sadd.s32 $0x2800, s13;
	[sflag:s30] =	ssyncadd.s32 $0xFFFFE000  }
0x58: {  	[spmem:s2] =	stream.indirect.scatter.add.f32 [tilespmem:s15], [sflag:$0x9], $0x40, s10, s14, $0xb8;
	[tilespmem:$0x1F000] =	vst v63  }
0x59: {  	_ =	swait.ge [sflag:s31], $0x2000  }
0x5a: {  	[sflag:s31] =	ssyncset.done $0x0  }
0x5b: {  	s10 =	sadd.s32 $0x2880, s13;
	[sflag:s31] =	ssyncadd.s32 $0xFFFFE000  }
0x5c: {  	[spmem:s2] =	stream.indirect.scatter.add.f32 [tilespmem:s16], [sflag:$0xA], $0x40, s10, s14, $0xb8;
	[tilespmem:$0x1F000] =	vst v63  }
0x5d: {  	_ =	swait.ge [sflag:s0], $0x2000  }
0x5e: {  	[sflag:s0] =	ssyncset.done $0x0  }
0x5f: {  	s10 =	sadd.s32 $0x2900, s13;
	[sflag:s0] =	ssyncadd.s32 $0xFFFFE000  }
0x60: {  	[spmem:s2] =	stream.indirect.scatter.add.f32 [tilespmem:s18], [sflag:$0xB], $0x40, s10, s14, $0xb8;
	[tilespmem:$0x1F000] =	vst v63  }
0x61: {  	_ =	swait.ge [sflag:s1], $0x2000  }
0x62: {  	[sflag:s1] =	ssyncset.done $0x0  }
0x63: {  	s10 =	sadd.s32 $0x2980, s13;
	[sflag:s1] =	ssyncadd.s32 $0xFFFFE000  }
0x64: {  	[spmem:s2] =	stream.indirect.scatter.add.f32 [tilespmem:s20], [sflag:$0xC], $0x40, s10, s14, $0xb8;
	[tilespmem:$0x1F000] =	vst v63  }
0x65: {  	_ =	swait.ge [sflag:s11], $0x2000  }
0x66: {  	[sflag:s11] =	ssyncset.done $0x0  }
0x67: {  	s10 =	sadd.s32 $0x2A00, s13;
	[sflag:s11] =	ssyncadd.s32 $0xFFFFE000  }
0x68: {  	[spmem:s2] =	stream.indirect.scatter.add.f32 [tilespmem:s22], [sflag:$0xD], $0x40, s10, s14, $0xb8;
	[tilespmem:$0x1F000] =	vst v63  }
0x69: {  	_ =	swait.ge [sflag:s17], $0x2000  }
0x6a: {  	[sflag:s17] =	ssyncset.done $0x0  }
0x6b: {  	s10 =	sadd.s32 $0x2A80, s13;
	[sflag:s17] =	ssyncadd.s32 $0xFFFFE000  }
0x6c: {  	[spmem:s2] =	stream.indirect.scatter.add.f32 [tilespmem:s24], [sflag:$0xE], $0x40, s10, s14, $0xb8;
	[tilespmem:$0x1F000] =	vst v63  }
0x6d: {  	_ =	swait.ge [sflag:s19], $0x2000  }
0x6e: {  	[sflag:s19] =	ssyncset.done $0x0  }
0x6f: {  	s10 =	sadd.s32 $0x2B00, s13;
	[sflag:s19] =	ssyncadd.s32 $0xFFFFE000  }
0x70: {  	[spmem:s2] =	stream.indirect.scatter.add.f32 [tilespmem:s26], [sflag:$0xF], $0x40, s10, s14, $0xb8;
	[tilespmem:$0x1F000] =	vst v63  }
0x71: {  	_ =	swait.ge [sflag:s21], $0x2000  }
0x72: {  	p0 =	sne.s32 s12, $0x9000;
	[sflag:s21] =	ssyncset.done $0x0  }
.Ltmp2:
0x73: {  	s10 =	sadd.s32 $0x2B80, s13;
	[sflag:s21] =	ssyncadd.s32 $0xFFFFE000;
	(pc) =	sbr.rel @!p0 .LBB2_3-.Ltmp2, $4  }
0x74: {  	[spmem:s2] =	stream.indirect.scatter.add.f32 [tilespmem:s29], [sflag:$0x10], $0x40, s10, s14, $0xb8;
	[tilespmem:$0x1F000] =	vst v63  }
0x75: {  	_ =	swait.ge [sflag:s23], $0x2000  }
0x76: {  	[sflag:s23] =	ssyncset.done $0x0  }
0x77: {  	[sflag:s23] =	ssyncadd.s32 $0xFFFFE000  }
0x78: {  	s10 =	sadd.s32 $0x400, s13  }
0x79: {  	[tilespmem:s15], [sflag:$0x1] =	stream.indirect.gather [hbm4b:s4+s14], $0x40, s10, s14, $0xb8;
	[tilespmem:$0x1F000] =	vst v63  }
0x7a: {  	_ =	swait.ge [sflag:s25], $0x2000  }
0x7b: {  	[sflag:s25] =	ssyncset.done $0x0  }
0x7c: {  	s10 =	sadd.s32 $0x480, s13;
	[sflag:s25] =	ssyncadd.s32 $0xFFFFE000  }
0x7d: {  	[tilespmem:s16], [sflag:$0x2] =	stream.indirect.gather [hbm4b:s4+s14], $0x40, s10, s14, $0xb8;
	[tilespmem:$0x1F000] =	vst v63  }
0x7e: {  	_ =	swait.ge [sflag:s28], $0x2000  }
0x7f: {  	[sflag:s28] =	ssyncset.done $0x0  }
0x80: {  	s10 =	sadd.s32 $0x500, s13;
	[sflag:s28] =	ssyncadd.s32 $0xFFFFE000  }
0x81: {  	[tilespmem:s18], [sflag:$0x3] =	stream.indirect.gather [hbm4b:s4+s14], $0x40, s10, s14, $0xb8;
	[tilespmem:$0x1F000] =	vst v63  }
0x82: {  	_ =	swait.ge [sflag:s5], $0x2000  }
0x83: {  	[sflag:s5] =	ssyncset.done $0x0  }
0x84: {  	s10 =	sadd.s32 $0x580, s13;
	[sflag:s5] =	ssyncadd.s32 $0xFFFFE000  }
0x85: {  	[tilespmem:s20], [sflag:$0x4] =	stream.indirect.gather [hbm4b:s4+s14], $0x40, s10, s14, $0xb8;
	[tilespmem:$0x1F000] =	vst v63  }
0x86: {  	_ =	swait.ge [sflag:s6], $0x2000  }
0x87: {  	[sflag:s6] =	ssyncset.done $0x0  }
0x88: {  	s10 =	sadd.s32 $0x600, s13;
	[sflag:s6] =	ssyncadd.s32 $0xFFFFE000  }
0x89: {  	[tilespmem:s22], [sflag:$0x5] =	stream.indirect.gather [hbm4b:s4+s14], $0x40, s10, s14, $0xb8;
	[tilespmem:$0x1F000] =	vst v63  }
0x8a: {  	_ =	swait.ge [sflag:s7], $0x2000  }
0x8b: {  	[sflag:s7] =	ssyncset.done $0x0  }
0x8c: {  	s10 =	sadd.s32 $0x680, s13;
	[sflag:s7] =	ssyncadd.s32 $0xFFFFE000  }
0x8d: {  	[tilespmem:s24], [sflag:$0x6] =	stream.indirect.gather [hbm4b:s4+s14], $0x40, s10, s14, $0xb8;
	[tilespmem:$0x1F000] =	vst v63  }
0x8e: {  	_ =	swait.ge [sflag:s8], $0x2000  }
0x8f: {  	s12 =	sadd.s32 $0x1000, s12;
	[sflag:s8] =	ssyncset.done $0x0  }
0x90: {  	p0 =	sne.s32 s12, $0xA000;
	s10 =	sadd.s32 $0x700, s13;
	[sflag:s8] =	ssyncadd.s32 $0xFFFFE000  }
0x91: {  	[tilespmem:s26], [sflag:$0x7] =	stream.indirect.gather [hbm4b:s4+s14], $0x40, s10, s14, $0xb8;
	[tilespmem:$0x1F000] =	vst v63  }
.Ltmp3:
0x92: {  	_ = 	snop;
	(pc) =	sbr.rel @p0 .LBB2_2-.Ltmp3, $4  }
.Ltmp4:
0x93: {  	_ =	swait.ge [sflag:s9], $0x2000;
	(pc) =	sbr.rel @!p0 .LBB2_5-.Ltmp4, $4  }
0x94: {  	[sflag:s9] =	ssyncset.done $0x0  }
0x95: {  	s13 =	sadd.s32 $0x780, s13;
	[sflag:s9] =	ssyncadd.s32 $0xFFFFE000  }
0x96: {  	[tilespmem:s29], [sflag:$0x8] =	stream.indirect.gather [hbm4b:s4+s14], $0x40, s13, s14, $0xb8;
	[tilespmem:$0x1F000] =	vst v63  }
0x97: {  	_ = 	snop  }
.LBB2_6:
0x98: {  	_ =	sfence.sel $0x180000  }
0x99: {  	[bflag:$0x0] =	sbarrier.arrive $0xFFFF  }
0x9a: {  	_ =	strace $0x9000004A  }
0x9b: {  	s0 =	stileid.u32;
	[bflag:$0x2] =	sbarrier.arrive $0xFFFF  }
0x9c: {  	p0 =	sne.s32 s0, $0x0;
	s0 =	rddreg [dreg:$0x2]  }
0x9d: {  	s0 =	sadd.s32 @!p0 $0x100000, s0  }
0x9e: {  	[sflag:s0] =	ssyncadd.tile.s32 @!p0 $0x1;
	_ =	shalt  }
.Lfunc_end2:
_tile_overlayer_lowered:
.L_overlay_start_2:
0x9f: {  	(tag) =	ssettag $0x2  }
0xa0: {  	s0 =	rddreg [dreg:$0x0];
	s2 =	stileid.u32  }
0xa1: {  	s1 =	rddreg [dreg:$0x1];
	p0 =	sne.s32 s2, $0x0  }
0xa2: {  	s3 =	rddreg [dreg:$0x2];
	[bflag:$0x3] =	sbarrier.arrive $0xFFFF;
	s2 =	simm.s32 @!p0 $0x1C11  }
0xa3: {  	[timem:s3], [sflag:s2] =	dma.local @!p0 [hbm:s0], s1  }
0xa4: {  	s0 =	simm.s32 @!p0 $0x11  }
0xa5: {  	_ =	swait.ge @!p0 [sflag:s0], s1  }
0xa6: {  	s1 =	ssub.s32 @!p0 $0x0, s1;
	[sflag:s0] =	ssyncset.done @!p0 $0x0  }
0xa7: {  	[sflag:s0] =	ssyncadd.s32 @!p0 s1  }
0xa8: {  	[bflag:$0x3] =	sbarrier.arrive $0xFFFF  }
0xa9: {  	_ =	shalt  }

// kernel: kernel.15.cloned.1.call-start
scs
__scs_entry_jumppad:
0x0: {  	(pc) =	sbr.rel $0x88, $3  }
0x1: {  	(tag) =	ssettag $0x0;
	lr =	simm.s32 $0x1  }
0x2: {  	[smem:$0x3F96] =	sst lr;
	_ =	strace $0xD0000000  }
0x3: {  	_ = 	snop  }
0x4: {  	_ = 	snop  }
0x5: {  	_ = 	snop  }
0x6: {  	_ = 	snop  }
0x7: {  	_ = 	snop  }
__scs_overlays_trampoline_lowered:
0x8: {  	[smem:$0x3FA5] =	sst s0  }
0x9: {  	[smem:$0x3FA6] =	sst s1  }
0xa: {  	[smem:$0x3FA7] =	sst s2  }
0xb: {  	[smem:$0x3FA8] =	sst s3  }
0xc: {  	[smem:$0x3FA9] =	sst s4  }
0xd: {  	[smem:$0x3FAA] =	sst s5  }
0xe: {  	[smem:$0x3FAB] =	sst s6  }
0xf: {  	[smem:$0x3FAC] =	sst s7  }
0x10: {  	[smem:$0x3FAD] =	sst s8  }
0x11: {  	[smem:$0x3FAE] =	sst s9;
	s0 =	simm.s32 @!p0 $0x0  }
0x12: {  	s1 =	sld [smem:$0x3F94];
	s0 =	simm.s32 @p0 $0x1  }
0x13: {  	[smem:$0x3FAF] =	sst s0;
	s0 =	simm.s32 @!p1 $0x0  }
0x14: {  	s2 =	sld [smem:$0x3F93];
	s0 =	simm.s32 @p1 $0x1  }
0x15: {  	[smem:$0x3FB0] =	sst s0;
	s0 =	simm.s32 @!p2 $0x0  }
0x16: {  	s3 =	sld [smem:$0x3FDB];
	s0 =	simm.s32 @p2 $0x1  }
0x17: {  	s4 =	simm.s32 $0x1BF5;
	[smem:$0x3FB2] =	sst s0  }
0x18: {  	s0 =	sld [smem:$0x3F95];
	_ =	swait.ge [sflag:s4], $0x0  }
0x19: {  	s7 =	sld [smem:$0x3F96]  }
0x1a: {  	s8 =	sadd.s32 $0xFFFFE003, lr  }
0x1b: {  	s9 =	sadd.s32 $0xFFFFFEF7, lr;
	s5 =	simm.s32 $0xFFFFFFFF;
	p2 =	slt.u32 s8, $0xFFFFF086  }
0x1c: {  	p1 =	slt.u32 s9, $0xF7A;
	s5 =	simm.s32 @!p2 $0x0  }
0x1d: {  	s5 =	simm.s32 @p1 $0x1;
	p0 =	seq.s32 s7, s2  }
0x1e: {  	s7 =	smul.u32 @!p0 $0xF7A, s2;
	p2 =	seq.s32 @!p0 s5, $0x0  }
0x1f: {  	s9 =	smul.u32 $0xF7A, s1;
	s8 =	simm.s32 @!p0 $0x1BF5;
	p2 =	por !p2, p0  }
0x20: {  	[sflag:s8] =	ssyncset.s32 @!p0 $0xFFFFF086;
	s6 =	sadd.s32 @!p0 s3, s7;
	s7 =	simm.s32 @!p0 $0x108  }
0x21: {  	s3 =	sadd.s32 s3, s9;
	s6 =	sadd.s32 @!p0 $0x88, s6;
	s7 =	simm.s32 @p2 $0x1082  }
0x22: {  	[simem:s7], [sflag:s8] =	dma.local @!p0 [hbm:s6], $0xF7A  }
0x23: {  	s9 =	sor.u32 $0xD0000000, s2;
	s6 =	simm.s32 $0x108;
	_ =	swait.ge @!p0 [sflag:s8], $0x0  }
0x24: {  	s3 =	sadd.s32 $0x88, s3;
	s6 =	simm.s32 @!p1 $0x1082;
	[sflag:s4] =	ssyncset.s32 $0xFFFFF086  }
0x25: {  	[simem:s6], [sflag:s4] =	dma.local [hbm:s3], $0xF7A  }
0x26: {  	[smem:$0x3F96] =	sst s1;
	(tag) =	ssettag s2;
	_ =	strace s9  }
0x27: {  	s1 =	sld [smem:$0x3FA6]  }
0x28: {  	s2 =	sld [smem:$0x3FA7]  }
0x29: {  	s4 =	sld [smem:$0x3FA9]  }
0x2a: {  	p0 =	seq.s32 s5, $0x0;
	s5 =	sld [smem:$0x3FAA]  }
0x2b: {  	s6 =	sld [smem:$0x3FAB]  }
0x2c: {  	s7 =	sld [smem:$0x3FAC]  }
0x2d: {  	s3 =	simm.s32 $0x108;
	s8 =	sld [smem:$0x3FAD]  }
0x2e: {  	s3 =	simm.s32 @!p0 $0x1082;
	s9 =	sld [smem:$0x3FAE]  }
0x2f: {  	lr =	sadd.s32 s0, s3;
	s0 =	sld [smem:$0x3FA5]  }
0x30: {  	s3 =	sld [smem:$0x3FA8]  }
0x31: {  	[smem:$0x3FB1] =	sst s10  }
0x32: {  	s10 =	sld [smem:$0x3FAF];
	_ =	sdelay $0x3  }
0x33: {  	p0 =	seq.s32 s10, $0x1;
	s10 =	sld [smem:$0x3FB1];
	_ =	sdelay $0x3  }
0x34: {  	[smem:$0x3FB1] =	sst s10  }
0x35: {  	s10 =	sld [smem:$0x3FB0];
	_ =	sdelay $0x3  }
0x36: {  	p1 =	seq.s32 s10, $0x1;
	s10 =	sld [smem:$0x3FB1];
	_ =	sdelay $0x3  }
0x37: {  	[smem:$0x3FB1] =	sst s10  }
0x38: {  	s10 =	sld [smem:$0x3FB2]  }
0x39: {  	_ = 	snop;
	(pc) =	sbr.ind lr, $3  }
0x3a: {  	_ = 	snop  }
0x3b: {  	_ = 	snop  }
0x3c: {  	p2 =	seq.s32 s10, $0x1;
	s10 =	sld [smem:$0x3FB1]  }
0x3d: {  	_ =	shalt  }
0x3e: {  	_ =	shalt  }
0x3f: {  	_ =	shalt  }
0x40: {  	_ =	shalt  }
0x41: {  	_ =	shalt  }
0x42: {  	_ =	shalt  }
0x43: {  	_ =	shalt  }
0x44: {  	_ =	shalt  }
0x45: {  	_ =	shalt  }
0x46: {  	_ =	shalt  }
0x47: {  	_ =	shalt  }
0x48: {  	_ =	shalt  }
0x49: {  	_ =	shalt  }
0x4a: {  	_ =	shalt  }
0x4b: {  	_ =	shalt  }
0x4c: {  	_ =	shalt  }
0x4d: {  	_ =	shalt  }
0x4e: {  	_ =	shalt  }
0x4f: {  	_ =	shalt  }
0x50: {  	_ =	shalt  }
0x51: {  	_ =	shalt  }
0x52: {  	_ =	shalt  }
0x53: {  	_ =	shalt  }
0x54: {  	_ =	shalt  }
0x55: {  	_ =	shalt  }
0x56: {  	_ =	shalt  }
0x57: {  	_ =	shalt  }
0x58: {  	_ =	shalt  }
0x59: {  	_ =	shalt  }
0x5a: {  	_ =	shalt  }
0x5b: {  	_ =	shalt  }
0x5c: {  	_ =	shalt  }
0x5d: {  	_ =	shalt  }
0x5e: {  	_ =	shalt  }
0x5f: {  	_ =	shalt  }
0x60: {  	_ =	shalt  }
0x61: {  	_ =	shalt  }
0x62: {  	_ =	shalt  }
0x63: {  	_ =	shalt  }
0x64: {  	_ =	shalt  }
0x65: {  	_ =	shalt  }
0x66: {  	_ =	shalt  }
0x67: {  	_ =	shalt  }
0x68: {  	_ =	shalt  }
0x69: {  	_ =	shalt  }
0x6a: {  	_ =	shalt  }
0x6b: {  	_ =	shalt  }
0x6c: {  	_ =	shalt  }
0x6d: {  	_ =	shalt  }
0x6e: {  	_ =	shalt  }
0x6f: {  	_ =	shalt  }
0x70: {  	_ =	shalt  }
0x71: {  	_ =	shalt  }
0x72: {  	_ =	shalt  }
0x73: {  	_ =	shalt  }
0x74: {  	_ =	shalt  }
0x75: {  	_ =	shalt  }
0x76: {  	_ =	shalt  }
0x77: {  	_ =	shalt  }
0x78: {  	_ =	shalt  }
0x79: {  	_ =	shalt  }
0x7a: {  	_ =	shalt  }
0x7b: {  	_ =	shalt  }
0x7c: {  	_ =	shalt  }
0x7d: {  	_ =	shalt  }
0x7e: {  	_ =	shalt  }
0x7f: {  	_ =	shalt  }
0x80: {  	_ =	shalt  }
0x81: {  	_ =	shalt  }
0x82: {  	_ =	shalt  }
0x83: {  	_ =	shalt  }
0x84: {  	_ =	shalt  }
0x85: {  	_ =	shalt  }
0x86: {  	_ =	shalt  }
0x87: {  	_ =	shalt  }
.Lfunc_end0:
.L_simem_size_0:
called_computation.2_lowered:
.L_overlay_start_0:
0x88: {  	s2 =	sld [smem:$0x3FD9]  }
0x89: {  	s3 =	sld [smem:$0x3FFE];
	_ =	sdelay $0x1  }
0x8a: {  	s1 =	srdreg.scid  }
0x8b: {  	s0 =	sand.u32 $0x1, s1  }
0x8c: {  	s16 =	sshll.u32 s0, $0xA;
	s2 =	sadd.s32 s3, s2  }
0x8d: {  	s2 =	sadd.s32 s2, s16  }
0x8e: {  	[smem:$0x3FBD] =	sst s2  }
0x8f: {  	_ = 	snop  }
0x90: {  	(tm) =	ssettm $0x1  }
0x91: {  	s17 =	sld [smem:$0x3FFB];
	_ =	sdelay $0x3  }
0x92: {  	_ =	strace s17  }
0x93: {  	s2 =	sld [smem:$0x3FFC];
	_ =	sdelay $0x3  }
0x94: {  	_ =	strace s2  }
0x95: {  	s2 =	sld [smem:$0x3FFD];
	_ =	sdelay $0x3  }
0x96: {  	_ =	strace s2  }
0x97: {  	_ =	strace $0x8FFFFFFF  }
0x98: {  	s18 =	sld [smem:$0x3FDB];
	_ =	sdelay $0x1  }
0x99: {  	s19 =	simm.s32 $_scs_section_size  }
0x9a: {  	s4 =	simm.s32 $_size__tile_overlayer_lowered;
	s5 =	simm.s32 $_tile_overlayer_lowered  }
0x9b: {  	s22 =	simm.s32 $0x1BFF;
	s21 =	sshll.u32 s5, $0x1;
	s2 =	sadd.s32 s19, s18  }
0x9c: {  	s6 =	simm.s32 $0x0;
	s20 =	sshll.u32 s4, $0x1;
	s4 =	sadd.s32 s21, s2  }
0x9d: {  	[timem:s6], [sflag:s22] =	dma.local [hbm:s4], s20  }
0x9e: {  	_ =	swait.ge [sflag:s22], s20  }
0x9f: {  	s3 =	ssub.s32 $0x0, s20;
	[sflag:s22] =	ssyncset.done $0x0  }
0xa0: {  	[sflag:s22] =	ssyncadd.s32 s3;
	_ =	sdelay $0x1  }
0xa1: {  	s23 =	simm.s32 $0x1B8B  }
0xa2: {  	_ =	swait.ge [sflag:s23], $0x1  }
0xa3: {  	[sflag:s23] =	ssyncset.done $0x0  }
0xa4: {  	s25 =	simm.s32 $0x1B8E;
	s24 =	sld [smem:$0x3FFE];
	[sflag:s23] =	ssyncadd.s32 $0xFFFFFFFF  }
0xa5: {  	s26 =	simm.s32 $execute0_lowered;
	[smem:$0x3FD2] =	sst s25  }
0xa6: {  	s4 =	sshll.u32 s26, $0x1;
	_ =	strace $0x8000004C;
	[dreg:$0x1] =	wrdreg $0xFFFFFFFF  }
0xa7: {  	s28 =	simm.s32 $_size_execute0_lowered;
	s2 =	sadd.s32 s2, s4;
	[dreg:$0x0] =	wrdreg $0x0  }
0xa8: {  	s4 =	sshll.u32 s28, $0x1;
	[dreg:$0x2] =	wrdreg s2  }
0xa9: {  	[dreg:$0x3] =	wrdreg s4  }
0xaa: {  	[dreg:$0x4] =	wrdreg $0xC0  }
0xab: {  	_ =	task [dreg:s6], $0x5FFFF  }
0xac: {  	[dreg:$0x1] =	wrdreg $0xFFFFFFFF  }
0xad: {  	[dreg:$0x0] =	wrdreg $0x60  }
0xae: {  	[dreg:$0x2] =	wrdreg s24  }
0xaf: {  	[dreg:$0x3] =	wrdreg $0x150000  }
0xb0: {  	[dreg:$0x4] =	wrdreg $0x9  }
0xb1: {  	_ =	task.clear_ibuf [dreg:s6], $0x5FFFF;
	_ =	strace $0x9000004C  }
0xb2: {  	s29 =	simm.s32 $0x9;
	_ =	strace $0x8000004E  }
0xb3: {  	_ =	swait.ge [sflag:s29], $0x1  }
0xb4: {  	[sflag:s29] =	ssyncadd.s32 $0xFFFFFFFF  }
0xb5: {  	_ =	strace $0x9000004E  }
0xb6: {  	_ =	sfence  }
0xb7: {  	s30 =	sld [smem:$0x0];
	_ =	sdelay $0x2  }
0xb8: {  	s31 =	sshll.u32 s1, $0xD;
	s1 =	sshrl.u32 s1, $0x2  }
0xb9: {  	s3 =	sand.u32 $0x4000, s31;
	s1 =	sadd.s32 s1, s30  }
0xba: {  	s0 =	sor.u32 s3, s0;
	s1 =	sshll.u32 s1, $0x11  }
0xbb: {  	s0 =	sor.u32 s1, s0  }
0xbc: {  	s0 =	sadd.s32 $0x8F2B, s0  }
0xbd: {  	[sflag:s0] =	ssyncadd.remote.s32 $0x1  }
0xbe: {  	_ =	sfence.sel $0xFFFF  }
0xbf: {  	[dreg:$0x0] =	wrdreg $0xFFFFFFFF;
	(pc) =	sbr.abs _section_cstart, $3  }
0xc0: {  	[dreg:$0x1] =	wrdreg $0xFFFFFFFF  }
0xc1: {  	_ =	task.clear_ibuf [dreg:s6], $0x2FFFF;
	_ =	strace $0x9FFFFFFF  }
0xc2: {  	(tm) =	ssettm $0x7FFFFFFF  }
0xc3: {  	_ =	shalt  }
tec
execute0_lowered:
.L_overlay_start_1:
0x0: {  	(tag) =	ssettag $0x1  }
0x1: {  	s0 =	rddreg [dreg:$0x0]  }
0x2: {  	s2 =	rddreg [dreg:$0x1];
	s4 =	simm.s32 $0x0  }
0x3: {  	s1 =	srdreg.scid;
	s8 =	stileid.u32;
	s13 =	simm.s32 $0x11  }
0x4: {  	s18 =	simm.s32 $0x9000;
	s20 =	simm.s32 $0xB000;
	s22 =	simm.s32 $0xD000  }
0x5: {  	s24 =	simm.s32 $0xF000;
	s26 =	simm.s32 $0x11000;
	s29 =	simm.s32 $0x13000  }
0x6: {  	s30 =	simm.s32 $0x1;
	s31 =	simm.s32 $0x2;
	s17 =	simm.s32 $0x6  }
0x7: {  	s19 =	simm.s32 $0x7;
	s21 =	simm.s32 $0x8;
	s23 =	simm.s32 $0x9  }
0x8: {  	s25 =	simm.s32 $0xA;
	s28 =	simm.s32 $0xB;
	s16 =	simm.s32 $0x0  }
0x9: {  	s1 =	sand.u32 $0x1, s1;
	s3 =	sshll.u32 s8, $0x1;
	s5 =	smul.u32 $0xA000, s8  }
0xa: {  	[smem:$0x7FF] =	sst s4;
	s4 =	sadd.s32 $0x16C00, s0;
	s9 =	sadd.s32 $0x2A600, s0  }
0xb: {  	s15 =	sshll.u32 s8, $0x6;
	s8 =	simm.s32 $0xF;
	s3 =	sor.u32 s1, s3  }
0xc: {  	s6 =	smul.u32 $0xA0000, s1;
	_ =	strace $0x8000004D;
	s1 =	ssub.s32 $0x2, s1  }
0xd: {  	[dreg:$0x3] =	wrdreg s9;
	s15 =	sor.u32 $0x1C11, s15;
	s9 =	simm.s32 $0x10  }
0xe: {  	[dreg:$0x9] =	wrdreg s16;
	s3 =	smul.u32 $0x500, s3;
	s7 =	sshrl.u32 s1, $0x1  }
0xf: {  	s12 =	sadd.s32 s5, s2;
	s6 =	sadd.s32 s5, s6;
	s1 =	ssub.s32 s1, s7  }
0x10: {  	s12 =	sshrl.u32 s12, $0x3;
	s5 =	simm.s32 $0xC;
	s7 =	simm.s32 $0xE  }
0x11: {  	s3 =	sadd.s32 s3, s0;
	s6 =	sshrl.u32 s6, $0x3;
	s14 =	smax.u32 s1, $0x1  }
.Ltmp0:
0x12: {  	s1 =	simm.s32 $0x4;
	[dreg:$0x8] =	wrdreg s12;
	(pc) =	sbr.rel .LBB2_1-.Ltmp0, $4  }
0x13: {  	s0 =	sadd.s32 s6, s0;
	s11 =	sadd.s32 $0xCC00, s3;
	[dreg:$0x7] =	wrdreg s14  }
0x14: {  	s3 =	sadd.s32 $0x2000, s3;
	s14 =	simm.s32 $0x80;
	[dreg:$0x4] =	wrdreg s11  }
0x15: {  	s6 =	simm.s32 $0xD;
	[dreg:$0x5] =	wrdreg s3;
	s0 =	sadd.s32 $0x2BA00, s0  }
0x16: {  	s11 =	simm.s32 $0x5;
	[dreg:$0x6] =	wrdreg s0;
	s0 =	simm.s32 $0x3  }
.LBB2_3:
0x17: {  	_ =	swait.ge [sflag:s25], $0x2000  }
0x18: {  	[sflag:s25] =	ssyncset.done $0x0  }
0x19: {  	[sflag:s25] =	ssyncadd.s32 $0xFFFFE000  }
0x1a: {  	_ =	swait.ge [sflag:s28], $0x2000  }
0x1b: {  	[sflag:s28] =	ssyncset.done $0x0  }
0x1c: {  	[sflag:s28] =	ssyncadd.s32 $0xFFFFE000  }
0x1d: {  	_ =	swait.ge [sflag:s5], $0x2000  }
0x1e: {  	[sflag:s5] =	ssyncset.done $0x0  }
0x1f: {  	[sflag:s5] =	ssyncadd.s32 $0xFFFFE000  }
0x20: {  	_ =	swait.ge [sflag:s6], $0x2000  }
0x21: {  	[sflag:s6] =	ssyncset.done $0x0  }
0x22: {  	[sflag:s6] =	ssyncadd.s32 $0xFFFFE000  }
0x23: {  	_ =	swait.ge [sflag:s7], $0x2000  }
0x24: {  	[sflag:s7] =	ssyncset.done $0x0  }
0x25: {  	[sflag:s7] =	ssyncadd.s32 $0xFFFFE000  }
0x26: {  	_ =	swait.ge [sflag:s8], $0x2000  }
0x27: {  	[sflag:s8] =	ssyncset.done $0x0  }
0x28: {  	[sflag:s8] =	ssyncadd.s32 $0xFFFFE000  }
0x29: {  	_ =	swait.ge [sflag:s9], $0x2000  }
0x2a: {  	[sflag:s9] =	ssyncset.done $0x0  }
0x2b: {  	[sflag:s9] =	ssyncadd.s32 $0xFFFFE000  }
.LBB2_5:
0x2c: {  	[bflag:$0x0] =	sbarrier.arrive $0xFFFF  }
0x2d: {  	s10 =	rddreg [dreg:$0x6]  }
0x2e: {  	s13 =	simm.s32 $0x11;
	s12 =	rddreg [dreg:$0x8]  }
0x2f: {  	[hbm:s10], [sflag:s3] =	dma.local [spmem:s12], $0x1400  }
0x30: {  	_ =	swait.ge [sflag:s13], $0x1400  }
0x31: {  	s10 =	rddreg [dreg:$0x9]  }
0x32: {  	s15 =	smov.u32 s3;
	s16 =	rddreg [dreg:$0x7];
	s3 =	sadd.s32 $0x1, s10  }
0x33: {  	p0 =	sne.s32 s3, s16  }
.Ltmp1:
0x34: {  	_ = 	snop;
	(pc) =	sbr.rel @!p0 .LBB2_6-.Ltmp1, $3  }
0x35: {  	_ =	sdelay $0x1  }
0x36: {  	[sflag:s13] =	ssyncset.done $0x0  }
0x37: {  	[sflag:s13] =	ssyncadd.s32 $0xFFFFEC00;
	[dreg:$0x9] =	wrdreg s3  }
.LBB2_1:
0x38: {  	s3 =	simm.s32 $0x0;
	s16 =	rddreg [dreg:$0x4]  }
0x39: {  	[tilespmem:s3], [sflag:$0x11] =	stream.linear.gather [hbm4b:s16+s3], $0x2800, $0x38;
	[tilespmem:$0x1F000] =	vst v63  }
0x3a: {  	_ =	swait.ge [sflag:s13], $0x2800  }
0x3b: {  	s10 =	smov.u32 s12;
	s3 =	simm.s32 $0x2800;
	[sflag:s13] =	ssyncset.done $0x0  }
0x3c: {  	s16 =	simm.s32 $0x0;
	s12 =	rddreg [dreg:$0x5];
	[sflag:s13] =	ssyncadd.s32 $0xFFFFD800  }
0x3d: {  	[tilespmem:s3], [sflag:$0x11] =	stream.linear.gather [hbm4b:s12+s16], $0x2800, $0x38;
	[tilespmem:$0x1F000] =	vst v63  }
0x3e: {  	_ =	swait.ge [sflag:s13], $0x2800  }
0x3f: {  	[sflag:s13] =	ssyncset.done $0x0  }
0x40: {  	s3 =	rddreg [dreg:$0x3];
	[sflag:s13] =	ssyncadd.s32 $0xFFFFD800  }
0x41: {  	[spmem:s10], [sflag:s15] =	dma.local [hbm:s3], $0x1400  }
0x42: {  	_ =	swait.ge [sflag:s13], $0x1400  }
0x43: {  	[sflag:s13] =	ssyncset.done $0x0  }
0x44: {  	[sflag:s13] =	ssyncadd.s32 $0xFFFFEC00  }
0x45: {  	s16 =	simm.s32 $0x0;
	s13 =	simm.s32 $0x5000;
	[bflag:$0x0] =	sbarrier.arrive $0xFFFF  }
0x46: {  	[tilespmem:s13], [sflag:$0x1] =	stream.indirect.gather [hbm4b:s4+s14], $0x40, s16, s14, $0xb8;
	[tilespmem:$0x1F000] =	vst v63  }
0x47: {  	s16 =	simm.s32 $0x7000  }
0x48: {  	[tilespmem:s16], [sflag:$0x2] =	stream.indirect.gather [hbm4b:s4+s14], $0x40, s14, s14, $0xb8;
	[tilespmem:$0x1F000] =	vst v63  }
0x49: {  	s10 =	simm.s32 $0x100  }
0x4a: {  	[tilespmem:s18], [sflag:$0x3] =	stream.indirect.gather [hbm4b:s4+s14], $0x40, s10, s14, $0xb8;
	[tilespmem:$0x1F000] =	vst v63  }
0x4b: {  	s12 =	simm.s32 $0x180  }
0x4c: {  	[tilespmem:s20], [sflag:$0x4] =	stream.indirect.gather [hbm4b:s4+s14], $0x40, s12, s14, $0xb8;
	[tilespmem:$0x1F000] =	vst v63  }
0x4d: {  	s13 =	simm.s32 $0x200  }
0x4e: {  	[tilespmem:s22], [sflag:$0x5] =	stream.indirect.gather [hbm4b:s4+s14], $0x40, s13, s14, $0xb8;
	[tilespmem:$0x1F000] =	vst v63  }
0x4f: {  	s10 =	simm.s32 $0x280  }
0x50: {  	[tilespmem:s24], [sflag:$0x6] =	stream.indirect.gather [hbm4b:s4+s14], $0x40, s10, s14, $0xb8;
	[tilespmem:$0x1F000] =	vst v63  }
0x51: {  	s3 =	smov.u32 s15;
	s12 =	simm.s32 $0x300  }
0x52: {  	[tilespmem:s26], [sflag:$0x7] =	stream.indirect.gather [hbm4b:s4+s14], $0x40, s12, s14, $0xb8;
	[tilespmem:$0x1F000] =	vst v63  }
0x53: {  	s15 =	simm.s32 $0x5000;
	s13 =	simm.s32 $0x380;
	s12 =	simm.s32 $0x0  }
0x54: {  	[tilespmem:s29], [sflag:$0x8] =	stream.indirect.gather [hbm4b:s4+s14], $0x40, s13, s14, $0xb8;
	[tilespmem:$0x1F000] =	vst v63  }
.LBB2_2:
0x55: {  	_ =	swait.ge [sflag:s30], $0x2000  }
0x56: {  	s13 =	sshra.s32 s12, $0x2;
	[sflag:s30] =	ssyncset.done $0x0  }
0x57: {  	s10 =	sadd.s32 $0x2800, s13;
	[sflag:s30] =	ssyncadd.s32 $0xFFFFE000  }
0x58: {  	[spmem:s2] =	stream.indirect.scatter.add.f32 [tilespmem:s15], [sflag:$0x9], $0x40, s10, s14, $0xb8;
	[tilespmem:$0x1F000] =	vst v63  }
0x59: {  	_ =	swait.ge [sflag:s31], $0x2000  }
0x5a: {  	[sflag:s31] =	ssyncset.done $0x0  }
0x5b: {  	s10 =	sadd.s32 $0x2880, s13;
	[sflag:s31] =	ssyncadd.s32 $0xFFFFE000  }
0x5c: {  	[spmem:s2] =	stream.indirect.scatter.add.f32 [tilespmem:s16], [sflag:$0xA], $0x40, s10, s14, $0xb8;
	[tilespmem:$0x1F000] =	vst v63  }
0x5d: {  	_ =	swait.ge [sflag:s0], $0x2000  }
0x5e: {  	[sflag:s0] =	ssyncset.done $0x0  }
0x5f: {  	s10 =	sadd.s32 $0x2900, s13;
	[sflag:s0] =	ssyncadd.s32 $0xFFFFE000  }
0x60: {  	[spmem:s2] =	stream.indirect.scatter.add.f32 [tilespmem:s18], [sflag:$0xB], $0x40, s10, s14, $0xb8;
	[tilespmem:$0x1F000] =	vst v63  }
0x61: {  	_ =	swait.ge [sflag:s1], $0x2000  }
0x62: {  	[sflag:s1] =	ssyncset.done $0x0  }
0x63: {  	s10 =	sadd.s32 $0x2980, s13;
	[sflag:s1] =	ssyncadd.s32 $0xFFFFE000  }
0x64: {  	[spmem:s2] =	stream.indirect.scatter.add.f32 [tilespmem:s20], [sflag:$0xC], $0x40, s10, s14, $0xb8;
	[tilespmem:$0x1F000] =	vst v63  }
0x65: {  	_ =	swait.ge [sflag:s11], $0x2000  }
0x66: {  	[sflag:s11] =	ssyncset.done $0x0  }
0x67: {  	s10 =	sadd.s32 $0x2A00, s13;
	[sflag:s11] =	ssyncadd.s32 $0xFFFFE000  }
0x68: {  	[spmem:s2] =	stream.indirect.scatter.add.f32 [tilespmem:s22], [sflag:$0xD], $0x40, s10, s14, $0xb8;
	[tilespmem:$0x1F000] =	vst v63  }
0x69: {  	_ =	swait.ge [sflag:s17], $0x2000  }
0x6a: {  	[sflag:s17] =	ssyncset.done $0x0  }
0x6b: {  	s10 =	sadd.s32 $0x2A80, s13;
	[sflag:s17] =	ssyncadd.s32 $0xFFFFE000  }
0x6c: {  	[spmem:s2] =	stream.indirect.scatter.add.f32 [tilespmem:s24], [sflag:$0xE], $0x40, s10, s14, $0xb8;
	[tilespmem:$0x1F000] =	vst v63  }
0x6d: {  	_ =	swait.ge [sflag:s19], $0x2000  }
0x6e: {  	[sflag:s19] =	ssyncset.done $0x0  }
0x6f: {  	s10 =	sadd.s32 $0x2B00, s13;
	[sflag:s19] =	ssyncadd.s32 $0xFFFFE000  }
0x70: {  	[spmem:s2] =	stream.indirect.scatter.add.f32 [tilespmem:s26], [sflag:$0xF], $0x40, s10, s14, $0xb8;
	[tilespmem:$0x1F000] =	vst v63  }
0x71: {  	_ =	swait.ge [sflag:s21], $0x2000  }
0x72: {  	p0 =	sne.s32 s12, $0x9000;
	[sflag:s21] =	ssyncset.done $0x0  }
.Ltmp2:
0x73: {  	s10 =	sadd.s32 $0x2B80, s13;
	[sflag:s21] =	ssyncadd.s32 $0xFFFFE000;
	(pc) =	sbr.rel @!p0 .LBB2_3-.Ltmp2, $4  }
0x74: {  	[spmem:s2] =	stream.indirect.scatter.add.f32 [tilespmem:s29], [sflag:$0x10], $0x40, s10, s14, $0xb8;
	[tilespmem:$0x1F000] =	vst v63  }
0x75: {  	_ =	swait.ge [sflag:s23], $0x2000  }
0x76: {  	[sflag:s23] =	ssyncset.done $0x0  }
0x77: {  	[sflag:s23] =	ssyncadd.s32 $0xFFFFE000  }
0x78: {  	s10 =	sadd.s32 $0x400, s13  }
0x79: {  	[tilespmem:s15], [sflag:$0x1] =	stream.indirect.gather [hbm4b:s4+s14], $0x40, s10, s14, $0xb8;
	[tilespmem:$0x1F000] =	vst v63  }
0x7a: {  	_ =	swait.ge [sflag:s25], $0x2000  }
0x7b: {  	[sflag:s25] =	ssyncset.done $0x0  }
0x7c: {  	s10 =	sadd.s32 $0x480, s13;
	[sflag:s25] =	ssyncadd.s32 $0xFFFFE000  }
0x7d: {  	[tilespmem:s16], [sflag:$0x2] =	stream.indirect.gather [hbm4b:s4+s14], $0x40, s10, s14, $0xb8;
	[tilespmem:$0x1F000] =	vst v63  }
0x7e: {  	_ =	swait.ge [sflag:s28], $0x2000  }
0x7f: {  	[sflag:s28] =	ssyncset.done $0x0  }
0x80: {  	s10 =	sadd.s32 $0x500, s13;
	[sflag:s28] =	ssyncadd.s32 $0xFFFFE000  }
0x81: {  	[tilespmem:s18], [sflag:$0x3] =	stream.indirect.gather [hbm4b:s4+s14], $0x40, s10, s14, $0xb8;
	[tilespmem:$0x1F000] =	vst v63  }
0x82: {  	_ =	swait.ge [sflag:s5], $0x2000  }
0x83: {  	[sflag:s5] =	ssyncset.done $0x0  }
0x84: {  	s10 =	sadd.s32 $0x580, s13;
	[sflag:s5] =	ssyncadd.s32 $0xFFFFE000  }
0x85: {  	[tilespmem:s20], [sflag:$0x4] =	stream.indirect.gather [hbm4b:s4+s14], $0x40, s10, s14, $0xb8;
	[tilespmem:$0x1F000] =	vst v63  }
0x86: {  	_ =	swait.ge [sflag:s6], $0x2000  }
0x87: {  	[sflag:s6] =	ssyncset.done $0x0  }
0x88: {  	s10 =	sadd.s32 $0x600, s13;
	[sflag:s6] =	ssyncadd.s32 $0xFFFFE000  }
0x89: {  	[tilespmem:s22], [sflag:$0x5] =	stream.indirect.gather [hbm4b:s4+s14], $0x40, s10, s14, $0xb8;
	[tilespmem:$0x1F000] =	vst v63  }
0x8a: {  	_ =	swait.ge [sflag:s7], $0x2000  }
0x8b: {  	[sflag:s7] =	ssyncset.done $0x0  }
0x8c: {  	s10 =	sadd.s32 $0x680, s13;
	[sflag:s7] =	ssyncadd.s32 $0xFFFFE000  }
0x8d: {  	[tilespmem:s24], [sflag:$0x6] =	stream.indirect.gather [hbm4b:s4+s14], $0x40, s10, s14, $0xb8;
	[tilespmem:$0x1F000] =	vst v63  }
0x8e: {  	_ =	swait.ge [sflag:s8], $0x2000  }
0x8f: {  	s12 =	sadd.s32 $0x1000, s12;
	[sflag:s8] =	ssyncset.done $0x0  }
0x90: {  	p0 =	sne.s32 s12, $0xA000;
	s10 =	sadd.s32 $0x700, s13;
	[sflag:s8] =	ssyncadd.s32 $0xFFFFE000  }
0x91: {  	[tilespmem:s26], [sflag:$0x7] =	stream.indirect.gather [hbm4b:s4+s14], $0x40, s10, s14, $0xb8;
	[tilespmem:$0x1F000] =	vst v63  }
.Ltmp3:
0x92: {  	_ = 	snop;
	(pc) =	sbr.rel @p0 .LBB2_2-.Ltmp3, $4  }
.Ltmp4:
0x93: {  	_ =	swait.ge [sflag:s9], $0x2000;
	(pc) =	sbr.rel @!p0 .LBB2_5-.Ltmp4, $4  }
0x94: {  	[sflag:s9] =	ssyncset.done $0x0  }
0x95: {  	s13 =	sadd.s32 $0x780, s13;
	[sflag:s9] =	ssyncadd.s32 $0xFFFFE000  }
0x96: {  	[tilespmem:s29], [sflag:$0x8] =	stream.indirect.gather [hbm4b:s4+s14], $0x40, s13, s14, $0xb8;
	[tilespmem:$0x1F000] =	vst v63  }
0x97: {  	_ = 	snop  }
.LBB2_6:
0x98: {  	_ =	sfence.sel $0x180000  }
0x99: {  	[bflag:$0x0] =	sbarrier.arrive $0xFFFF  }
0x9a: {  	_ =	strace $0x9000004D  }
0x9b: {  	s0 =	stileid.u32;
	[bflag:$0x2] =	sbarrier.arrive $0xFFFF  }
0x9c: {  	p0 =	sne.s32 s0, $0x0;
	s0 =	rddreg [dreg:$0x2]  }
0x9d: {  	s0 =	sadd.s32 @!p0 $0x100000, s0  }
0x9e: {  	[sflag:s0] =	ssyncadd.tile.s32 @!p0 $0x1;
	_ =	shalt  }
.Lfunc_end2:
_tile_overlayer_lowered:
.L_overlay_start_2:
0x9f: {  	(tag) =	ssettag $0x2  }
0xa0: {  	s0 =	rddreg [dreg:$0x0];
	s2 =	stileid.u32  }
0xa1: {  	s1 =	rddreg [dreg:$0x1];
	p0 =	sne.s32 s2, $0x0  }
0xa2: {  	s3 =	rddreg [dreg:$0x2];
	[bflag:$0x3] =	sbarrier.arrive $0xFFFF;
	s2 =	simm.s32 @!p0 $0x1C11  }
0xa3: {  	[timem:s3], [sflag:s2] =	dma.local @!p0 [hbm:s0], s1  }
0xa4: {  	s0 =	simm.s32 @!p0 $0x11  }
0xa5: {  	_ =	swait.ge @!p0 [sflag:s0], s1  }
0xa6: {  	s1 =	ssub.s32 @!p0 $0x0, s1;
	[sflag:s0] =	ssyncset.done @!p0 $0x0  }
0xa7: {  	[sflag:s0] =	ssyncadd.s32 @!p0 s1  }
0xa8: {  	[bflag:$0x3] =	sbarrier.arrive $0xFFFF  }
0xa9: {  	_ =	shalt  }

// kernel: kernel.9.cloned.1.call-start
scs
__scs_entry_jumppad:
0x0: {  	(pc) =	sbr.rel $0x88, $3  }
0x1: {  	(tag) =	ssettag $0x0;
	lr =	simm.s32 $0x1  }
0x2: {  	[smem:$0x3F96] =	sst lr;
	_ =	strace $0xD0000000  }
0x3: {  	_ = 	snop  }
0x4: {  	_ = 	snop  }
0x5: {  	_ = 	snop  }
0x6: {  	_ = 	snop  }
0x7: {  	_ = 	snop  }
__scs_overlays_trampoline_lowered:
0x8: {  	[smem:$0x3FA5] =	sst s0  }
0x9: {  	[smem:$0x3FA6] =	sst s1  }
0xa: {  	[smem:$0x3FA7] =	sst s2  }
0xb: {  	[smem:$0x3FA8] =	sst s3  }
0xc: {  	[smem:$0x3FA9] =	sst s4  }
0xd: {  	[smem:$0x3FAA] =	sst s5  }
0xe: {  	[smem:$0x3FAB] =	sst s6  }
0xf: {  	[smem:$0x3FAC] =	sst s7  }
0x10: {  	[smem:$0x3FAD] =	sst s8  }
0x11: {  	[smem:$0x3FAE] =	sst s9;
	s0 =	simm.s32 @!p0 $0x0  }
0x12: {  	s1 =	sld [smem:$0x3F94];
	s0 =	simm.s32 @p0 $0x1  }
0x13: {  	[smem:$0x3FAF] =	sst s0;
	s0 =	simm.s32 @!p1 $0x0  }
0x14: {  	s2 =	sld [smem:$0x3F93];
	s0 =	simm.s32 @p1 $0x1  }
0x15: {  	[smem:$0x3FB0] =	sst s0;
	s0 =	simm.s32 @!p2 $0x0  }
0x16: {  	s3 =	sld [smem:$0x3FDB];
	s0 =	simm.s32 @p2 $0x1  }
0x17: {  	s4 =	simm.s32 $0x1BF5;
	[smem:$0x3FB2] =	sst s0  }
0x18: {  	s0 =	sld [smem:$0x3F95];
	_ =	swait.ge [sflag:s4], $0x0  }
0x19: {  	s7 =	sld [smem:$0x3F96]  }
0x1a: {  	s8 =	sadd.s32 $0xFFFFE003, lr  }
0x1b: {  	s9 =	sadd.s32 $0xFFFFFEF7, lr;
	s5 =	simm.s32 $0xFFFFFFFF;
	p2 =	slt.u32 s8, $0xFFFFF086  }
0x1c: {  	p1 =	slt.u32 s9, $0xF7A;
	s5 =	simm.s32 @!p2 $0x0  }
0x1d: {  	s5 =	simm.s32 @p1 $0x1;
	p0 =	seq.s32 s7, s2  }
0x1e: {  	s7 =	smul.u32 @!p0 $0xF7A, s2;
	p2 =	seq.s32 @!p0 s5, $0x0  }
0x1f: {  	s9 =	smul.u32 $0xF7A, s1;
	s8 =	simm.s32 @!p0 $0x1BF5;
	p2 =	por !p2, p0  }
0x20: {  	[sflag:s8] =	ssyncset.s32 @!p0 $0xFFFFF086;
	s6 =	sadd.s32 @!p0 s3, s7;
	s7 =	simm.s32 @!p0 $0x108  }
0x21: {  	s3 =	sadd.s32 s3, s9;
	s6 =	sadd.s32 @!p0 $0x88, s6;
	s7 =	simm.s32 @p2 $0x1082  }
0x22: {  	[simem:s7], [sflag:s8] =	dma.local @!p0 [hbm:s6], $0xF7A  }
0x23: {  	s9 =	sor.u32 $0xD0000000, s2;
	s6 =	simm.s32 $0x108;
	_ =	swait.ge @!p0 [sflag:s8], $0x0  }
0x24: {  	s3 =	sadd.s32 $0x88, s3;
	s6 =	simm.s32 @!p1 $0x1082;
	[sflag:s4] =	ssyncset.s32 $0xFFFFF086  }
0x25: {  	[simem:s6], [sflag:s4] =	dma.local [hbm:s3], $0xF7A  }
0x26: {  	[smem:$0x3F96] =	sst s1;
	(tag) =	ssettag s2;
	_ =	strace s9  }
0x27: {  	s1 =	sld [smem:$0x3FA6]  }
0x28: {  	s2 =	sld [smem:$0x3FA7]  }
0x29: {  	s4 =	sld [smem:$0x3FA9]  }
0x2a: {  	p0 =	seq.s32 s5, $0x0;
	s5 =	sld [smem:$0x3FAA]  }
0x2b: {  	s6 =	sld [smem:$0x3FAB]  }
0x2c: {  	s7 =	sld [smem:$0x3FAC]  }
0x2d: {  	s3 =	simm.s32 $0x108;
	s8 =	sld [smem:$0x3FAD]  }
0x2e: {  	s3 =	simm.s32 @!p0 $0x1082;
	s9 =	sld [smem:$0x3FAE]  }
0x2f: {  	lr =	sadd.s32 s0, s3;
	s0 =	sld [smem:$0x3FA5]  }
0x30: {  	s3 =	sld [smem:$0x3FA8]  }
0x31: {  	[smem:$0x3FB1] =	sst s10  }
0x32: {  	s10 =	sld [smem:$0x3FAF];
	_ =	sdelay $0x3  }
0x33: {  	p0 =	seq.s32 s10, $0x1;
	s10 =	sld [smem:$0x3FB1];
	_ =	sdelay $0x3  }
0x34: {  	[smem:$0x3FB1] =	sst s10  }
0x35: {  	s10 =	sld [smem:$0x3FB0];
	_ =	sdelay $0x3  }
0x36: {  	p1 =	seq.s32 s10, $0x1;
	s10 =	sld [smem:$0x3FB1];
	_ =	sdelay $0x3  }
0x37: {  	[smem:$0x3FB1] =	sst s10  }
0x38: {  	s10 =	sld [smem:$0x3FB2]  }
0x39: {  	_ = 	snop;
	(pc) =	sbr.ind lr, $3  }
0x3a: {  	_ = 	snop  }
0x3b: {  	_ = 	snop  }
0x3c: {  	p2 =	seq.s32 s10, $0x1;
	s10 =	sld [smem:$0x3FB1]  }
0x3d: {  	_ =	shalt  }
0x3e: {  	_ =	shalt  }
0x3f: {  	_ =	shalt  }
0x40: {  	_ =	shalt  }
0x41: {  	_ =	shalt  }
0x42: {  	_ =	shalt  }
0x43: {  	_ =	shalt  }
0x44: {  	_ =	shalt  }
0x45: {  	_ =	shalt  }
0x46: {  	_ =	shalt  }
0x47: {  	_ =	shalt  }
0x48: {  	_ =	shalt  }
0x49: {  	_ =	shalt  }
0x4a: {  	_ =	shalt  }
0x4b: {  	_ =	shalt  }
0x4c: {  	_ =	shalt  }
0x4d: {  	_ =	shalt  }
0x4e: {  	_ =	shalt  }
0x4f: {  	_ =	shalt  }
0x50: {  	_ =	shalt  }
0x51: {  	_ =	shalt  }
0x52: {  	_ =	shalt  }
0x53: {  	_ =	shalt  }
0x54: {  	_ =	shalt  }
0x55: {  	_ =	shalt  }
0x56: {  	_ =	shalt  }
0x57: {  	_ =	shalt  }
0x58: {  	_ =	shalt  }
0x59: {  	_ =	shalt  }
0x5a: {  	_ =	shalt  }
0x5b: {  	_ =	shalt  }
0x5c: {  	_ =	shalt  }
0x5d: {  	_ =	shalt  }
0x5e: {  	_ =	shalt  }
0x5f: {  	_ =	shalt  }
0x60: {  	_ =	shalt  }
0x61: {  	_ =	shalt  }
0x62: {  	_ =	shalt  }
0x63: {  	_ =	shalt  }
0x64: {  	_ =	shalt  }
0x65: {  	_ =	shalt  }
0x66: {  	_ =	shalt  }
0x67: {  	_ =	shalt  }
0x68: {  	_ =	shalt  }
0x69: {  	_ =	shalt  }
0x6a: {  	_ =	shalt  }
0x6b: {  	_ =	shalt  }
0x6c: {  	_ =	shalt  }
0x6d: {  	_ =	shalt  }
0x6e: {  	_ =	shalt  }
0x6f: {  	_ =	shalt  }
0x70: {  	_ =	shalt  }
0x71: {  	_ =	shalt  }
0x72: {  	_ =	shalt  }
0x73: {  	_ =	shalt  }
0x74: {  	_ =	shalt  }
0x75: {  	_ =	shalt  }
0x76: {  	_ =	shalt  }
0x77: {  	_ =	shalt  }
0x78: {  	_ =	shalt  }
0x79: {  	_ =	shalt  }
0x7a: {  	_ =	shalt  }
0x7b: {  	_ =	shalt  }
0x7c: {  	_ =	shalt  }
0x7d: {  	_ =	shalt  }
0x7e: {  	_ =	shalt  }
0x7f: {  	_ =	shalt  }
0x80: {  	_ =	shalt  }
0x81: {  	_ =	shalt  }
0x82: {  	_ =	shalt  }
0x83: {  	_ =	shalt  }
0x84: {  	_ =	shalt  }
0x85: {  	_ =	shalt  }
0x86: {  	_ =	shalt  }
0x87: {  	_ =	shalt  }
.Lfunc_end0:
.L_simem_size_0:
called_computation_lowered:
.L_overlay_start_0:
0x88: {  	s2 =	sld [smem:$0x3FD9]  }
0x89: {  	s3 =	sld [smem:$0x3FFE];
	_ =	sdelay $0x1  }
0x8a: {  	s1 =	srdreg.scid  }
0x8b: {  	s0 =	sand.u32 $0x1, s1  }
0x8c: {  	s16 =	sshll.u32 s0, $0xA;
	s2 =	sadd.s32 s3, s2  }
0x8d: {  	s2 =	sadd.s32 s2, s16  }
0x8e: {  	[smem:$0x3FBD] =	sst s2  }
0x8f: {  	_ = 	snop  }
0x90: {  	(tm) =	ssettm $0x1  }
0x91: {  	s17 =	sld [smem:$0x3FFB];
	_ =	sdelay $0x3  }
0x92: {  	_ =	strace s17  }
0x93: {  	s2 =	sld [smem:$0x3FFC];
	_ =	sdelay $0x3  }
0x94: {  	_ =	strace s2  }
0x95: {  	s2 =	sld [smem:$0x3FFD];
	_ =	sdelay $0x3  }
0x96: {  	_ =	strace s2  }
0x97: {  	_ =	strace $0x8FFFFFFF  }
0x98: {  	s18 =	sld [smem:$0x3FDB];
	_ =	sdelay $0x1  }
0x99: {  	s19 =	simm.s32 $_scs_section_size  }
0x9a: {  	s4 =	simm.s32 $_size__tile_overlayer_lowered;
	s5 =	simm.s32 $_tile_overlayer_lowered  }
0x9b: {  	s22 =	simm.s32 $0x1BFF;
	s21 =	sshll.u32 s5, $0x1;
	s2 =	sadd.s32 s19, s18  }
0x9c: {  	s6 =	simm.s32 $0x0;
	s20 =	sshll.u32 s4, $0x1;
	s4 =	sadd.s32 s21, s2  }
0x9d: {  	[timem:s6], [sflag:s22] =	dma.local [hbm:s4], s20  }
0x9e: {  	_ =	swait.ge [sflag:s22], s20  }
0x9f: {  	s3 =	ssub.s32 $0x0, s20;
	[sflag:s22] =	ssyncset.done $0x0  }
0xa0: {  	[sflag:s22] =	ssyncadd.s32 s3;
	_ =	sdelay $0x1  }
0xa1: {  	s23 =	simm.s32 $0x1B8B  }
0xa2: {  	_ =	swait.ge [sflag:s23], $0x1  }
0xa3: {  	[sflag:s23] =	ssyncset.done $0x0  }
0xa4: {  	s25 =	simm.s32 $0x1B8E;
	s24 =	sld [smem:$0x3FFE];
	[sflag:s23] =	ssyncadd.s32 $0xFFFFFFFF  }
0xa5: {  	s26 =	simm.s32 $execute0_lowered;
	[smem:$0x3FD2] =	sst s25  }
0xa6: {  	s4 =	sshll.u32 s26, $0x1;
	_ =	strace $0x80000046;
	[dreg:$0x1] =	wrdreg $0xFFFFFFFF  }
0xa7: {  	s28 =	simm.s32 $_size_execute0_lowered;
	s2 =	sadd.s32 s2, s4;
	[dreg:$0x0] =	wrdreg $0x0  }
0xa8: {  	s4 =	sshll.u32 s28, $0x1;
	[dreg:$0x2] =	wrdreg s2  }
0xa9: {  	[dreg:$0x3] =	wrdreg s4  }
0xaa: {  	[dreg:$0x4] =	wrdreg $0xC0  }
0xab: {  	_ =	task [dreg:s6], $0x5FFFF  }
0xac: {  	[dreg:$0x1] =	wrdreg $0xFFFFFFFF  }
0xad: {  	[dreg:$0x0] =	wrdreg $0x60  }
0xae: {  	[dreg:$0x2] =	wrdreg s24  }
0xaf: {  	[dreg:$0x3] =	wrdreg $0x28800  }
0xb0: {  	[dreg:$0x4] =	wrdreg $0x9  }
0xb1: {  	_ =	task.clear_ibuf [dreg:s6], $0x5FFFF;
	_ =	strace $0x90000046  }
0xb2: {  	s29 =	simm.s32 $0x9;
	_ =	strace $0x80000048  }
0xb3: {  	_ =	swait.ge [sflag:s29], $0x1  }
0xb4: {  	[sflag:s29] =	ssyncadd.s32 $0xFFFFFFFF  }
0xb5: {  	_ =	strace $0x90000048  }
0xb6: {  	_ =	sfence  }
0xb7: {  	s30 =	sld [smem:$0x0];
	_ =	sdelay $0x2  }
0xb8: {  	s31 =	sshll.u32 s1, $0xD;
	s1 =	sshrl.u32 s1, $0x2  }
0xb9: {  	s3 =	sand.u32 $0x4000, s31;
	s1 =	sadd.s32 s1, s30  }
0xba: {  	s0 =	sor.u32 s3, s0;
	s1 =	sshll.u32 s1, $0x11  }
0xbb: {  	s0 =	sor.u32 s1, s0  }
0xbc: {  	s0 =	sadd.s32 $0x8F2B, s0  }
0xbd: {  	[sflag:s0] =	ssyncadd.remote.s32 $0x1  }
0xbe: {  	_ =	sfence.sel $0xFFFF  }
0xbf: {  	[dreg:$0x0] =	wrdreg $0xFFFFFFFF;
	(pc) =	sbr.abs _section_cstart, $3  }
0xc0: {  	[dreg:$0x1] =	wrdreg $0xFFFFFFFF  }
0xc1: {  	_ =	task.clear_ibuf [dreg:s6], $0x2FFFF;
	_ =	strace $0x9FFFFFFF  }
0xc2: {  	(tm) =	ssettm $0x7FFFFFFF  }
0xc3: {  	_ =	shalt  }
tec
execute0_lowered:
.L_overlay_start_1:
0x0: {  	(tag) =	ssettag $0x1  }
0x1: {  	s5 =	rddreg [dreg:$0x0]  }
0x2: {  	s2 =	rddreg [dreg:$0x1]  }
0x3: {  	s0 =	rddreg [dreg:$0x2];
	s3 =	srdreg.scid  }
0x4: {  	s1 =	stileid.u32;
	s11 =	simm.s32 $0x80;
	s12 =	simm.s32 $0x2800  }
0x5: {  	s13 =	simm.s32 $0x1;
	s14 =	simm.s32 $0x0;
	s4 =	sand.u32 $0x1, s3  }
0x6: {  	s6 =	sshll.u32 s1, $0x1;
	s7 =	smul.u32 $0x280, s1;
	s3 =	simm.s32 $0x0  }
0x7: {  	s31 =	sshll.u32 s1, $0x6;
	s6 =	sor.u32 s4, s6;
	s8 =	smul.u32 $0x2800, s4  }
0x8: {  	[smem:$0x7FF] =	sst s3;
	s9 =	ssub.s32 $0x2, s4;
	s4 =	sadd.s32 $0xC000, s5  }
0x9: {  	s6 =	smul.u32 $0x500, s6;
	_ =	strace $0x80000047;
	s10 =	sshrl.u32 s9, $0x1  }
0xa: {  	s30 =	sadd.s32 s7, s2;
	s8 =	sadd.s32 s7, s8;
	s9 =	ssub.s32 s9, s10  }
0xb: {  	s10 =	sshrl.u32 s30, $0x3;
	s6 =	sadd.s32 s6, s5;
	s8 =	sshrl.u32 s8, $0x3  }
0xc: {  	s7 =	smax.u32 s9, $0x1;
	s9 =	sor.u32 $0x1C02, s31;
	s8 =	sadd.s32 s8, s5  }
0xd: {  	v0 =	vimm.f32 $1.000000000e+00;
	s5 =	sadd.s32 $0x2000, s6;
	s6 =	sadd.s32 $0xC200, s8;
	s8 =	simm.s32 $0x2  }
.LBB2_1:
0xe: {  	[tilespmem:$0x2800] =	vst v0  }
0xf: {  	[tilespmem:$0x2810] =	vst v0  }
0x10: {  	[tilespmem:$0x2820] =	vst v0  }
0x11: {  	[tilespmem:$0x2830] =	vst v0  }
0x12: {  	[tilespmem:$0x2840] =	vst v0  }
0x13: {  	[tilespmem:$0x2850] =	vst v0  }
0x14: {  	[tilespmem:$0x2860] =	vst v0  }
0x15: {  	[tilespmem:$0x2870] =	vst v0  }
0x16: {  	[tilespmem:s3], [sflag:$0x2] =	stream.linear.gather [hbm4b:s5+s3], $0x2800, $0x38;
	[tilespmem:$0x2B00] =	vst v63  }
0x17: {  	_ =	swait.ge [sflag:s8], $0x2800  }
0x18: {  	[sflag:s8] =	ssyncset.done $0x0  }
0x19: {  	[sflag:s8] =	ssyncadd.s32 $0xFFFFD800  }
0x1a: {  	[spmem:s10], [sflag:s9] =	dma.local [hbm:s4], $0x50  }
0x1b: {  	_ =	swait.ge [sflag:s8], $0x50  }
0x1c: {  	[sflag:s8] =	ssyncset.done $0x0  }
0x1d: {  	[sflag:s8] =	ssyncadd.s32 $0xFFFFFFB0  }
0x1e: {  	s15 =	simm.s32 $0x0;
	[bflag:$0x0] =	sbarrier.arrive $0xFFFF  }
.LBB2_2:
0x1f: {  	p0 =	sne.s32 s15, $0x9E00  }
.Ltmp0:
0x20: {  	_ = 	snop;
	(pc) =	sbr.rel @p0 .LBB2_2-.Ltmp0, $3  }
0x21: {  	_ =	sdelay $0x1  }
0x22: {  	s16 =	sshra.s32 s15, $0x2;
	s15 =	sadd.s32 $0x200, s15  }
0x23: {  	[spmem:s2] =	stream.indirect.scatter.add.f32 [tilespmem:s12], [sflag:$0x1], $0x1, s16, s11, $0xb8;
	[tilespmem:$0x2B00] =	vst v63  }
0x24: {  	_ =	swait.ge [sflag:s13], $0x80  }
0x25: {  	s15 =	simm.s32 $0x4F;
	[sflag:s13] =	ssyncset.done $0x0  }
.LBB2_4:
0x26: {  	p0 =	sne.s32 s15, $0x1;
	s15 =	sadd.s32 $0xFFFFFFFF, s15;
	[sflag:s13] =	ssyncadd.s32 $0xFFFFFF80  }
.Ltmp1:
0x27: {  	(pc) =	sbr.rel @p0 .LBB2_4-.Ltmp1, $3  }
0x28: {  	_ =	sdelay $0x1  }
0x29: {  	_ =	swait.ge [sflag:s13], $0x80  }
0x2a: {  	[sflag:s13] =	ssyncset.done $0x0  }
0x2b: {  	s14 =	sadd.s32 $0x1, s14  }
0x2c: {  	[sflag:s13] =	ssyncadd.s32 $0xFFFFFF80;
	p0 =	sne.s32 s14, s7  }
.Ltmp2:
0x2d: {  	[bflag:$0x0] =	sbarrier.arrive $0xFFFF;
	(pc) =	sbr.rel @p0 .LBB2_1-.Ltmp2, $4  }
0x2e: {  	[hbm:s6], [sflag:s9] =	dma.local [spmem:s10], $0x50  }
0x2f: {  	_ =	swait.ge [sflag:s8], $0x50  }
0x30: {  	[sflag:s8] =	ssyncset.done $0x0  }
0x31: {  	[sflag:s8] =	ssyncadd.s32 $0xFFFFFFB0  }
0x32: {  	_ =	sfence.sel $0x180000  }
0x33: {  	[bflag:$0x0] =	sbarrier.arrive $0xFFFF  }
0x34: {  	p0 =	sne.s32 s1, $0x0;
	_ =	strace $0x90000047  }
0x35: {  	s0 =	sadd.s32 @!p0 $0x100000, s0;
	[bflag:$0x2] =	sbarrier.arrive $0xFFFF  }
0x36: {  	[sflag:s0] =	ssyncadd.tile.s32 @!p0 $0x1;
	_ =	shalt  }
.Lfunc_end2:
_tile_overlayer_lowered:
.L_overlay_start_2:
0x37: {  	(tag) =	ssettag $0x2  }
0x38: {  	s0 =	rddreg [dreg:$0x0];
	s2 =	stileid.u32  }
0x39: {  	s1 =	rddreg [dreg:$0x1];
	p0 =	sne.s32 s2, $0x0  }
0x3a: {  	s3 =	rddreg [dreg:$0x2];
	[bflag:$0x3] =	sbarrier.arrive $0xFFFF;
	s2 =	simm.s32 @!p0 $0x1C02  }
0x3b: {  	[timem:s3], [sflag:s2] =	dma.local @!p0 [hbm:s0], s1  }
0x3c: {  	s0 =	simm.s32 @!p0 $0x2  }
0x3d: {  	_ =	swait.ge @!p0 [sflag:s0], s1  }
0x3e: {  	s1 =	ssub.s32 @!p0 $0x0, s1;
	[sflag:s0] =	ssyncset.done @!p0 $0x0  }
0x3f: {  	[sflag:s0] =	ssyncadd.s32 @!p0 s1  }
0x40: {  	[bflag:$0x3] =	sbarrier.arrive $0xFFFF  }
0x41: {  	_ =	shalt  }

</sc_bundles>
